<compile_context>
chip_gen: v7x
topology: tpu7x:2x2x1
jax: 0.10.2.dev20260603
libtpu: 0.0.44.dev20260713+nightly
codegen_flags: <defaults>
</compile_context>

<pallas_src>
import functools

import jax
import jax.numpy as jnp
from jax import lax
from jax.experimental import pallas as pl
from jax.experimental.pallas import tpu as pltpu
from jax.experimental.pallas import tpu_sc as plsc

_N = 10000
_NPAD = 10112
_E = 320000
_CHUNK = 128
_NS = 16
_CPT = 160
_EPAD = _CHUNK * _NS * _CPT
_NCHUNK = _EPAD // _CHUNK
_RPT = _NPAD // _NS
_ZROWS = 128
_BM = 400
_SCHUNK = _E // _CHUNK
_SCPT = -(-_SCHUNK // _NS)


def _leaky(t):
    return jnp.where(t >= 0, t, 0.01 * t)



_DCPW = _NCHUNK // 32


def _deg_body(dst_hbm, out_hbm, didx_all, d0, d1, d2, d3, d4, d5, d6, d7,
              ones, zbuf, acc, sem):
    dbufs = (d0, d1, d2, d3, d4, d5, d6, d7)
    c = lax.axis_index("c")
    s = lax.axis_index("s")
    wid = c * _NS + s

    def fillz(i, carry):
        zbuf[pl.ds(i * 16, 16)] = jnp.zeros((16,), jnp.float32)
        return carry

    lax.fori_loop(0, 40, fillz, 0)

    def fill1(i, carry):
        ones[pl.ds(i * 16, 16)] = jnp.ones((16,), jnp.float32)
        return carry

    lax.fori_loop(0, _CHUNK // 16, fill1, 0)

    pltpu.sync_copy(zbuf.at[pl.ds(0, _RPT)], acc.at[pl.ds(s * _RPT, _RPT)])
    pltpu.sync_copy(dst_hbm.at[pl.ds(wid * _DCPW, _DCPW)], didx_all)
    plsc.subcore_barrier()

    def wave(j8, carry):
        for b in range(8):
            j = j8 * 8 + b
            for t in range(_CHUNK // 16):
                dbufs[b][pl.ds(t * 16, 16)] = didx_all[j, pl.ds(t * 16, 16)]
            pltpu.async_copy(ones, acc.at[dbufs[b]], sem, add=True)
        for b in range(8):
            pltpu.make_async_copy(ones, acc.at[dbufs[0]], sem).wait()
        return carry

    lax.fori_loop(0, _DCPW // 8, wave, 0)
    plsc.subcore_barrier()

    @pl.when(s == 0)
    def _():
        pltpu.sync_copy(acc, out_hbm.at[c])


_deg = functools.partial(
    pl.kernel,
    out_type=jax.ShapeDtypeStruct((2, _NPAD), jnp.float32),
    mesh=plsc.VectorSubcoreMesh(core_axis_name="c", subcore_axis_name="s"),
    scratch_types=[
        pltpu.VMEM((_DCPW, _CHUNK), jnp.int32),
    ] + [pltpu.VMEM((_CHUNK,), jnp.int32)] * 8 + [
        pltpu.VMEM((_CHUNK,), jnp.float32),
        pltpu.VMEM((640,), jnp.float32),
        pltpu.VMEM_SHARED((_NPAD,), jnp.float32),
        pltpu.SemaphoreType.DMA,
    ],
)(_deg_body)


def _zero_acc(zbuf, acc, s, hw):
    def fillz(i, carry):
        for l in range(hw // 16):
            zbuf[i, pl.ds(l * 16, 16)] = jnp.zeros((16,), jnp.float32)
        return carry

    lax.fori_loop(0, _ZROWS, fillz, 0)
    for k in range(_RPT // _ZROWS):
        pltpu.sync_copy(zbuf, acc.at[pl.ds(s * _RPT + k * _ZROWS, _ZROWS)])
    tail = _RPT - (_RPT // _ZROWS) * _ZROWS
    if tail:
        pltpu.sync_copy(
            zbuf.at[pl.ds(0, tail)],
            acc.at[pl.ds(s * _RPT + (_RPT // _ZROWS) * _ZROWS, tail)])


def _scatter128_body(y_hbm, src_hbm, dst_hbm, out0, out1,
                     si0, si1, gi0, gi1, di0, di1,
                     rb0, rb1, zbuf, acc, gs0, gs1):
    c = lax.axis_index("c")
    s = lax.axis_index("s")

    _zero_acc(zbuf, acc, s, 128)
    plsc.subcore_barrier()

    sis, gis, dis_ = (si0, si1), (gi0, gi1), (di0, di1)
    rbs, gss = (rb0, rb1), (gs0, gs1)

    def prep(j, b):
        ch = s + _NS * j
        pltpu.sync_copy(src_hbm.at[pl.ds(ch * _CHUNK, _CHUNK)], sis[b])
        pltpu.sync_copy(dst_hbm.at[pl.ds(ch * _CHUNK, _CHUNK)], dis_[b])
        for t in range(_CHUNK // 16):
            sv = sis[b][pl.ds(t * 16, 16)]
            gis[b][pl.ds(t * 16, 16)] = sv * 2 + c
        pltpu.async_copy(y_hbm.at[gis[b]], rbs[b], gss[b])

    def finish(b):
        pltpu.make_async_copy(y_hbm.at[gis[b]], rbs[b], gss[b]).wait()
        pltpu.sync_copy(rbs[b], acc.at[dis_[b]], add=True)

    def valid(j):
        return s + _NS * j < _SCHUNK

    prep(0, 0)

    def pair(j2, carry):
        j = 2 * j2

        @pl.when(valid(j + 1))
        def _():
            prep(j + 1, 1)

        @pl.when(valid(j))
        def _():
            finish(0)

        @pl.when(valid(j + 2))
        def _():
            prep(j + 2, 0)

        @pl.when(valid(j + 1))
        def _():
            finish(1)

        return carry

    lax.fori_loop(0, (_SCPT + 1) // 2, pair, 0)
    plsc.subcore_barrier()

    @pl.when(c == 0)
    def _():
        pltpu.sync_copy(acc.at[pl.ds(s * _RPT, _RPT)],
                        out0.at[pl.ds(s * _RPT, _RPT)])

    @pl.when(c == 1)
    def _():
        pltpu.sync_copy(acc.at[pl.ds(s * _RPT, _RPT)],
                        out1.at[pl.ds(s * _RPT, _RPT)])


_scatter128 = functools.partial(
    pl.kernel,
    out_type=(jax.ShapeDtypeStruct((_NPAD, 128), jnp.float32),
              jax.ShapeDtypeStruct((_NPAD, 128), jnp.float32)),
    mesh=plsc.VectorSubcoreMesh(core_axis_name="c", subcore_axis_name="s"),
    scratch_types=[
        pltpu.VMEM((_CHUNK,), jnp.int32),
        pltpu.VMEM((_CHUNK,), jnp.int32),
        pltpu.VMEM((_CHUNK,), jnp.int32),
        pltpu.VMEM((_CHUNK,), jnp.int32),
        pltpu.VMEM((_CHUNK,), jnp.int32),
        pltpu.VMEM((_CHUNK,), jnp.int32),
        pltpu.VMEM((_CHUNK, 128), jnp.float32),
        pltpu.VMEM((_CHUNK, 128), jnp.float32),
        pltpu.VMEM((_ZROWS, 128), jnp.float32),
        pltpu.VMEM_SHARED((_NPAD, 128), jnp.float32),
        pltpu.SemaphoreType.DMA,
        pltpu.SemaphoreType.DMA,
    ],
)(_scatter128_body)


_ECPT = _NCHUNK // 32


def _scatter_edges_body(y_hbm, src_hbm, dst_hbm, out0, out1,
                        si0, si1, di0, di1,
                        rb0, rb1, zbuf, acc, gs0, gs1):
    c = lax.axis_index("c")
    s = lax.axis_index("s")

    _zero_acc(zbuf, acc, s, 128)
    plsc.subcore_barrier()

    sis, dis_ = (si0, si1), (di0, di1)
    rbs, gss = (rb0, rb1), (gs0, gs1)

    def prep(j, b):
        ch = 2 * (s + _NS * j) + c
        pltpu.sync_copy(src_hbm.at[pl.ds(ch * _CHUNK, _CHUNK)], sis[b])
        pltpu.sync_copy(dst_hbm.at[pl.ds(ch * _CHUNK, _CHUNK)], dis_[b])
        pltpu.async_copy(y_hbm.at[sis[b]], rbs[b], gss[b])

    def finish(b):
        pltpu.make_async_copy(y_hbm.at[sis[b]], rbs[b], gss[b]).wait()
        pltpu.sync_copy(rbs[b], acc.at[dis_[b]], add=True)

    def valid(j):
        return s + _NS * j < _SCHUNK // 2

    prep(0, 0)

    def pair(j2, carry):
        j = 2 * j2

        @pl.when(valid(j + 1))
        def _():
            prep(j + 1, 1)

        @pl.when(valid(j))
        def _():
            finish(0)

        @pl.when(valid(j + 2))
        def _():
            prep(j + 2, 0)

        @pl.when(valid(j + 1))
        def _():
            finish(1)

        return carry

    npairs = (-(-(_SCHUNK // 2) // _NS) + 1) // 2
    lax.fori_loop(0, npairs, pair, 0)
    plsc.subcore_barrier()

    @pl.when(c == 0)
    def _():
        pltpu.sync_copy(acc.at[pl.ds(s * _RPT, _RPT)],
                        out0.at[pl.ds(s * _RPT, _RPT)])

    @pl.when(c == 1)
    def _():
        pltpu.sync_copy(acc.at[pl.ds(s * _RPT, _RPT)],
                        out1.at[pl.ds(s * _RPT, _RPT)])


_scatter_edges = functools.partial(
    pl.kernel,
    out_type=(jax.ShapeDtypeStruct((_NPAD, 128), jnp.float32),
              jax.ShapeDtypeStruct((_NPAD, 128), jnp.float32)),
    mesh=plsc.VectorSubcoreMesh(core_axis_name="c", subcore_axis_name="s"),
    scratch_types=[
        pltpu.VMEM((_CHUNK,), jnp.int32),
        pltpu.VMEM((_CHUNK,), jnp.int32),
        pltpu.VMEM((_CHUNK,), jnp.int32),
        pltpu.VMEM((_CHUNK,), jnp.int32),
        pltpu.VMEM((_CHUNK, 128), jnp.float32),
        pltpu.VMEM((_CHUNK, 128), jnp.float32),
        pltpu.VMEM((_ZROWS, 128), jnp.float32),
        pltpu.VMEM_SHARED((_NPAD, 128), jnp.float32),
        pltpu.SemaphoreType.DMA,
        pltpu.SemaphoreType.DMA,
    ],
)(_scatter_edges_body)



def _dense_body(x_ref, w1_ref, b1_ref, w2_ref, b2_ref, wc1_ref, deg_ref, y_ref):
    h = _leaky(jnp.dot(x_ref[...], w1_ref[...],
                       preferred_element_type=jnp.float32) + b1_ref[...])
    h = _leaky(jnp.dot(h, w2_ref[...],
                       preferred_element_type=jnp.float32) + b2_ref[...])
    xw = jnp.dot(h, wc1_ref[...], preferred_element_type=jnp.float32)
    dis = lax.rsqrt(deg_ref[...] + 1.0)
    y_ref[...] = xw * dis


def _mid_body(agg0_ref, agg1_ref, y_ref, deg_ref, bc1_ref, wc2_ref,
              e1_ref, y2_ref):
    dis = lax.rsqrt(deg_ref[...] + 1.0)
    agg = jnp.concatenate([agg0_ref[...], agg1_ref[...]], axis=1)
    e1 = _leaky(dis * (agg + y_ref[...]) + bc1_ref[...])
    e1_ref[...] = e1
    y2_ref[...] = jnp.dot(e1, wc2_ref[...],
                          preferred_element_type=jnp.float32) * dis


def _final_body(agg0_ref, agg1_ref, y2_ref, deg_ref, bc2_ref, e2_ref):
    dis = lax.rsqrt(deg_ref[...] + 1.0)
    agg = agg0_ref[...] + agg1_ref[...]
    e2_ref[...] = _leaky(dis * (agg + y2_ref[...]) + bc2_ref[...])


def _row_spec(w):
    return pl.BlockSpec((_BM, w), lambda i: (i, 0))


def _full_spec(h, w):
    return pl.BlockSpec((h, w), lambda i: (0, 0))


_GRID = _N // _BM

_dense = pl.pallas_call(
    _dense_body,
    grid=(_GRID,),
    in_specs=[_row_spec(128), _full_spec(128, 256), _full_spec(1, 256),
              _full_spec(256, 256), _full_spec(1, 256), _full_spec(256, 256),
              _row_spec(1)],
    out_specs=_row_spec(256),
    out_shape=jax.ShapeDtypeStruct((_N, 256), jnp.float32),
)

_mid = pl.pallas_call(
    _mid_body,
    grid=(_GRID,),
    in_specs=[_row_spec(128), _row_spec(128), _row_spec(256), _row_spec(1),
              _full_spec(1, 256), _full_spec(256, 128)],
    out_specs=(_row_spec(256), _row_spec(128)),
    out_shape=(jax.ShapeDtypeStruct((_N, 256), jnp.float32),
               jax.ShapeDtypeStruct((_N, 128), jnp.float32)),
)

_final = pl.pallas_call(
    _final_body,
    grid=(_GRID,),
    in_specs=[_row_spec(128), _row_spec(128), _row_spec(128), _row_spec(1),
              _full_spec(1, 128)],
    out_specs=_row_spec(128),
    out_shape=jax.ShapeDtypeStruct((_N, 128), jnp.float32),
)


def kernel(x, edge_index, W1, b1, W2, b2, Wc1, bc1, Wc2, bc2, prev1, prev2):
    npad = _EPAD - _E
    src = edge_index[0]
    dst = edge_index[1]
    pad_dst = _N + jnp.arange(npad, dtype=jnp.int32) % (_NPAD - _N)
    dst2 = jnp.concatenate([dst, pad_dst]).reshape(_NCHUNK, _CHUNK)
    dp = _deg(dst2)
    deg_col = (dp[0, :_N] + dp[1, :_N]).reshape(_N, 1)
    y1 = _dense(x, W1, b1.reshape(1, -1), W2, b2.reshape(1, -1), Wc1, deg_col)
    a0, a1 = _scatter128(y1.reshape(2 * _N, 128), src, dst)
    e1, y2 = _mid(a0[:_N], a1[:_N], y1, deg_col, bc1.reshape(1, -1), Wc2)
    c0, c1 = _scatter_edges(y2, src, dst)
    e2 = _final(c0[:_N], c1[:_N], y2, deg_col, bc2.reshape(1, -1))
    return (e1, e2)

# --- scband reference (transcript-rebuilt; emitter-appended) ---
"""Pipeline reference for scband-rolandgnn-81389630259673 (READ-ONLY COPY).

The authoritative reference and input builder live on the scoring server;
editing this copy changes nothing except your own understanding.
"""

import jax, jax.numpy as jnp
import numpy as np

N = 10000
E = 320000
D_IN = 128
H1 = 256
H2 = 256
C1 = 256
C2 = 128


def _glorot(key, shape):
    limit = float(np.sqrt(6.0 / (shape[0] + shape[1])))
    return jax.random.uniform(key, shape, minval=-limit, maxval=limit, dtype=jnp.float32)


def _leaky(t):
    return jnp.where(t >= 0, t, 0.01 * t)


def _gcn_conv(x, edge_index, W, b):
    # GCNConv: linear transform, then sym-normalized aggregation with self-loops
    n = x.shape[0]
    xw = x @ W
    loop = jnp.arange(n, dtype=edge_index.dtype)
    src = jnp.concatenate([edge_index[0], loop])
    dst = jnp.concatenate([edge_index[1], loop])
    deg = jnp.zeros((n,), dtype=xw.dtype).at[dst].add(1.0)
    dis = jnp.where(deg > 0, deg ** -0.5, 0.0)
    norm = dis[src] * dis[dst]
    msg = xw[src] * norm[:, None]
    out = jnp.zeros_like(xw).at[dst].add(msg)
    return out + b


def setup_inputs(seed: int = 0) -> dict:
    key = jax.random.key(seed)
    ks = jax.random.split(key, 10)
    x = jax.random.normal(ks[0], (N, D_IN), dtype=jnp.float32)
    edge_index = jax.random.randint(ks[1], (2, E), 0, N, dtype=jnp.int32)
    W1 = _glorot(ks[2], (D_IN, H1)); b1 = jnp.zeros((H1,), jnp.float32)
    W2 = _glorot(ks[3], (H1, H2)); b2 = jnp.zeros((H2,), jnp.float32)
    Wc1 = _glorot(ks[4], (H2, C1)); bc1 = jnp.zeros((C1,), jnp.float32)
    Wc2 = _glorot(ks[5], (C1, C2)); bc2 = jnp.zeros((C2,), jnp.float32)
    prev1 = jnp.zeros((N, C1), jnp.float32)
    prev2 = jnp.zeros((N, C2), jnp.float32)
    return {"x": x, "edge_index": edge_index, "W1": W1, "b1": b1, "W2": W2, "b2": b2,
            "Wc1": Wc1, "bc1": bc1, "Wc2": Wc2, "bc2": bc2, "prev1": prev1, "prev2": prev2}


def reference(x, edge_index, W1, b1, W2, b2, Wc1, bc1, Wc2, bc2, prev1, prev2):
    tau = 0.0  # update='moving' with num_current/previous_edges=None keeps tau=0
    h = _leaky(x @ W1 + b1)           # preprocess1 + leaky_relu (dropout p=0)
    h = _leaky(h @ W2 + b2)           # preprocess2 + leaky_relu
    h = _leaky(_gcn_conv(h, edge_index, Wc1, bc1))
    h = tau * prev1 + (1.0 - tau) * h
    e1 = h
    h = _leaky(_gcn_conv(h, edge_index, Wc2, bc2))
    e2 = tau * prev2 + (1.0 - tau) * h
    return (e1, e2)

if __name__ == "__main__":
    import jax
    _d = setup_inputs()
    print(jax.jit(kernel)(*tuple(_d.values())))

</pallas_src>

<mosaic_0001>
#map = affine_map<(d0, d1) -> (0, 0)>
module attributes {stable_mosaic.version = 14 : i64} {
  func.func @_deg_body(%arg0: i32, %arg1: i32, %arg2: memref<2560x128xi32, #tpu.memory_space<hbm>>, %arg3: memref<2x10112xf32, #tpu.memory_space<hbm>>, %arg4: memref<80x128xi32, #tpu.memory_space<vmem>>, %arg5: memref<128xi32, #tpu.memory_space<vmem>>, %arg6: memref<128xi32, #tpu.memory_space<vmem>>, %arg7: memref<128xi32, #tpu.memory_space<vmem>>, %arg8: memref<128xi32, #tpu.memory_space<vmem>>, %arg9: memref<128xi32, #tpu.memory_space<vmem>>, %arg10: memref<128xi32, #tpu.memory_space<vmem>>, %arg11: memref<128xi32, #tpu.memory_space<vmem>>, %arg12: memref<128xi32, #tpu.memory_space<vmem>>, %arg13: memref<128xf32, #tpu.memory_space<vmem>>, %arg14: memref<640xf32, #tpu.memory_space<vmem>>, %arg15: memref<10112xf32, #tpu.memory_space<vmem_shared>>, %arg16: memref<!tpu.dma_semaphore, #tpu.memory_space<semaphore_mem>>) attributes {dimension_semantics = [#tpu.dimension_semantics<core_parallel>, #tpu.dimension_semantics<subcore_parallel>], iteration_bounds = array<i64: 2, 16>, scalar_prefetch = 0 : i64, scratch_operands = 13 : i64, tpu.core_type = #tpu.core_type<sc_vector_subcore>, window_params = [{transform_indices = #map}, {transform_indices = #map}]} {
    %mul3A = arith.constant 16 : i32
    %mul3A_0 = arith.muli %arg0, %mul3A : i32
    %add3A = arith.addi %mul3A_0, %arg1 : i32
    %scan3A = arith.constant 0 : i32
    %scan3A_1 = arith.constant 0 : i32
    %scan3A_2 = arith.constant 40 : i32
    %scan3A_3 = arith.addi %scan3A_1, %scan3A_2 : i32
    %scan3A_4 = arith.constant 1 : i32
    scf.for %scan3A_25 = %scan3A_1 to %scan3A_3 step %scan3A_4  : i32 {
      %broadcast_in_dim3A = arith.constant 0.000000e+00 : f32
      %broadcast_in_dim3A_26 = vector.broadcast %broadcast_in_dim3A : f32 to vector<16xf32>
      %mul3A_27 = arith.constant 16 : i32
      %mul3A_28 = arith.muli %scan3A_25, %mul3A_27 : i32
      %swap3A = arith.index_cast %mul3A_28 : i32 to index
      %swap3A_29 = tpu.vector_load %arg14[%swap3A] {strides = array<i32>} : memref<640xf32, #tpu.memory_space<vmem>>, vector<16xf32>,
      %swap3A_30 = vector.shape_cast %swap3A_29 : vector<16xf32> to vector<16xf32>
      %swap3A_31 = vector.shape_cast %broadcast_in_dim3A_26 : vector<16xf32> to vector<16xf32>
      tpu.vector_store %arg14[%swap3A], %swap3A_31 {strides = array<i32>} : memref<640xf32, #tpu.memory_space<vmem>>, vector<16xf32>,
    }
    %scan3A_5 = arith.constant 40 : i32
    %scan3A_6 = arith.constant 0 : i32
    %scan3A_7 = arith.constant 0 : i32
    %scan3A_8 = arith.constant 8 : i32
    %scan3A_9 = arith.addi %scan3A_7, %scan3A_8 : i32
    %scan3A_10 = arith.constant 1 : i32
    scf.for %scan3A_25 = %scan3A_7 to %scan3A_9 step %scan3A_10  : i32 {
      %broadcast_in_dim3A = arith.constant 1.000000e+00 : f32
      %broadcast_in_dim3A_26 = vector.broadcast %broadcast_in_dim3A : f32 to vector<16xf32>
      %mul3A_27 = arith.constant 16 : i32
      %mul3A_28 = arith.muli %scan3A_25, %mul3A_27 : i32
      %swap3A = arith.index_cast %mul3A_28 : i32 to index
      %swap3A_29 = tpu.vector_load %arg13[%swap3A] {strides = array<i32>} : memref<128xf32, #tpu.memory_space<vmem>>, vector<16xf32>,
      %swap3A_30 = vector.shape_cast %swap3A_29 : vector<16xf32> to vector<16xf32>
      %swap3A_31 = vector.shape_cast %broadcast_in_dim3A_26 : vector<16xf32> to vector<16xf32>
      tpu.vector_store %arg13[%swap3A], %swap3A_31 {strides = array<i32>} : memref<128xf32, #tpu.memory_space<vmem>>, vector<16xf32>,
    }
    %scan3A_11 = arith.constant 8 : i32
    %mul3A_12 = arith.constant 632 : i32
    %mul3A_13 = arith.muli %arg1, %mul3A_12 : i32
    "tpu.region"() ({
      %run_scoped3A = tpu.sem_alloc : memref<!tpu.dma_semaphore, #tpu.memory_space<semaphore_mem>>
      %dma_start3A = arith.constant 0 : i32
      %dma_start3A_25 = tpu.memref_slice %arg14[%dma_start3A] : memref<640xf32, #tpu.memory_space<vmem>> -> memref<632xf32, #tpu.memory_space<vmem>>
      %dma_start3A_26 = tpu.memref_slice %arg15[%mul3A_13] : memref<10112xf32, #tpu.memory_space<vmem_shared>> -> memref<632xf32, #tpu.memory_space<vmem_shared>>
      %dma_start3A_27 = tpu.memref_slice %arg15[%mul3A_13] : memref<10112xf32, #tpu.memory_space<vmem_shared>> -> memref<632xf32, #tpu.memory_space<vmem_shared>>
      %dma_start3A_28 = arith.constant 0 : i32
      %dma_start3A_29 = tpu.memref_slice %arg14[%dma_start3A_28] : memref<640xf32, #tpu.memory_space<vmem>> -> memref<632xf32, #tpu.memory_space<vmem>>
      tpu.enqueue_dma source(%dma_start3A_29 : memref<632xf32, #tpu.memory_space<vmem>>) target(%dma_start3A_27 : memref<632xf32, #tpu.memory_space<vmem_shared>>) target_semaphore(%run_scoped3A : memref<!tpu.dma_semaphore, #tpu.memory_space<semaphore_mem>>)
      %dma_wait3A = arith.constant 0 : i32
      %dma_wait3A_30 = tpu.memref_slice %arg14[%dma_wait3A] : memref<640xf32, #tpu.memory_space<vmem>> -> memref<632xf32, #tpu.memory_space<vmem>>
      %dma_wait3A_31 = tpu.memref_slice %arg15[%mul3A_13] : memref<10112xf32, #tpu.memory_space<vmem_shared>> -> memref<632xf32, #tpu.memory_space<vmem_shared>>
      %dma_wait3A_32 = tpu.memref_slice %arg15[%mul3A_13] : memref<10112xf32, #tpu.memory_space<vmem_shared>> -> memref<632xf32, #tpu.memory_space<vmem_shared>>
      %dma_wait3A_33 = arith.constant 0 : i32
      %dma_wait3A_34 = tpu.memref_slice %arg14[%dma_wait3A_33] : memref<640xf32, #tpu.memory_space<vmem>> -> memref<632xf32, #tpu.memory_space<vmem>>
      tpu.wait_dma2 semaphore(%run_scoped3A : memref<!tpu.dma_semaphore, #tpu.memory_space<semaphore_mem>>) src(%dma_wait3A_34 : memref<632xf32, #tpu.memory_space<vmem>>) dst(%dma_wait3A_32 : memref<632xf32, #tpu.memory_space<vmem_shared>>)
      tpu.yield
    }) : () -> ()
    %mul3A_14 = arith.constant 80 : i32
    %mul3A_15 = arith.muli %add3A, %mul3A_14 : i32
    "tpu.region"() ({
      %run_scoped3A = tpu.sem_alloc : memref<!tpu.dma_semaphore, #tpu.memory_space<semaphore_mem>>
      %dma_start3A = arith.constant 0 : i32
      %dma_start3A_25 = tpu.memref_slice %arg2[%mul3A_15, %dma_start3A] : memref<2560x128xi32, #tpu.memory_space<hbm>> -> memref<80x128xi32, #tpu.memory_space<hbm>>
      %dma_start3A_26 = arith.constant 0 : i32
      %dma_start3A_27 = tpu.memref_slice %arg2[%mul3A_15, %dma_start3A_26] : memref<2560x128xi32, #tpu.memory_space<hbm>> -> memref<80x128xi32, #tpu.memory_space<hbm>>
      tpu.enqueue_dma source(%dma_start3A_27 : memref<80x128xi32, #tpu.memory_space<hbm>>) target(%arg4 : memref<80x128xi32, #tpu.memory_space<vmem>>) target_semaphore(%run_scoped3A : memref<!tpu.dma_semaphore, #tpu.memory_space<semaphore_mem>>)
      %dma_wait3A = arith.constant 0 : i32
      %dma_wait3A_28 = tpu.memref_slice %arg2[%mul3A_15, %dma_wait3A] : memref<2560x128xi32, #tpu.memory_space<hbm>> -> memref<80x128xi32, #tpu.memory_space<hbm>>
      %dma_wait3A_29 = arith.constant 0 : i32
      %dma_wait3A_30 = tpu.memref_slice %arg2[%mul3A_15, %dma_wait3A_29] : memref<2560x128xi32, #tpu.memory_space<hbm>> -> memref<80x128xi32, #tpu.memory_space<hbm>>
      tpu.wait_dma2 semaphore(%run_scoped3A : memref<!tpu.dma_semaphore, #tpu.memory_space<semaphore_mem>>) src(%dma_wait3A_30 : memref<80x128xi32, #tpu.memory_space<hbm>>) dst(%arg4 : memref<80x128xi32, #tpu.memory_space<vmem>>)
      tpu.yield
    }) : () -> ()
    %barrier3A = arith.constant 0 : index
    tpu.barrier barrier_id(%barrier3A)
    %scan3A_16 = arith.constant 0 : i32
    %scan3A_17 = arith.constant 0 : i32
    %scan3A_18 = arith.constant 10 : i32
    %scan3A_19 = arith.addi %scan3A_17, %scan3A_18 : i32
    %scan3A_20 = arith.constant 1 : i32
    scf.for %scan3A_25 = %scan3A_17 to %scan3A_19 step %scan3A_20  : i32 {
      %mul3A_26 = arith.constant 8 : i32
      %mul3A_27 = arith.muli %scan3A_25, %mul3A_26 : i32
      %add3A_28 = arith.constant 0 : i32
      %add3A_29 = arith.addi %mul3A_27, %add3A_28 : i32
      %get3A = arith.index_cast %add3A_29 : i32 to index
      %get3A_30 = arith.constant 0 : index
      %get3A_31 = tpu.vector_load %arg4[%get3A, %get3A_30] {strides = array<i32>} : memref<80x128xi32, #tpu.memory_space<vmem>>, vector<1x16xi32>,
      %get3A_32 = vector.shape_cast %get3A_31 : vector<1x16xi32> to vector<16xi32>
      %swap3A = arith.constant 0 : index
      %swap3A_33 = tpu.vector_load %arg5[%swap3A] {strides = array<i32>} : memref<128xi32, #tpu.memory_space<vmem>>, vector<16xi32>,
      %swap3A_34 = vector.shape_cast %swap3A_33 : vector<16xi32> to vector<16xi32>
      %swap3A_35 = vector.shape_cast %get3A_32 : vector<16xi32> to vector<16xi32>
      tpu.vector_store %arg5[%swap3A], %swap3A_35 {strides = array<i32>} : memref<128xi32, #tpu.memory_space<vmem>>, vector<16xi32>,
      %get3A_36 = arith.index_cast %add3A_29 : i32 to index
      %get3A_37 = arith.constant 16 : index
      %get3A_38 = tpu.vector_load %arg4[%get3A_36, %get3A_37] {strides = array<i32>} : memref<80x128xi32, #tpu.memory_space<vmem>>, vector<1x16xi32>,
      %get3A_39 = vector.shape_cast %get3A_38 : vector<1x16xi32> to vector<16xi32>
      %swap3A_40 = arith.constant 16 : index
      %swap3A_41 = tpu.vector_load %arg5[%swap3A_40] {strides = array<i32>} : memref<128xi32, #tpu.memory_space<vmem>>, vector<16xi32>,
      %swap3A_42 = vector.shape_cast %swap3A_41 : vector<16xi32> to vector<16xi32>
      %swap3A_43 = vector.shape_cast %get3A_39 : vector<16xi32> to vector<16xi32>
      tpu.vector_store %arg5[%swap3A_40], %swap3A_43 {strides = array<i32>} : memref<128xi32, #tpu.memory_space<vmem>>, vector<16xi32>,
      %get3A_44 = arith.index_cast %add3A_29 : i32 to index
      %get3A_45 = arith.constant 32 : index
      %get3A_46 = tpu.vector_load %arg4[%get3A_44, %get3A_45] {strides = array<i32>} : memref<80x128xi32, #tpu.memory_space<vmem>>, vector<1x16xi32>,
      %get3A_47 = vector.shape_cast %get3A_46 : vector<1x16xi32> to vector<16xi32>
      %swap3A_48 = arith.constant 32 : index
      %swap3A_49 = tpu.vector_load %arg5[%swap3A_48] {strides = array<i32>} : memref<128xi32, #tpu.memory_space<vmem>>, vector<16xi32>,
      %swap3A_50 = vector.shape_cast %swap3A_49 : vector<16xi32> to vector<16xi32>
      %swap3A_51 = vector.shape_cast %get3A_47 : vector<16xi32> to vector<16xi32>
      tpu.vector_store %arg5[%swap3A_48], %swap3A_51 {strides = array<i32>} : memref<128xi32, #tpu.memory_space<vmem>>, vector<16xi32>,
      %get3A_52 = arith.index_cast %add3A_29 : i32 to index
      %get3A_53 = arith.constant 48 : index
      %get3A_54 = tpu.vector_load %arg4[%get3A_52, %get3A_53] {strides = array<i32>} : memref<80x128xi32, #tpu.memory_space<vmem>>, vector<1x16xi32>,
      %get3A_55 = vector.shape_cast %get3A_54 : vector<1x16xi32> to vector<16xi32>
      %swap3A_56 = arith.constant 48 : index
      %swap3A_57 = tpu.vector_load %arg5[%swap3A_56] {strides = array<i32>} : memref<128xi32, #tpu.memory_space<vmem>>, vector<16xi32>,
      %swap3A_58 = vector.shape_cast %swap3A_57 : vector<16xi32> to vector<16xi32>
      %swap3A_59 = vector.shape_cast %get3A_55 : vector<16xi32> to vector<16xi32>
      tpu.vector_store %arg5[%swap3A_56], %swap3A_59 {strides = array<i32>} : memref<128xi32, #tpu.memory_space<vmem>>, vector<16xi32>,
      %get3A_60 = arith.index_cast %add3A_29 : i32 to index
      %get3A_61 = arith.constant 64 : index
      %get3A_62 = tpu.vector_load %arg4[%get3A_60, %get3A_61] {strides = array<i32>} : memref<80x128xi32, #tpu.memory_space<vmem>>, vector<1x16xi32>,
      %get3A_63 = vector.shape_cast %get3A_62 : vector<1x16xi32> to vector<16xi32>
      %swap3A_64 = arith.constant 64 : index
      %swap3A_65 = tpu.vector_load %arg5[%swap3A_64] {strides = array<i32>} : memref<128xi32, #tpu.memory_space<vmem>>, vector<16xi32>,
      %swap3A_66 = vector.shape_cast %swap3A_65 : vector<16xi32> to vector<16xi32>
      %swap3A_67 = vector.shape_cast %get3A_63 : vector<16xi32> to vector<16xi32>
      tpu.vector_store %arg5[%swap3A_64], %swap3A_67 {strides = array<i32>} : memref<128xi32, #tpu.memory_space<vmem>>, vector<16xi32>,
      %get3A_68 = arith.index_cast %add3A_29 : i32 to index
      %get3A_69 = arith.constant 80 : index
      %get3A_70 = tpu.vector_load %arg4[%get3A_68, %get3A_69] {strides = array<i32>} : memref<80x128xi32, #tpu.memory_space<vmem>>, vector<1x16xi32>,
      %get3A_71 = vector.shape_cast %get3A_70 : vector<1x16xi32> to vector<16xi32>
      %swap3A_72 = arith.constant 80 : index
      %swap3A_73 = tpu.vector_load %arg5[%swap3A_72] {strides = array<i32>} : memref<128xi32, #tpu.memory_space<vmem>>, vector<16xi32>,
      %swap3A_74 = vector.shape_cast %swap3A_73 : vector<16xi32> to vector<16xi32>
      %swap3A_75 = vector.shape_cast %get3A_71 : vector<16xi32> to vector<16xi32>
      tpu.vector_store %arg5[%swap3A_72], %swap3A_75 {strides = array<i32>} : memref<128xi32, #tpu.memory_space<vmem>>, vector<16xi32>,
      %get3A_76 = arith.index_cast %add3A_29 : i32 to index
      %get3A_77 = arith.constant 96 : index
      %get3A_78 = tpu.vector_load %arg4[%get3A_76, %get3A_77] {strides = array<i32>} : memref<80x128xi32, #tpu.memory_space<vmem>>, vector<1x16xi32>,
      %get3A_79 = vector.shape_cast %get3A_78 : vector<1x16xi32> to vector<16xi32>
      %swap3A_80 = arith.constant 96 : index
      %swap3A_81 = tpu.vector_load %arg5[%swap3A_80] {strides = array<i32>} : memref<128xi32, #tpu.memory_space<vmem>>, vector<16xi32>,
      %swap3A_82 = vector.shape_cast %swap3A_81 : vector<16xi32> to vector<16xi32>
      %swap3A_83 = vector.shape_cast %get3A_79 : vector<16xi32> to vector<16xi32>
      tpu.vector_store %arg5[%swap3A_80], %swap3A_83 {strides = array<i32>} : memref<128xi32, #tpu.memory_space<vmem>>, vector<16xi32>,
      %get3A_84 = arith.index_cast %add3A_29 : i32 to index
      %get3A_85 = arith.constant 112 : index
      %get3A_86 = tpu.vector_load %arg4[%get3A_84, %get3A_85] {strides = array<i32>} : memref<80x128xi32, #tpu.memory_space<vmem>>, vector<1x16xi32>,
      %get3A_87 = vector.shape_cast %get3A_86 : vector<1x16xi32> to vector<16xi32>
      %swap3A_88 = arith.constant 112 : index
      %swap3A_89 = tpu.vector_load %arg5[%swap3A_88] {strides = array<i32>} : memref<128xi32, #tpu.memory_space<vmem>>, vector<16xi32>,
      %swap3A_90 = vector.shape_cast %swap3A_89 : vector<16xi32> to vector<16xi32>
      %swap3A_91 = vector.shape_cast %get3A_87 : vector<16xi32> to vector<16xi32>
      tpu.vector_store %arg5[%swap3A_88], %swap3A_91 {strides = array<i32>} : memref<128xi32, #tpu.memory_space<vmem>>, vector<16xi32>,
      %dma_start3A = arith.constant 0 : i32
      %dma_start3A_92 = tpu.memref_slice %arg15[%dma_start3A] : memref<10112xf32, #tpu.memory_space<vmem_shared>> -> memref<10112xf32, #tpu.memory_space<vmem_shared>>
      tpu.enqueue_indirect_dma source(%arg13 : memref<128xf32, #tpu.memory_space<vmem>>) target(%dma_start3A_92 : memref<10112xf32, #tpu.memory_space<vmem_shared>>) offsets(%arg5 : memref<128xi32, #tpu.memory_space<vmem>>) semaphore(%arg16 : memref<!tpu.dma_semaphore, #tpu.memory_space<semaphore_mem>>) {add = true}
      %mul3A_93 = arith.constant 8 : i32
      %mul3A_94 = arith.muli %scan3A_25, %mul3A_93 : i32
      %add3A_95 = arith.constant 1 : i32
      %add3A_96 = arith.addi %mul3A_94, %add3A_95 : i32
      %get3A_97 = arith.index_cast %add3A_96 : i32 to index
      %get3A_98 = arith.constant 0 : index
      %get3A_99 = tpu.vector_load %arg4[%get3A_97, %get3A_98] {strides = array<i32>} : memref<80x128xi32, #tpu.memory_space<vmem>>, vector<1x16xi32>,
      %get3A_100 = vector.shape_cast %get3A_99 : vector<1x16xi32> to vector<16xi32>
      %swap3A_101 = arith.constant 0 : index
      %swap3A_102 = tpu.vector_load %arg6[%swap3A_101] {strides = array<i32>} : memref<128xi32, #tpu.memory_space<vmem>>, vector<16xi32>,
      %swap3A_103 = vector.shape_cast %swap3A_102 : vector<16xi32> to vector<16xi32>
      %swap3A_104 = vector.shape_cast %get3A_100 : vector<16xi32> to vector<16xi32>
      tpu.vector_store %arg6[%swap3A_101], %swap3A_104 {strides = array<i32>} : memref<128xi32, #tpu.memory_space<vmem>>, vector<16xi32>,
      %get3A_105 = arith.index_cast %add3A_96 : i32 to index
      %get3A_106 = arith.constant 16 : index
      %get3A_107 = tpu.vector_load %arg4[%get3A_105, %get3A_106] {strides = array<i32>} : memref<80x128xi32, #tpu.memory_space<vmem>>, vector<1x16xi32>,
      %get3A_108 = vector.shape_cast %get3A_107 : vector<1x16xi32> to vector<16xi32>
      %swap3A_109 = arith.constant 16 : index
      %swap3A_110 = tpu.vector_load %arg6[%swap3A_109] {strides = array<i32>} : memref<128xi32, #tpu.memory_space<vmem>>, vector<16xi32>,
      %swap3A_111 = vector.shape_cast %swap3A_110 : vector<16xi32> to vector<16xi32>
      %swap3A_112 = vector.shape_cast %get3A_108 : vector<16xi32> to vector<16xi32>
      tpu.vector_store %arg6[%swap3A_109], %swap3A_112 {strides = array<i32>} : memref<128xi32, #tpu.memory_space<vmem>>, vector<16xi32>,
      %get3A_113 = arith.index_cast %add3A_96 : i32 to index
      %get3A_114 = arith.constant 32 : index
      %get3A_115 = tpu.vector_load %arg4[%get3A_113, %get3A_114] {strides = array<i32>} : memref<80x128xi32, #tpu.memory_space<vmem>>, vector<1x16xi32>,
      %get3A_116 = vector.shape_cast %get3A_115 : vector<1x16xi32> to vector<16xi32>
      %swap3A_117 = arith.constant 32 : index
      %swap3A_118 = tpu.vector_load %arg6[%swap3A_117] {strides = array<i32>} : memref<128xi32, #tpu.memory_space<vmem>>, vector<16xi32>,
      %swap3A_119 = vector.shape_cast %swap3A_118 : vector<16xi32> to vector<16xi32>
      %swap3A_120 = vector.shape_cast %get3A_116 : vector<16xi32> to vector<16xi32>
      tpu.vector_store %arg6[%swap3A_117], %swap3A_120 {strides = array<i32>} : memref<128xi32, #tpu.memory_space<vmem>>, vector<16xi32>,
      %get3A_121 = arith.index_cast %add3A_96 : i32 to index
      %get3A_122 = arith.constant 48 : index
      %get3A_123 = tpu.vector_load %arg4[%get3A_121, %get3A_122] {strides = array<i32>} : memref<80x128xi32, #tpu.memory_space<vmem>>, vector<1x16xi32>,
      %get3A_124 = vector.shape_cast %get3A_123 : vector<1x16xi32> to vector<16xi32>
      %swap3A_125 = arith.constant 48 : index
      %swap3A_126 = tpu.vector_load %arg6[%swap3A_125] {strides = array<i32>} : memref<128xi32, #tpu.memory_space<vmem>>, vector<16xi32>,
      %swap3A_127 = vector.shape_cast %swap3A_126 : vector<16xi32> to vector<16xi32>
      %swap3A_128 = vector.shape_cast %get3A_124 : vector<16xi32> to vector<16xi32>
      tpu.vector_store %arg6[%swap3A_125], %swap3A_128 {strides = array<i32>} : memref<128xi32, #tpu.memory_space<vmem>>, vector<16xi32>,
      %get3A_129 = arith.index_cast %add3A_96 : i32 to index
      %get3A_130 = arith.constant 64 : index
      %get3A_131 = tpu.vector_load %arg4[%get3A_129, %get3A_130] {strides = array<i32>} : memref<80x128xi32, #tpu.memory_space<vmem>>, vector<1x16xi32>,
      %get3A_132 = vector.shape_cast %get3A_131 : vector<1x16xi32> to vector<16xi32>
      %swap3A_133 = arith.constant 64 : index
      %swap3A_134 = tpu.vector_load %arg6[%swap3A_133] {strides = array<i32>} : memref<128xi32, #tpu.memory_space<vmem>>, vector<16xi32>,
      %swap3A_135 = vector.shape_cast %swap3A_134 : vector<16xi32> to vector<16xi32>
      %swap3A_136 = vector.shape_cast %get3A_132 : vector<16xi32> to vector<16xi32>
      tpu.vector_store %arg6[%swap3A_133], %swap3A_136 {strides = array<i32>} : memref<128xi32, #tpu.memory_space<vmem>>, vector<16xi32>,
      %get3A_137 = arith.index_cast %add3A_96 : i32 to index
      %get3A_138 = arith.constant 80 : index
      %get3A_139 = tpu.vector_load %arg4[%get3A_137, %get3A_138] {strides = array<i32>} : memref<80x128xi32, #tpu.memory_space<vmem>>, vector<1x16xi32>,
      %get3A_140 = vector.shape_cast %get3A_139 : vector<1x16xi32> to vector<16xi32>
      %swap3A_141 = arith.constant 80 : index
      %swap3A_142 = tpu.vector_load %arg6[%swap3A_141] {strides = array<i32>} : memref<128xi32, #tpu.memory_space<vmem>>, vector<16xi32>,
      %swap3A_143 = vector.shape_cast %swap3A_142 : vector<16xi32> to vector<16xi32>
      %swap3A_144 = vector.shape_cast %get3A_140 : vector<16xi32> to vector<16xi32>
      tpu.vector_store %arg6[%swap3A_141], %swap3A_144 {strides = array<i32>} : memref<128xi32, #tpu.memory_space<vmem>>, vector<16xi32>,
      %get3A_145 = arith.index_cast %add3A_96 : i32 to index
      %get3A_146 = arith.constant 96 : index
      %get3A_147 = tpu.vector_load %arg4[%get3A_145, %get3A_146] {strides = array<i32>} : memref<80x128xi32, #tpu.memory_space<vmem>>, vector<1x16xi32>,
      %get3A_148 = vector.shape_cast %get3A_147 : vector<1x16xi32> to vector<16xi32>
      %swap3A_149 = arith.constant 96 : index
      %swap3A_150 = tpu.vector_load %arg6[%swap3A_149] {strides = array<i32>} : memref<128xi32, #tpu.memory_space<vmem>>, vector<16xi32>,
      %swap3A_151 = vector.shape_cast %swap3A_150 : vector<16xi32> to vector<16xi32>
      %swap3A_152 = vector.shape_cast %get3A_148 : vector<16xi32> to vector<16xi32>
      tpu.vector_store %arg6[%swap3A_149], %swap3A_152 {strides = array<i32>} : memref<128xi32, #tpu.memory_space<vmem>>, vector<16xi32>,
      %get3A_153 = arith.index_cast %add3A_96 : i32 to index
      %get3A_154 = arith.constant 112 : index
      %get3A_155 = tpu.vector_load %arg4[%get3A_153, %get3A_154] {strides = array<i32>} : memref<80x128xi32, #tpu.memory_space<vmem>>, vector<1x16xi32>,
      %get3A_156 = vector.shape_cast %get3A_155 : vector<1x16xi32> to vector<16xi32>
      %swap3A_157 = arith.constant 112 : index
      %swap3A_158 = tpu.vector_load %arg6[%swap3A_157] {strides = array<i32>} : memref<128xi32, #tpu.memory_space<vmem>>, vector<16xi32>,
      %swap3A_159 = vector.shape_cast %swap3A_158 : vector<16xi32> to vector<16xi32>
      %swap3A_160 = vector.shape_cast %get3A_156 : vector<16xi32> to vector<16xi32>
      tpu.vector_store %arg6[%swap3A_157], %swap3A_160 {strides = array<i32>} : memref<128xi32, #tpu.memory_space<vmem>>, vector<16xi32>,
      %dma_start3A_161 = arith.constant 0 : i32
      %dma_start3A_162 = tpu.memref_slice %arg15[%dma_start3A_161] : memref<10112xf32, #tpu.memory_space<vmem_shared>> -> memref<10112xf32, #tpu.memory_space<vmem_shared>>
      tpu.enqueue_indirect_dma source(%arg13 : memref<128xf32, #tpu.memory_space<vmem>>) target(%dma_start3A_162 : memref<10112xf32, #tpu.memory_space<vmem_shared>>) offsets(%arg6 : memref<128xi32, #tpu.memory_space<vmem>>) semaphore(%arg16 : memref<!tpu.dma_semaphore, #tpu.memory_space<semaphore_mem>>) {add = true}
      %mul3A_163 = arith.constant 8 : i32
      %mul3A_164 = arith.muli %scan3A_25, %mul3A_163 : i32
      %add3A_165 = arith.constant 2 : i32
      %add3A_166 = arith.addi %mul3A_164, %add3A_165 : i32
      %get3A_167 = arith.index_cast %add3A_166 : i32 to index
      %get3A_168 = arith.constant 0 : index
      %get3A_169 = tpu.vector_load %arg4[%get3A_167, %get3A_168] {strides = array<i32>} : memref<80x128xi32, #tpu.memory_space<vmem>>, vector<1x16xi32>,
      %get3A_170 = vector.shape_cast %get3A_169 : vector<1x16xi32> to vector<16xi32>
      %swap3A_171 = arith.constant 0 : index
      %swap3A_172 = tpu.vector_load %arg7[%swap3A_171] {strides = array<i32>} : memref<128xi32, #tpu.memory_space<vmem>>, vector<16xi32>,
      %swap3A_173 = vector.shape_cast %swap3A_172 : vector<16xi32> to vector<16xi32>
      %swap3A_174 = vector.shape_cast %get3A_170 : vector<16xi32> to vector<16xi32>
      tpu.vector_store %arg7[%swap3A_171], %swap3A_174 {strides = array<i32>} : memref<128xi32, #tpu.memory_space<vmem>>, vector<16xi32>,
      %get3A_175 = arith.index_cast %add3A_166 : i32 to index
      %get3A_176 = arith.constant 16 : index
      %get3A_177 = tpu.vector_load %arg4[%get3A_175, %get3A_176] {strides = array<i32>} : memref<80x128xi32, #tpu.memory_space<vmem>>, vector<1x16xi32>,
      %get3A_178 = vector.shape_cast %get3A_177 : vector<1x16xi32> to vector<16xi32>
      %swap3A_179 = arith.constant 16 : index
      %swap3A_180 = tpu.vector_load %arg7[%swap3A_179] {strides = array<i32>} : memref<128xi32, #tpu.memory_space<vmem>>, vector<16xi32>,
      %swap3A_181 = vector.shape_cast %swap3A_180 : vector<16xi32> to vector<16xi32>
      %swap3A_182 = vector.shape_cast %get3A_178 : vector<16xi32> to vector<16xi32>
      tpu.vector_store %arg7[%swap3A_179], %swap3A_182 {strides = array<i32>} : memref<128xi32, #tpu.memory_space<vmem>>, vector<16xi32>,
      %get3A_183 = arith.index_cast %add3A_166 : i32 to index
      %get3A_184 = arith.constant 32 : index
      %get3A_185 = tpu.vector_load %arg4[%get3A_183, %get3A_184] {strides = array<i32>} : memref<80x128xi32, #tpu.memory_space<vmem>>, vector<1x16xi32>,
      %get3A_186 = vector.shape_cast %get3A_185 : vector<1x16xi32> to vector<16xi32>
      %swap3A_187 = arith.constant 32 : index
      %swap3A_188 = tpu.vector_load %arg7[%swap3A_187] {strides = array<i32>} : memref<128xi32, #tpu.memory_space<vmem>>, vector<16xi32>,
      %swap3A_189 = vector.shape_cast %swap3A_188 : vector<16xi32> to vector<16xi32>
      %swap3A_190 = vector.shape_cast %get3A_186 : vector<16xi32> to vector<16xi32>
      tpu.vector_store %arg7[%swap3A_187], %swap3A_190 {strides = array<i32>} : memref<128xi32, #tpu.memory_space<vmem>>, vector<16xi32>,
      %get3A_191 = arith.index_cast %add3A_166 : i32 to index
      %get3A_192 = arith.constant 48 : index
      %get3A_193 = tpu.vector_load %arg4[%get3A_191, %get3A_192] {strides = array<i32>} : memref<80x128xi32, #tpu.memory_space<vmem>>, vector<1x16xi32>,
      %get3A_194 = vector.shape_cast %get3A_193 : vector<1x16xi32> to vector<16xi32>
      %swap3A_195 = arith.constant 48 : index
      %swap3A_196 = tpu.vector_load %arg7[%swap3A_195] {strides = array<i32>} : memref<128xi32, #tpu.memory_space<vmem>>, vector<16xi32>,
      %swap3A_197 = vector.shape_cast %swap3A_196 : vector<16xi32> to vector<16xi32>
      %swap3A_198 = vector.shape_cast %get3A_194 : vector<16xi32> to vector<16xi32>
      tpu.vector_store %arg7[%swap3A_195], %swap3A_198 {strides = array<i32>} : memref<128xi32, #tpu.memory_space<vmem>>, vector<16xi32>,
      %get3A_199 = arith.index_cast %add3A_166 : i32 to index
      %get3A_200 = arith.constant 64 : index
      %get3A_201 = tpu.vector_load %arg4[%get3A_199, %get3A_200] {strides = array<i32>} : memref<80x128xi32, #tpu.memory_space<vmem>>, vector<1x16xi32>,
      %get3A_202 = vector.shape_cast %get3A_201 : vector<1x16xi32> to vector<16xi32>
      %swap3A_203 = arith.constant 64 : index
      %swap3A_204 = tpu.vector_load %arg7[%swap3A_203] {strides = array<i32>} : memref<128xi32, #tpu.memory_space<vmem>>, vector<16xi32>,
      %swap3A_205 = vector.shape_cast %swap3A_204 : vector<16xi32> to vector<16xi32>
      %swap3A_206 = vector.shape_cast %get3A_202 : vector<16xi32> to vector<16xi32>
      tpu.vector_store %arg7[%swap3A_203], %swap3A_206 {strides = array<i32>} : memref<128xi32, #tpu.memory_space<vmem>>, vector<16xi32>,
      %get3A_207 = arith.index_cast %add3A_166 : i32 to index
      %get3A_208 = arith.constant 80 : index
      %get3A_209 = tpu.vector_load %arg4[%get3A_207, %get3A_208] {strides = array<i32>} : memref<80x128xi32, #tpu.memory_space<vmem>>, vector<1x16xi32>,
      %get3A_210 = vector.shape_cast %get3A_209 : vector<1x16xi32> to vector<16xi32>
      %swap3A_211 = arith.constant 80 : index
      %swap3A_212 = tpu.vector_load %arg7[%swap3A_211] {strides = array<i32>} : memref<128xi32, #tpu.memory_space<vmem>>, vector<16xi32>,
      %swap3A_213 = vector.shape_cast %swap3A_212 : vector<16xi32> to vector<16xi32>
      %swap3A_214 = vector.shape_cast %get3A_210 : vector<16xi32> to vector<16xi32>
      tpu.vector_store %arg7[%swap3A_211], %swap3A_214 {strides = array<i32>} : memref<128xi32, #tpu.memory_space<vmem>>, vector<16xi32>,
      %get3A_215 = arith.index_cast %add3A_166 : i32 to index
      %get3A_216 = arith.constant 96 : index
      %get3A_217 = tpu.vector_load %arg4[%get3A_215, %get3A_216] {strides = array<i32>} : memref<80x128xi32, #tpu.memory_space<vmem>>, vector<1x16xi32>,
      %get3A_218 = vector.shape_cast %get3A_217 : vector<1x16xi32> to vector<16xi32>
      %swap3A_219 = arith.constant 96 : index
      %swap3A_220 = tpu.vector_load %arg7[%swap3A_219] {strides = array<i32>} : memref<128xi32, #tpu.memory_space<vmem>>, vector<16xi32>,
      %swap3A_221 = vector.shape_cast %swap3A_220 : vector<16xi32> to vector<16xi32>
      %swap3A_222 = vector.shape_cast %get3A_218 : vector<16xi32> to vector<16xi32>
      tpu.vector_store %arg7[%swap3A_219], %swap3A_222 {strides = array<i32>} : memref<128xi32, #tpu.memory_space<vmem>>, vector<16xi32>,
      %get3A_223 = arith.index_cast %add3A_166 : i32 to index
      %get3A_224 = arith.constant 112 : index
      %get3A_225 = tpu.vector_load %arg4[%get3A_223, %get3A_224] {strides = array<i32>} : memref<80x128xi32, #tpu.memory_space<vmem>>, vector<1x16xi32>,
      %get3A_226 = vector.shape_cast %get3A_225 : vector<1x16xi32> to vector<16xi32>
      %swap3A_227 = arith.constant 112 : index
      %swap3A_228 = tpu.vector_load %arg7[%swap3A_227] {strides = array<i32>} : memref<128xi32, #tpu.memory_space<vmem>>, vector<16xi32>,
      %swap3A_229 = vector.shape_cast %swap3A_228 : vector<16xi32> to vector<16xi32>
      %swap3A_230 = vector.shape_cast %get3A_226 : vector<16xi32> to vector<16xi32>
      tpu.vector_store %arg7[%swap3A_227], %swap3A_230 {strides = array<i32>} : memref<128xi32, #tpu.memory_space<vmem>>, vector<16xi32>,
      %dma_start3A_231 = arith.constant 0 : i32
      %dma_start3A_232 = tpu.memref_slice %arg15[%dma_start3A_231] : memref<10112xf32, #tpu.memory_space<vmem_shared>> -> memref<10112xf32, #tpu.memory_space<vmem_shared>>
      tpu.enqueue_indirect_dma source(%arg13 : memref<128xf32, #tpu.memory_space<vmem>>) target(%dma_start3A_232 : memref<10112xf32, #tpu.memory_space<vmem_shared>>) offsets(%arg7 : memref<128xi32, #tpu.memory_space<vmem>>) semaphore(%arg16 : memref<!tpu.dma_semaphore, #tpu.memory_space<semaphore_mem>>) {add = true}
      %mul3A_233 = arith.constant 8 : i32
      %mul3A_234 = arith.muli %scan3A_25, %mul3A_233 : i32
      %add3A_235 = arith.constant 3 : i32
      %add3A_236 = arith.addi %mul3A_234, %add3A_235 : i32
      %get3A_237 = arith.index_cast %add3A_236 : i32 to index
      %get3A_238 = arith.constant 0 : index
      %get3A_239 = tpu.vector_load %arg4[%get3A_237, %get3A_238] {strides = array<i32>} : memref<80x128xi32, #tpu.memory_space<vmem>>, vector<1x16xi32>,
      %get3A_240 = vector.shape_cast %get3A_239 : vector<1x16xi32> to vector<16xi32>
      %swap3A_241 = arith.constant 0 : index
      %swap3A_242 = tpu.vector_load %arg8[%swap3A_241] {strides = array<i32>} : memref<128xi32, #tpu.memory_space<vmem>>, vector<16xi32>,
      %swap3A_243 = vector.shape_cast %swap3A_242 : vector<16xi32> to vector<16xi32>
      %swap3A_244 = vector.shape_cast %get3A_240 : vector<16xi32> to vector<16xi32>
      tpu.vector_store %arg8[%swap3A_241], %swap3A_244 {strides = array<i32>} : memref<128xi32, #tpu.memory_space<vmem>>, vector<16xi32>,
      %get3A_245 = arith.index_cast %add3A_236 : i32 to index
      %get3A_246 = arith.constant 16 : index
      %get3A_247 = tpu.vector_load %arg4[%get3A_245, %get3A_246] {strides = array<i32>} : memref<80x128xi32, #tpu.memory_space<vmem>>, vector<1x16xi32>,
      %get3A_248 = vector.shape_cast %get3A_247 : vector<1x16xi32> to vector<16xi32>
      %swap3A_249 = arith.constant 16 : index
      %swap3A_250 = tpu.vector_load %arg8[%swap3A_249] {strides = array<i32>} : memref<128xi32, #tpu.memory_space<vmem>>, vector<16xi32>,
      %swap3A_251 = vector.shape_cast %swap3A_250 : vector<16xi32> to vector<16xi32>
      %swap3A_252 = vector.shape_cast %get3A_248 : vector<16xi32> to vector<16xi32>
      tpu.vector_store %arg8[%swap3A_249], %swap3A_252 {strides = array<i32>} : memref<128xi32, #tpu.memory_space<vmem>>, vector<16xi32>,
      %get3A_253 = arith.index_cast %add3A_236 : i32 to index
      %get3A_254 = arith.constant 32 : index
      %get3A_255 = tpu.vector_load %arg4[%get3A_253, %get3A_254] {strides = array<i32>} : memref<80x128xi32, #tpu.memory_space<vmem>>, vector<1x16xi32>,
      %get3A_256 = vector.shape_cast %get3A_255 : vector<1x16xi32> to vector<16xi32>
      %swap3A_257 = arith.constant 32 : index
      %swap3A_258 = tpu.vector_load %arg8[%swap3A_257] {strides = array<i32>} : memref<128xi32, #tpu.memory_space<vmem>>, vector<16xi32>,
      %swap3A_259 = vector.shape_cast %swap3A_258 : vector<16xi32> to vector<16xi32>
      %swap3A_260 = vector.shape_cast %get3A_256 : vector<16xi32> to vector<16xi32>
      tpu.vector_store %arg8[%swap3A_257], %swap3A_260 {strides = array<i32>} : memref<128xi32, #tpu.memory_space<vmem>>, vector<16xi32>,
      %get3A_261 = arith.index_cast %add3A_236 : i32 to index
      %get3A_262 = arith.constant 48 : index
      %get3A_263 = tpu.vector_load %arg4[%get3A_261, %get3A_262] {strides = array<i32>} : memref<80x128xi32, #tpu.memory_space<vmem>>, vector<1x16xi32>,
      %get3A_264 = vector.shape_cast %get3A_263 : vector<1x16xi32> to vector<16xi32>
      %swap3A_265 = arith.constant 48 : index
      %swap3A_266 = tpu.vector_load %arg8[%swap3A_265] {strides = array<i32>} : memref<128xi32, #tpu.memory_space<vmem>>, vector<16xi32>,
      %swap3A_267 = vector.shape_cast %swap3A_266 : vector<16xi32> to vector<16xi32>
      %swap3A_268 = vector.shape_cast %get3A_264 : vector<16xi32> to vector<16xi32>
      tpu.vector_store %arg8[%swap3A_265], %swap3A_268 {strides = array<i32>} : memref<128xi32, #tpu.memory_space<vmem>>, vector<16xi32>,
      %get3A_269 = arith.index_cast %add3A_236 : i32 to index
      %get3A_270 = arith.constant 64 : index
      %get3A_271 = tpu.vector_load %arg4[%get3A_269, %get3A_270] {strides = array<i32>} : memref<80x128xi32, #tpu.memory_space<vmem>>, vector<1x16xi32>,
      %get3A_272 = vector.shape_cast %get3A_271 : vector<1x16xi32> to vector<16xi32>
      %swap3A_273 = arith.constant 64 : index
      %swap3A_274 = tpu.vector_load %arg8[%swap3A_273] {strides = array<i32>} : memref<128xi32, #tpu.memory_space<vmem>>, vector<16xi32>,
      %swap3A_275 = vector.shape_cast %swap3A_274 : vector<16xi32> to vector<16xi32>
      %swap3A_276 = vector.shape_cast %get3A_272 : vector<16xi32> to vector<16xi32>
      tpu.vector_store %arg8[%swap3A_273], %swap3A_276 {strides = array<i32>} : memref<128xi32, #tpu.memory_space<vmem>>, vector<16xi32>,
      %get3A_277 = arith.index_cast %add3A_236 : i32 to index
      %get3A_278 = arith.constant 80 : index
      %get3A_279 = tpu.vector_load %arg4[%get3A_277, %get3A_278] {strides = array<i32>} : memref<80x128xi32, #tpu.memory_space<vmem>>, vector<1x16xi32>,
      %get3A_280 = vector.shape_cast %get3A_279 : vector<1x16xi32> to vector<16xi32>
      %swap3A_281 = arith.constant 80 : index
      %swap3A_282 = tpu.vector_load %arg8[%swap3A_281] {strides = array<i32>} : memref<128xi32, #tpu.memory_space<vmem>>, vector<16xi32>,
      %swap3A_283 = vector.shape_cast %swap3A_282 : vector<16xi32> to vector<16xi32>
      %swap3A_284 = vector.shape_cast %get3A_280 : vector<16xi32> to vector<16xi32>
      tpu.vector_store %arg8[%swap3A_281], %swap3A_284 {strides = array<i32>} : memref<128xi32, #tpu.memory_space<vmem>>, vector<16xi32>,
      %get3A_285 = arith.index_cast %add3A_236 : i32 to index
      %get3A_286 = arith.constant 96 : index
      %get3A_287 = tpu.vector_load %arg4[%get3A_285, %get3A_286] {strides = array<i32>} : memref<80x128xi32, #tpu.memory_space<vmem>>, vector<1x16xi32>,
      %get3A_288 = vector.shape_cast %get3A_287 : vector<1x16xi32> to vector<16xi32>
      %swap3A_289 = arith.constant 96 : index
      %swap3A_290 = tpu.vector_load %arg8[%swap3A_289] {strides = array<i32>} : memref<128xi32, #tpu.memory_space<vmem>>, vector<16xi32>,
      %swap3A_291 = vector.shape_cast %swap3A_290 : vector<16xi32> to vector<16xi32>
      %swap3A_292 = vector.shape_cast %get3A_288 : vector<16xi32> to vector<16xi32>
      tpu.vector_store %arg8[%swap3A_289], %swap3A_292 {strides = array<i32>} : memref<128xi32, #tpu.memory_space<vmem>>, vector<16xi32>,
      %get3A_293 = arith.index_cast %add3A_236 : i32 to index
      %get3A_294 = arith.constant 112 : index
      %get3A_295 = tpu.vector_load %arg4[%get3A_293, %get3A_294] {strides = array<i32>} : memref<80x128xi32, #tpu.memory_space<vmem>>, vector<1x16xi32>,
      %get3A_296 = vector.shape_cast %get3A_295 : vector<1x16xi32> to vector<16xi32>
      %swap3A_297 = arith.constant 112 : index
      %swap3A_298 = tpu.vector_load %arg8[%swap3A_297] {strides = array<i32>} : memref<128xi32, #tpu.memory_space<vmem>>, vector<16xi32>,
      %swap3A_299 = vector.shape_cast %swap3A_298 : vector<16xi32> to vector<16xi32>
      %swap3A_300 = vector.shape_cast %get3A_296 : vector<16xi32> to vector<16xi32>
      tpu.vector_store %arg8[%swap3A_297], %swap3A_300 {strides = array<i32>} : memref<128xi32, #tpu.memory_space<vmem>>, vector<16xi32>,
      %dma_start3A_301 = arith.constant 0 : i32
      %dma_start3A_302 = tpu.memref_slice %arg15[%dma_start3A_301] : memref<10112xf32, #tpu.memory_space<vmem_shared>> -> memref<10112xf32, #tpu.memory_space<vmem_shared>>
      tpu.enqueue_indirect_dma source(%arg13 : memref<128xf32, #tpu.memory_space<vmem>>) target(%dma_start3A_302 : memref<10112xf32, #tpu.memory_space<vmem_shared>>) offsets(%arg8 : memref<128xi32, #tpu.memory_space<vmem>>) semaphore(%arg16 : memref<!tpu.dma_semaphore, #tpu.memory_space<semaphore_mem>>) {add = true}
      %mul3A_303 = arith.constant 8 : i32
      %mul3A_304 = arith.muli %scan3A_25, %mul3A_303 : i32
      %add3A_305 = arith.constant 4 : i32
      %add3A_306 = arith.addi %mul3A_304, %add3A_305 : i32
      %get3A_307 = arith.index_cast %add3A_306 : i32 to index
      %get3A_308 = arith.constant 0 : index
      %get3A_309 = tpu.vector_load %arg4[%get3A_307, %get3A_308] {strides = array<i32>} : memref<80x128xi32, #tpu.memory_space<vmem>>, vector<1x16xi32>,
      %get3A_310 = vector.shape_cast %get3A_309 : vector<1x16xi32> to vector<16xi32>
      %swap3A_311 = arith.constant 0 : index
      %swap3A_312 = tpu.vector_load %arg9[%swap3A_311] {strides = array<i32>} : memref<128xi32, #tpu.memory_space<vmem>>, vector<16xi32>,
      %swap3A_313 = vector.shape_cast %swap3A_312 : vector<16xi32> to vector<16xi32>
      %swap3A_314 = vector.shape_cast %get3A_310 : vector<16xi32> to vector<16xi32>
      tpu.vector_store %arg9[%swap3A_311], %swap3A_314 {strides = array<i32>} : memref<128xi32, #tpu.memory_space<vmem>>, vector<16xi32>,
      %get3A_315 = arith.index_cast %add3A_306 : i32 to index
      %get3A_316 = arith.constant 16 : index
      %get3A_317 = tpu.vector_load %arg4[%get3A_315, %get3A_316] {strides = array<i32>} : memref<80x128xi32, #tpu.memory_space<vmem>>, vector<1x16xi32>,
      %get3A_318 = vector.shape_cast %get3A_317 : vector<1x16xi32> to vector<16xi32>
      %swap3A_319 = arith.constant 16 : index
      %swap3A_320 = tpu.vector_load %arg9[%swap3A_319] {strides = array<i32>} : memref<128xi32, #tpu.memory_space<vmem>>, vector<16xi32>,
      %swap3A_321 = vector.shape_cast %swap3A_320 : vector<16xi32> to vector<16xi32>
      %swap3A_322 = vector.shape_cast %get3A_318 : vector<16xi32> to vector<16xi32>
      tpu.vector_store %arg9[%swap3A_319], %swap3A_322 {strides = array<i32>} : memref<128xi32, #tpu.memory_space<vmem>>, vector<16xi32>,
      %get3A_323 = arith.index_cast %add3A_306 : i32 to index
      %get3A_324 = arith.constant 32 : index
      %get3A_325 = tpu.vector_load %arg4[%get3A_323, %get3A_324] {strides = array<i32>} : memref<80x128xi32, #tpu.memory_space<vmem>>, vector<1x16xi32>,
      %get3A_326 = vector.shape_cast %get3A_325 : vector<1x16xi32> to vector<16xi32>
      %swap3A_327 = arith.constant 32 : index
      %swap3A_328 = tpu.vector_load %arg9[%swap3A_327] {strides = array<i32>} : memref<128xi32, #tpu.memory_space<vmem>>, vector<16xi32>,
      %swap3A_329 = vector.shape_cast %swap3A_328 : vector<16xi32> to vector<16xi32>
      %swap3A_330 = vector.shape_cast %get3A_326 : vector<16xi32> to vector<16xi32>
      tpu.vector_store %arg9[%swap3A_327], %swap3A_330 {strides = array<i32>} : memref<128xi32, #tpu.memory_space<vmem>>, vector<16xi32>,
      %get3A_331 = arith.index_cast %add3A_306 : i32 to index
      %get3A_332 = arith.constant 48 : index
      %get3A_333 = tpu.vector_load %arg4[%get3A_331, %get3A_332] {strides = array<i32>} : memref<80x128xi32, #tpu.memory_space<vmem>>, vector<1x16xi32>,
      %get3A_334 = vector.shape_cast %get3A_333 : vector<1x16xi32> to vector<16xi32>
      %swap3A_335 = arith.constant 48 : index
      %swap3A_336 = tpu.vector_load %arg9[%swap3A_335] {strides = array<i32>} : memref<128xi32, #tpu.memory_space<vmem>>, vector<16xi32>,
      %swap3A_337 = vector.shape_cast %swap3A_336 : vector<16xi32> to vector<16xi32>
      %swap3A_338 = vector.shape_cast %get3A_334 : vector<16xi32> to vector<16xi32>
      tpu.vector_store %arg9[%swap3A_335], %swap3A_338 {strides = array<i32>} : memref<128xi32, #tpu.memory_space<vmem>>, vector<16xi32>,
      %get3A_339 = arith.index_cast %add3A_306 : i32 to index
      %get3A_340 = arith.constant 64 : index
      %get3A_341 = tpu.vector_load %arg4[%get3A_339, %get3A_340] {strides = array<i32>} : memref<80x128xi32, #tpu.memory_space<vmem>>, vector<1x16xi32>,
      %get3A_342 = vector.shape_cast %get3A_341 : vector<1x16xi32> to vector<16xi32>
      %swap3A_343 = arith.constant 64 : index
      %swap3A_344 = tpu.vector_load %arg9[%swap3A_343] {strides = array<i32>} : memref<128xi32, #tpu.memory_space<vmem>>, vector<16xi32>,
      %swap3A_345 = vector.shape_cast %swap3A_344 : vector<16xi32> to vector<16xi32>
      %swap3A_346 = vector.shape_cast %get3A_342 : vector<16xi32> to vector<16xi32>
      tpu.vector_store %arg9[%swap3A_343], %swap3A_346 {strides = array<i32>} : memref<128xi32, #tpu.memory_space<vmem>>, vector<16xi32>,
      %get3A_347 = arith.index_cast %add3A_306 : i32 to index
      %get3A_348 = arith.constant 80 : index
      %get3A_349 = tpu.vector_load %arg4[%get3A_347, %get3A_348] {strides = array<i32>} : memref<80x128xi32, #tpu.memory_space<vmem>>, vector<1x16xi32>,
      %get3A_350 = vector.shape_cast %get3A_349 : vector<1x16xi32> to vector<16xi32>
      %swap3A_351 = arith.constant 80 : index
      %swap3A_352 = tpu.vector_load %arg9[%swap3A_351] {strides = array<i32>} : memref<128xi32, #tpu.memory_space<vmem>>, vector<16xi32>,
      %swap3A_353 = vector.shape_cast %swap3A_352 : vector<16xi32> to vector<16xi32>
      %swap3A_354 = vector.shape_cast %get3A_350 : vector<16xi32> to vector<16xi32>
      tpu.vector_store %arg9[%swap3A_351], %swap3A_354 {strides = array<i32>} : memref<128xi32, #tpu.memory_space<vmem>>, vector<16xi32>,
      %get3A_355 = arith.index_cast %add3A_306 : i32 to index
      %get3A_356 = arith.constant 96 : index
      %get3A_357 = tpu.vector_load %arg4[%get3A_355, %get3A_356] {strides = array<i32>} : memref<80x128xi32, #tpu.memory_space<vmem>>, vector<1x16xi32>,
      %get3A_358 = vector.shape_cast %get3A_357 : vector<1x16xi32> to vector<16xi32>
      %swap3A_359 = arith.constant 96 : index
      %swap3A_360 = tpu.vector_load %arg9[%swap3A_359] {strides = array<i32>} : memref<128xi32, #tpu.memory_space<vmem>>, vector<16xi32>,
      %swap3A_361 = vector.shape_cast %swap3A_360 : vector<16xi32> to vector<16xi32>
      %swap3A_362 = vector.shape_cast %get3A_358 : vector<16xi32> to vector<16xi32>
      tpu.vector_store %arg9[%swap3A_359], %swap3A_362 {strides = array<i32>} : memref<128xi32, #tpu.memory_space<vmem>>, vector<16xi32>,
      %get3A_363 = arith.index_cast %add3A_306 : i32 to index
      %get3A_364 = arith.constant 112 : index
      %get3A_365 = tpu.vector_load %arg4[%get3A_363, %get3A_364] {strides = array<i32>} : memref<80x128xi32, #tpu.memory_space<vmem>>, vector<1x16xi32>,
      %get3A_366 = vector.shape_cast %get3A_365 : vector<1x16xi32> to vector<16xi32>
      %swap3A_367 = arith.constant 112 : index
      %swap3A_368 = tpu.vector_load %arg9[%swap3A_367] {strides = array<i32>} : memref<128xi32, #tpu.memory_space<vmem>>, vector<16xi32>,
      %swap3A_369 = vector.shape_cast %swap3A_368 : vector<16xi32> to vector<16xi32>
      %swap3A_370 = vector.shape_cast %get3A_366 : vector<16xi32> to vector<16xi32>
      tpu.vector_store %arg9[%swap3A_367], %swap3A_370 {strides = array<i32>} : memref<128xi32, #tpu.memory_space<vmem>>, vector<16xi32>,
      %dma_start3A_371 = arith.constant 0 : i32
      %dma_start3A_372 = tpu.memref_slice %arg15[%dma_start3A_371] : memref<10112xf32, #tpu.memory_space<vmem_shared>> -> memref<10112xf32, #tpu.memory_space<vmem_shared>>
      tpu.enqueue_indirect_dma source(%arg13 : memref<128xf32, #tpu.memory_space<vmem>>) target(%dma_start3A_372 : memref<10112xf32, #tpu.memory_space<vmem_shared>>) offsets(%arg9 : memref<128xi32, #tpu.memory_space<vmem>>) semaphore(%arg16 : memref<!tpu.dma_semaphore, #tpu.memory_space<semaphore_mem>>) {add = true}
      %mul3A_373 = arith.constant 8 : i32
      %mul3A_374 = arith.muli %scan3A_25, %mul3A_373 : i32
      %add3A_375 = arith.constant 5 : i32
      %add3A_376 = arith.addi %mul3A_374, %add3A_375 : i32
      %get3A_377 = arith.index_cast %add3A_376 : i32 to index
      %get3A_378 = arith.constant 0 : index
      %get3A_379 = tpu.vector_load %arg4[%get3A_377, %get3A_378] {strides = array<i32>} : memref<80x128xi32, #tpu.memory_space<vmem>>, vector<1x16xi32>,
      %get3A_380 = vector.shape_cast %get3A_379 : vector<1x16xi32> to vector<16xi32>
      %swap3A_381 = arith.constant 0 : index
      %swap3A_382 = tpu.vector_load %arg10[%swap3A_381] {strides = array<i32>} : memref<128xi32, #tpu.memory_space<vmem>>, vector<16xi32>,
      %swap3A_383 = vector.shape_cast %swap3A_382 : vector<16xi32> to vector<16xi32>
      %swap3A_384 = vector.shape_cast %get3A_380 : vector<16xi32> to vector<16xi32>
      tpu.vector_store %arg10[%swap3A_381], %swap3A_384 {strides = array<i32>} : memref<128xi32, #tpu.memory_space<vmem>>, vector<16xi32>,
      %get3A_385 = arith.index_cast %add3A_376 : i32 to index
      %get3A_386 = arith.constant 16 : index
      %get3A_387 = tpu.vector_load %arg4[%get3A_385, %get3A_386] {strides = array<i32>} : memref<80x128xi32, #tpu.memory_space<vmem>>, vector<1x16xi32>,
      %get3A_388 = vector.shape_cast %get3A_387 : vector<1x16xi32> to vector<16xi32>
      %swap3A_389 = arith.constant 16 : index
      %swap3A_390 = tpu.vector_load %arg10[%swap3A_389] {strides = array<i32>} : memref<128xi32, #tpu.memory_space<vmem>>, vector<16xi32>,
      %swap3A_391 = vector.shape_cast %swap3A_390 : vector<16xi32> to vector<16xi32>
      %swap3A_392 = vector.shape_cast %get3A_388 : vector<16xi32> to vector<16xi32>
      tpu.vector_store %arg10[%swap3A_389], %swap3A_392 {strides = array<i32>} : memref<128xi32, #tpu.memory_space<vmem>>, vector<16xi32>,
      %get3A_393 = arith.index_cast %add3A_376 : i32 to index
      %get3A_394 = arith.constant 32 : index
      %get3A_395 = tpu.vector_load %arg4[%get3A_393, %get3A_394] {strides = array<i32>} : memref<80x128xi32, #tpu.memory_space<vmem>>, vector<1x16xi32>,
      %get3A_396 = vector.shape_cast %get3A_395 : vector<1x16xi32> to vector<16xi32>
      %swap3A_397 = arith.constant 32 : index
      %swap3A_398 = tpu.vector_load %arg10[%swap3A_397] {strides = array<i32>} : memref<128xi32, #tpu.memory_space<vmem>>, vector<16xi32>,
      %swap3A_399 = vector.shape_cast %swap3A_398 : vector<16xi32> to vector<16xi32>
      %swap3A_400 = vector.shape_cast %get3A_396 : vector<16xi32> to vector<16xi32>
      tpu.vector_store %arg10[%swap3A_397], %swap3A_400 {strides = array<i32>} : memref<128xi32, #tpu.memory_space<vmem>>, vector<16xi32>,
      %get3A_401 = arith.index_cast %add3A_376 : i32 to index
      %get3A_402 = arith.constant 48 : index
      %get3A_403 = tpu.vector_load %arg4[%get3A_401, %get3A_402] {strides = array<i32>} : memref<80x128xi32, #tpu.memory_space<vmem>>, vector<1x16xi32>,
      %get3A_404 = vector.shape_cast %get3A_403 : vector<1x16xi32> to vector<16xi32>
      %swap3A_405 = arith.constant 48 : index
      %swap3A_406 = tpu.vector_load %arg10[%swap3A_405] {strides = array<i32>} : memref<128xi32, #tpu.memory_space<vmem>>, vector<16xi32>,
      %swap3A_407 = vector.shape_cast %swap3A_406 : vector<16xi32> to vector<16xi32>
      %swap3A_408 = vector.shape_cast %get3A_404 : vector<16xi32> to vector<16xi32>
      tpu.vector_store %arg10[%swap3A_405], %swap3A_408 {strides = array<i32>} : memref<128xi32, #tpu.memory_space<vmem>>, vector<16xi32>,
      %get3A_409 = arith.index_cast %add3A_376 : i32 to index
      %get3A_410 = arith.constant 64 : index
      %get3A_411 = tpu.vector_load %arg4[%get3A_409, %get3A_410] {strides = array<i32>} : memref<80x128xi32, #tpu.memory_space<vmem>>, vector<1x16xi32>,
      %get3A_412 = vector.shape_cast %get3A_411 : vector<1x16xi32> to vector<16xi32>
      %swap3A_413 = arith.constant 64 : index
      %swap3A_414 = tpu.vector_load %arg10[%swap3A_413] {strides = array<i32>} : memref<128xi32, #tpu.memory_space<vmem>>, vector<16xi32>,
      %swap3A_415 = vector.shape_cast %swap3A_414 : vector<16xi32> to vector<16xi32>
      %swap3A_416 = vector.shape_cast %get3A_412 : vector<16xi32> to vector<16xi32>
      tpu.vector_store %arg10[%swap3A_413], %swap3A_416 {strides = array<i32>} : memref<128xi32, #tpu.memory_space<vmem>>, vector<16xi32>,
      %get3A_417 = arith.index_cast %add3A_376 : i32 to index
      %get3A_418 = arith.constant 80 : index
      %get3A_419 = tpu.vector_load %arg4[%get3A_417, %get3A_418] {strides = array<i32>} : memref<80x128xi32, #tpu.memory_space<vmem>>, vector<1x16xi32>,
      %get3A_420 = vector.shape_cast %get3A_419 : vector<1x16xi32> to vector<16xi32>
      %swap3A_421 = arith.constant 80 : index
      %swap3A_422 = tpu.vector_load %arg10[%swap3A_421] {strides = array<i32>} : memref<128xi32, #tpu.memory_space<vmem>>, vector<16xi32>,
      %swap3A_423 = vector.shape_cast %swap3A_422 : vector<16xi32> to vector<16xi32>
      %swap3A_424 = vector.shape_cast %get3A_420 : vector<16xi32> to vector<16xi32>
      tpu.vector_store %arg10[%swap3A_421], %swap3A_424 {strides = array<i32>} : memref<128xi32, #tpu.memory_space<vmem>>, vector<16xi32>,
      %get3A_425 = arith.index_cast %add3A_376 : i32 to index
      %get3A_426 = arith.constant 96 : index
      %get3A_427 = tpu.vector_load %arg4[%get3A_425, %get3A_426] {strides = array<i32>} : memref<80x128xi32, #tpu.memory_space<vmem>>, vector<1x16xi32>,
      %get3A_428 = vector.shape_cast %get3A_427 : vector<1x16xi32> to vector<16xi32>
      %swap3A_429 = arith.constant 96 : index
      %swap3A_430 = tpu.vector_load %arg10[%swap3A_429] {strides = array<i32>} : memref<128xi32, #tpu.memory_space<vmem>>, vector<16xi32>,
      %swap3A_431 = vector.shape_cast %swap3A_430 : vector<16xi32> to vector<16xi32>
      %swap3A_432 = vector.shape_cast %get3A_428 : vector<16xi32> to vector<16xi32>
      tpu.vector_store %arg10[%swap3A_429], %swap3A_432 {strides = array<i32>} : memref<128xi32, #tpu.memory_space<vmem>>, vector<16xi32>,
      %get3A_433 = arith.index_cast %add3A_376 : i32 to index
      %get3A_434 = arith.constant 112 : index
      %get3A_435 = tpu.vector_load %arg4[%get3A_433, %get3A_434] {strides = array<i32>} : memref<80x128xi32, #tpu.memory_space<vmem>>, vector<1x16xi32>,
      %get3A_436 = vector.shape_cast %get3A_435 : vector<1x16xi32> to vector<16xi32>
      %swap3A_437 = arith.constant 112 : index
      %swap3A_438 = tpu.vector_load %arg10[%swap3A_437] {strides = array<i32>} : memref<128xi32, #tpu.memory_space<vmem>>, vector<16xi32>,
      %swap3A_439 = vector.shape_cast %swap3A_438 : vector<16xi32> to vector<16xi32>
      %swap3A_440 = vector.shape_cast %get3A_436 : vector<16xi32> to vector<16xi32>
      tpu.vector_store %arg10[%swap3A_437], %swap3A_440 {strides = array<i32>} : memref<128xi32, #tpu.memory_space<vmem>>, vector<16xi32>,
      %dma_start3A_441 = arith.constant 0 : i32
      %dma_start3A_442 = tpu.memref_slice %arg15[%dma_start3A_441] : memref<10112xf32, #tpu.memory_space<vmem_shared>> -> memref<10112xf32, #tpu.memory_space<vmem_shared>>
      tpu.enqueue_indirect_dma source(%arg13 : memref<128xf32, #tpu.memory_space<vmem>>) target(%dma_start3A_442 : memref<10112xf32, #tpu.memory_space<vmem_shared>>) offsets(%arg10 : memref<128xi32, #tpu.memory_space<vmem>>) semaphore(%arg16 : memref<!tpu.dma_semaphore, #tpu.memory_space<semaphore_mem>>) {add = true}
      %mul3A_443 = arith.constant 8 : i32
      %mul3A_444 = arith.muli %scan3A_25, %mul3A_443 : i32
      %add3A_445 = arith.constant 6 : i32
      %add3A_446 = arith.addi %mul3A_444, %add3A_445 : i32
      %get3A_447 = arith.index_cast %add3A_446 : i32 to index
      %get3A_448 = arith.constant 0 : index
      %get3A_449 = tpu.vector_load %arg4[%get3A_447, %get3A_448] {strides = array<i32>} : memref<80x128xi32, #tpu.memory_space<vmem>>, vector<1x16xi32>,
      %get3A_450 = vector.shape_cast %get3A_449 : vector<1x16xi32> to vector<16xi32>
      %swap3A_451 = arith.constant 0 : index
      %swap3A_452 = tpu.vector_load %arg11[%swap3A_451] {strides = array<i32>} : memref<128xi32, #tpu.memory_space<vmem>>, vector<16xi32>,
      %swap3A_453 = vector.shape_cast %swap3A_452 : vector<16xi32> to vector<16xi32>
      %swap3A_454 = vector.shape_cast %get3A_450 : vector<16xi32> to vector<16xi32>
      tpu.vector_store %arg11[%swap3A_451], %swap3A_454 {strides = array<i32>} : memref<128xi32, #tpu.memory_space<vmem>>, vector<16xi32>,
      %get3A_455 = arith.index_cast %add3A_446 : i32 to index
      %get3A_456 = arith.constant 16 : index
      %get3A_457 = tpu.vector_load %arg4[%get3A_455, %get3A_456] {strides = array<i32>} : memref<80x128xi32, #tpu.memory_space<vmem>>, vector<1x16xi32>,
      %get3A_458 = vector.shape_cast %get3A_457 : vector<1x16xi32> to vector<16xi32>
      %swap3A_459 = arith.constant 16 : index
      %swap3A_460 = tpu.vector_load %arg11[%swap3A_459] {strides = array<i32>} : memref<128xi32, #tpu.memory_space<vmem>>, vector<16xi32>,
      %swap3A_461 = vector.shape_cast %swap3A_460 : vector<16xi32> to vector<16xi32>
      %swap3A_462 = vector.shape_cast %get3A_458 : vector<16xi32> to vector<16xi32>
      tpu.vector_store %arg11[%swap3A_459], %swap3A_462 {strides = array<i32>} : memref<128xi32, #tpu.memory_space<vmem>>, vector<16xi32>,
      %get3A_463 = arith.index_cast %add3A_446 : i32 to index
      %get3A_464 = arith.constant 32 : index
      %get3A_465 = tpu.vector_load %arg4[%get3A_463, %get3A_464] {strides = array<i32>} : memref<80x128xi32, #tpu.memory_space<vmem>>, vector<1x16xi32>,
      %get3A_466 = vector.shape_cast %get3A_465 : vector<1x16xi32> to vector<16xi32>
      %swap3A_467 = arith.constant 32 : index
      %swap3A_468 = tpu.vector_load %arg11[%swap3A_467] {strides = array<i32>} : memref<128xi32, #tpu.memory_space<vmem>>, vector<16xi32>,
      %swap3A_469 = vector.shape_cast %swap3A_468 : vector<16xi32> to vector<16xi32>
      %swap3A_470 = vector.shape_cast %get3A_466 : vector<16xi32> to vector<16xi32>
      tpu.vector_store %arg11[%swap3A_467], %swap3A_470 {strides = array<i32>} : memref<128xi32, #tpu.memory_space<vmem>>, vector<16xi32>,
      %get3A_471 = arith.index_cast %add3A_446 : i32 to index
      %get3A_472 = arith.constant 48 : index
      %get3A_473 = tpu.vector_load %arg4[%get3A_471, %get3A_472] {strides = array<i32>} : memref<80x128xi32, #tpu.memory_space<vmem>>, vector<1x16xi32>,
      %get3A_474 = vector.shape_cast %get3A_473 : vector<1x16xi32> to vector<16xi32>
      %swap3A_475 = arith.constant 48 : index
      %swap3A_476 = tpu.vector_load %arg11[%swap3A_475] {strides = array<i32>} : memref<128xi32, #tpu.memory_space<vmem>>, vector<16xi32>,
      %swap3A_477 = vector.shape_cast %swap3A_476 : vector<16xi32> to vector<16xi32>
      %swap3A_478 = vector.shape_cast %get3A_474 : vector<16xi32> to vector<16xi32>
      tpu.vector_store %arg11[%swap3A_475], %swap3A_478 {strides = array<i32>} : memref<128xi32, #tpu.memory_space<vmem>>, vector<16xi32>,
      %get3A_479 = arith.index_cast %add3A_446 : i32 to index
      %get3A_480 = arith.constant 64 : index
      %get3A_481 = tpu.vector_load %arg4[%get3A_479, %get3A_480] {strides = array<i32>} : memref<80x128xi32, #tpu.memory_space<vmem>>, vector<1x16xi32>,
      %get3A_482 = vector.shape_cast %get3A_481 : vector<1x16xi32> to vector<16xi32>
      %swap3A_483 = arith.constant 64 : index
      %swap3A_484 = tpu.vector_load %arg11[%swap3A_483] {strides = array<i32>} : memref<128xi32, #tpu.memory_space<vmem>>, vector<16xi32>,
      %swap3A_485 = vector.shape_cast %swap3A_484 : vector<16xi32> to vector<16xi32>
      %swap3A_486 = vector.shape_cast %get3A_482 : vector<16xi32> to vector<16xi32>
      tpu.vector_store %arg11[%swap3A_483], %swap3A_486 {strides = array<i32>} : memref<128xi32, #tpu.memory_space<vmem>>, vector<16xi32>,
      %get3A_487 = arith.index_cast %add3A_446 : i32 to index
      %get3A_488 = arith.constant 80 : index
      %get3A_489 = tpu.vector_load %arg4[%get3A_487, %get3A_488] {strides = array<i32>} : memref<80x128xi32, #tpu.memory_space<vmem>>, vector<1x16xi32>,
      %get3A_490 = vector.shape_cast %get3A_489 : vector<1x16xi32> to vector<16xi32>
      %swap3A_491 = arith.constant 80 : index
      %swap3A_492 = tpu.vector_load %arg11[%swap3A_491] {strides = array<i32>} : memref<128xi32, #tpu.memory_space<vmem>>, vector<16xi32>,
      %swap3A_493 = vector.shape_cast %swap3A_492 : vector<16xi32> to vector<16xi32>
      %swap3A_494 = vector.shape_cast %get3A_490 : vector<16xi32> to vector<16xi32>
      tpu.vector_store %arg11[%swap3A_491], %swap3A_494 {strides = array<i32>} : memref<128xi32, #tpu.memory_space<vmem>>, vector<16xi32>,
      %get3A_495 = arith.index_cast %add3A_446 : i32 to index
      %get3A_496 = arith.constant 96 : index
      %get3A_497 = tpu.vector_load %arg4[%get3A_495, %get3A_496] {strides = array<i32>} : memref<80x128xi32, #tpu.memory_space<vmem>>, vector<1x16xi32>,
      %get3A_498 = vector.shape_cast %get3A_497 : vector<1x16xi32> to vector<16xi32>
      %swap3A_499 = arith.constant 96 : index
      %swap3A_500 = tpu.vector_load %arg11[%swap3A_499] {strides = array<i32>} : memref<128xi32, #tpu.memory_space<vmem>>, vector<16xi32>,
      %swap3A_501 = vector.shape_cast %swap3A_500 : vector<16xi32> to vector<16xi32>
      %swap3A_502 = vector.shape_cast %get3A_498 : vector<16xi32> to vector<16xi32>
      tpu.vector_store %arg11[%swap3A_499], %swap3A_502 {strides = array<i32>} : memref<128xi32, #tpu.memory_space<vmem>>, vector<16xi32>,
      %get3A_503 = arith.index_cast %add3A_446 : i32 to index
      %get3A_504 = arith.constant 112 : index
      %get3A_505 = tpu.vector_load %arg4[%get3A_503, %get3A_504] {strides = array<i32>} : memref<80x128xi32, #tpu.memory_space<vmem>>, vector<1x16xi32>,
      %get3A_506 = vector.shape_cast %get3A_505 : vector<1x16xi32> to vector<16xi32>
      %swap3A_507 = arith.constant 112 : index
      %swap3A_508 = tpu.vector_load %arg11[%swap3A_507] {strides = array<i32>} : memref<128xi32, #tpu.memory_space<vmem>>, vector<16xi32>,
      %swap3A_509 = vector.shape_cast %swap3A_508 : vector<16xi32> to vector<16xi32>
      %swap3A_510 = vector.shape_cast %get3A_506 : vector<16xi32> to vector<16xi32>
      tpu.vector_store %arg11[%swap3A_507], %swap3A_510 {strides = array<i32>} : memref<128xi32, #tpu.memory_space<vmem>>, vector<16xi32>,
      %dma_start3A_511 = arith.constant 0 : i32
      %dma_start3A_512 = tpu.memref_slice %arg15[%dma_start3A_511] : memref<10112xf32, #tpu.memory_space<vmem_shared>> -> memref<10112xf32, #tpu.memory_space<vmem_shared>>
      tpu.enqueue_indirect_dma source(%arg13 : memref<128xf32, #tpu.memory_space<vmem>>) target(%dma_start3A_512 : memref<10112xf32, #tpu.memory_space<vmem_shared>>) offsets(%arg11 : memref<128xi32, #tpu.memory_space<vmem>>) semaphore(%arg16 : memref<!tpu.dma_semaphore, #tpu.memory_space<semaphore_mem>>) {add = true}
      %mul3A_513 = arith.constant 8 : i32
      %mul3A_514 = arith.muli %scan3A_25, %mul3A_513 : i32
      %add3A_515 = arith.constant 7 : i32
      %add3A_516 = arith.addi %mul3A_514, %add3A_515 : i32
      %get3A_517 = arith.index_cast %add3A_516 : i32 to index
      %get3A_518 = arith.constant 0 : index
      %get3A_519 = tpu.vector_load %arg4[%get3A_517, %get3A_518] {strides = array<i32>} : memref<80x128xi32, #tpu.memory_space<vmem>>, vector<1x16xi32>,
      %get3A_520 = vector.shape_cast %get3A_519 : vector<1x16xi32> to vector<16xi32>
      %swap3A_521 = arith.constant 0 : index
      %swap3A_522 = tpu.vector_load %arg12[%swap3A_521] {strides = array<i32>} : memref<128xi32, #tpu.memory_space<vmem>>, vector<16xi32>,
      %swap3A_523 = vector.shape_cast %swap3A_522 : vector<16xi32> to vector<16xi32>
      %swap3A_524 = vector.shape_cast %get3A_520 : vector<16xi32> to vector<16xi32>
      tpu.vector_store %arg12[%swap3A_521], %swap3A_524 {strides = array<i32>} : memref<128xi32, #tpu.memory_space<vmem>>, vector<16xi32>,
      %get3A_525 = arith.index_cast %add3A_516 : i32 to index
      %get3A_526 = arith.constant 16 : index
      %get3A_527 = tpu.vector_load %arg4[%get3A_525, %get3A_526] {strides = array<i32>} : memref<80x128xi32, #tpu.memory_space<vmem>>, vector<1x16xi32>,
      %get3A_528 = vector.shape_cast %get3A_527 : vector<1x16xi32> to vector<16xi32>
      %swap3A_529 = arith.constant 16 : index
      %swap3A_530 = tpu.vector_load %arg12[%swap3A_529] {strides = array<i32>} : memref<128xi32, #tpu.memory_space<vmem>>, vector<16xi32>,
      %swap3A_531 = vector.shape_cast %swap3A_530 : vector<16xi32> to vector<16xi32>
      %swap3A_532 = vector.shape_cast %get3A_528 : vector<16xi32> to vector<16xi32>
      tpu.vector_store %arg12[%swap3A_529], %swap3A_532 {strides = array<i32>} : memref<128xi32, #tpu.memory_space<vmem>>, vector<16xi32>,
      %get3A_533 = arith.index_cast %add3A_516 : i32 to index
      %get3A_534 = arith.constant 32 : index
      %get3A_535 = tpu.vector_load %arg4[%get3A_533, %get3A_534] {strides = array<i32>} : memref<80x128xi32, #tpu.memory_space<vmem>>, vector<1x16xi32>,
      %get3A_536 = vector.shape_cast %get3A_535 : vector<1x16xi32> to vector<16xi32>
      %swap3A_537 = arith.constant 32 : index
      %swap3A_538 = tpu.vector_load %arg12[%swap3A_537] {strides = array<i32>} : memref<128xi32, #tpu.memory_space<vmem>>, vector<16xi32>,
      %swap3A_539 = vector.shape_cast %swap3A_538 : vector<16xi32> to vector<16xi32>
      %swap3A_540 = vector.shape_cast %get3A_536 : vector<16xi32> to vector<16xi32>
      tpu.vector_store %arg12[%swap3A_537], %swap3A_540 {strides = array<i32>} : memref<128xi32, #tpu.memory_space<vmem>>, vector<16xi32>,
      %get3A_541 = arith.index_cast %add3A_516 : i32 to index
      %get3A_542 = arith.constant 48 : index
      %get3A_543 = tpu.vector_load %arg4[%get3A_541, %get3A_542] {strides = array<i32>} : memref<80x128xi32, #tpu.memory_space<vmem>>, vector<1x16xi32>,
      %get3A_544 = vector.shape_cast %get3A_543 : vector<1x16xi32> to vector<16xi32>
      %swap3A_545 = arith.constant 48 : index
      %swap3A_546 = tpu.vector_load %arg12[%swap3A_545] {strides = array<i32>} : memref<128xi32, #tpu.memory_space<vmem>>, vector<16xi32>,
      %swap3A_547 = vector.shape_cast %swap3A_546 : vector<16xi32> to vector<16xi32>
      %swap3A_548 = vector.shape_cast %get3A_544 : vector<16xi32> to vector<16xi32>
      tpu.vector_store %arg12[%swap3A_545], %swap3A_548 {strides = array<i32>} : memref<128xi32, #tpu.memory_space<vmem>>, vector<16xi32>,
      %get3A_549 = arith.index_cast %add3A_516 : i32 to index
      %get3A_550 = arith.constant 64 : index
      %get3A_551 = tpu.vector_load %arg4[%get3A_549, %get3A_550] {strides = array<i32>} : memref<80x128xi32, #tpu.memory_space<vmem>>, vector<1x16xi32>,
      %get3A_552 = vector.shape_cast %get3A_551 : vector<1x16xi32> to vector<16xi32>
      %swap3A_553 = arith.constant 64 : index
      %swap3A_554 = tpu.vector_load %arg12[%swap3A_553] {strides = array<i32>} : memref<128xi32, #tpu.memory_space<vmem>>, vector<16xi32>,
      %swap3A_555 = vector.shape_cast %swap3A_554 : vector<16xi32> to vector<16xi32>
      %swap3A_556 = vector.shape_cast %get3A_552 : vector<16xi32> to vector<16xi32>
      tpu.vector_store %arg12[%swap3A_553], %swap3A_556 {strides = array<i32>} : memref<128xi32, #tpu.memory_space<vmem>>, vector<16xi32>,
      %get3A_557 = arith.index_cast %add3A_516 : i32 to index
      %get3A_558 = arith.constant 80 : index
      %get3A_559 = tpu.vector_load %arg4[%get3A_557, %get3A_558] {strides = array<i32>} : memref<80x128xi32, #tpu.memory_space<vmem>>, vector<1x16xi32>,
      %get3A_560 = vector.shape_cast %get3A_559 : vector<1x16xi32> to vector<16xi32>
      %swap3A_561 = arith.constant 80 : index
      %swap3A_562 = tpu.vector_load %arg12[%swap3A_561] {strides = array<i32>} : memref<128xi32, #tpu.memory_space<vmem>>, vector<16xi32>,
      %swap3A_563 = vector.shape_cast %swap3A_562 : vector<16xi32> to vector<16xi32>
      %swap3A_564 = vector.shape_cast %get3A_560 : vector<16xi32> to vector<16xi32>
      tpu.vector_store %arg12[%swap3A_561], %swap3A_564 {strides = array<i32>} : memref<128xi32, #tpu.memory_space<vmem>>, vector<16xi32>,
      %get3A_565 = arith.index_cast %add3A_516 : i32 to index
      %get3A_566 = arith.constant 96 : index
      %get3A_567 = tpu.vector_load %arg4[%get3A_565, %get3A_566] {strides = array<i32>} : memref<80x128xi32, #tpu.memory_space<vmem>>, vector<1x16xi32>,
      %get3A_568 = vector.shape_cast %get3A_567 : vector<1x16xi32> to vector<16xi32>
      %swap3A_569 = arith.constant 96 : index
      %swap3A_570 = tpu.vector_load %arg12[%swap3A_569] {strides = array<i32>} : memref<128xi32, #tpu.memory_space<vmem>>, vector<16xi32>,
      %swap3A_571 = vector.shape_cast %swap3A_570 : vector<16xi32> to vector<16xi32>
      %swap3A_572 = vector.shape_cast %get3A_568 : vector<16xi32> to vector<16xi32>
      tpu.vector_store %arg12[%swap3A_569], %swap3A_572 {strides = array<i32>} : memref<128xi32, #tpu.memory_space<vmem>>, vector<16xi32>,
      %get3A_573 = arith.index_cast %add3A_516 : i32 to index
      %get3A_574 = arith.constant 112 : index
      %get3A_575 = tpu.vector_load %arg4[%get3A_573, %get3A_574] {strides = array<i32>} : memref<80x128xi32, #tpu.memory_space<vmem>>, vector<1x16xi32>,
      %get3A_576 = vector.shape_cast %get3A_575 : vector<1x16xi32> to vector<16xi32>
      %swap3A_577 = arith.constant 112 : index
      %swap3A_578 = tpu.vector_load %arg12[%swap3A_577] {strides = array<i32>} : memref<128xi32, #tpu.memory_space<vmem>>, vector<16xi32>,
      %swap3A_579 = vector.shape_cast %swap3A_578 : vector<16xi32> to vector<16xi32>
      %swap3A_580 = vector.shape_cast %get3A_576 : vector<16xi32> to vector<16xi32>
      tpu.vector_store %arg12[%swap3A_577], %swap3A_580 {strides = array<i32>} : memref<128xi32, #tpu.memory_space<vmem>>, vector<16xi32>,
      %dma_start3A_581 = arith.constant 0 : i32
      %dma_start3A_582 = tpu.memref_slice %arg15[%dma_start3A_581] : memref<10112xf32, #tpu.memory_space<vmem_shared>> -> memref<10112xf32, #tpu.memory_space<vmem_shared>>
      tpu.enqueue_indirect_dma source(%arg13 : memref<128xf32, #tpu.memory_space<vmem>>) target(%dma_start3A_582 : memref<10112xf32, #tpu.memory_space<vmem_shared>>) offsets(%arg12 : memref<128xi32, #tpu.memory_space<vmem>>) semaphore(%arg16 : memref<!tpu.dma_semaphore, #tpu.memory_space<semaphore_mem>>) {add = true}
      %dma_wait3A = arith.constant 0 : i32
      %dma_wait3A_583 = tpu.memref_slice %arg15[%dma_wait3A] : memref<10112xf32, #tpu.memory_space<vmem_shared>> -> memref<10112xf32, #tpu.memory_space<vmem_shared>>
      tpu.wait_indirect_dma semaphore(%arg16 : memref<!tpu.dma_semaphore, #tpu.memory_space<semaphore_mem>>) src(%arg13 : memref<128xf32, #tpu.memory_space<vmem>>) dst(%dma_wait3A_583 : memref<10112xf32, #tpu.memory_space<vmem_shared>>)
      %dma_wait3A_584 = arith.constant 0 : i32
      %dma_wait3A_585 = tpu.memref_slice %arg15[%dma_wait3A_584] : memref<10112xf32, #tpu.memory_space<vmem_shared>> -> memref<10112xf32, #tpu.memory_space<vmem_shared>>
      tpu.wait_indirect_dma semaphore(%arg16 : memref<!tpu.dma_semaphore, #tpu.memory_space<semaphore_mem>>) src(%arg13 : memref<128xf32, #tpu.memory_space<vmem>>) dst(%dma_wait3A_585 : memref<10112xf32, #tpu.memory_space<vmem_shared>>)
      %dma_wait3A_586 = arith.constant 0 : i32
      %dma_wait3A_587 = tpu.memref_slice %arg15[%dma_wait3A_586] : memref<10112xf32, #tpu.memory_space<vmem_shared>> -> memref<10112xf32, #tpu.memory_space<vmem_shared>>
      tpu.wait_indirect_dma semaphore(%arg16 : memref<!tpu.dma_semaphore, #tpu.memory_space<semaphore_mem>>) src(%arg13 : memref<128xf32, #tpu.memory_space<vmem>>) dst(%dma_wait3A_587 : memref<10112xf32, #tpu.memory_space<vmem_shared>>)
      %dma_wait3A_588 = arith.constant 0 : i32
      %dma_wait3A_589 = tpu.memref_slice %arg15[%dma_wait3A_588] : memref<10112xf32, #tpu.memory_space<vmem_shared>> -> memref<10112xf32, #tpu.memory_space<vmem_shared>>
      tpu.wait_indirect_dma semaphore(%arg16 : memref<!tpu.dma_semaphore, #tpu.memory_space<semaphore_mem>>) src(%arg13 : memref<128xf32, #tpu.memory_space<vmem>>) dst(%dma_wait3A_589 : memref<10112xf32, #tpu.memory_space<vmem_shared>>)
      %dma_wait3A_590 = arith.constant 0 : i32
      %dma_wait3A_591 = tpu.memref_slice %arg15[%dma_wait3A_590] : memref<10112xf32, #tpu.memory_space<vmem_shared>> -> memref<10112xf32, #tpu.memory_space<vmem_shared>>
      tpu.wait_indirect_dma semaphore(%arg16 : memref<!tpu.dma_semaphore, #tpu.memory_space<semaphore_mem>>) src(%arg13 : memref<128xf32, #tpu.memory_space<vmem>>) dst(%dma_wait3A_591 : memref<10112xf32, #tpu.memory_space<vmem_shared>>)
      %dma_wait3A_592 = arith.constant 0 : i32
      %dma_wait3A_593 = tpu.memref_slice %arg15[%dma_wait3A_592] : memref<10112xf32, #tpu.memory_space<vmem_shared>> -> memref<10112xf32, #tpu.memory_space<vmem_shared>>
      tpu.wait_indirect_dma semaphore(%arg16 : memref<!tpu.dma_semaphore, #tpu.memory_space<semaphore_mem>>) src(%arg13 : memref<128xf32, #tpu.memory_space<vmem>>) dst(%dma_wait3A_593 : memref<10112xf32, #tpu.memory_space<vmem_shared>>)
      %dma_wait3A_594 = arith.constant 0 : i32
      %dma_wait3A_595 = tpu.memref_slice %arg15[%dma_wait3A_594] : memref<10112xf32, #tpu.memory_space<vmem_shared>> -> memref<10112xf32, #tpu.memory_space<vmem_shared>>
      tpu.wait_indirect_dma semaphore(%arg16 : memref<!tpu.dma_semaphore, #tpu.memory_space<semaphore_mem>>) src(%arg13 : memref<128xf32, #tpu.memory_space<vmem>>) dst(%dma_wait3A_595 : memref<10112xf32, #tpu.memory_space<vmem_shared>>)
      %dma_wait3A_596 = arith.constant 0 : i32
      %dma_wait3A_597 = tpu.memref_slice %arg15[%dma_wait3A_596] : memref<10112xf32, #tpu.memory_space<vmem_shared>> -> memref<10112xf32, #tpu.memory_space<vmem_shared>>
      tpu.wait_indirect_dma semaphore(%arg16 : memref<!tpu.dma_semaphore, #tpu.memory_space<semaphore_mem>>) src(%arg13 : memref<128xf32, #tpu.memory_space<vmem>>) dst(%dma_wait3A_597 : memref<10112xf32, #tpu.memory_space<vmem_shared>>)
    }
    %scan3A_21 = arith.constant 10 : i32
    %barrier3A_22 = arith.constant 0 : index
    tpu.barrier barrier_id(%barrier3A_22)
    %eq3A = arith.constant 0 : i32
    %eq3A_23 = arith.cmpi eq, %arg1, %eq3A : i32
    %convert_element_type3A = arith.extui %eq3A_23 : i1 to i32
    %cond3A = arith.constant 0 : i32
    %cond3A_24 = arith.cmpi ne, %convert_element_type3A, %cond3A : i32
    scf.if %cond3A_24 {
      "tpu.region"() ({
        %run_scoped3A = tpu.sem_alloc : memref<!tpu.dma_semaphore, #tpu.memory_space<semaphore_mem>>
        %dma_start3A = arith.constant 0 : i32
        %dma_start3A_25 = tpu.memref_slice %arg3[%arg0, %dma_start3A] : memref<2x10112xf32, #tpu.memory_space<hbm>> -> memref<1x10112xf32, #tpu.memory_space<hbm>>
        %dma_start3A_26 = tpu.memref_squeeze %dma_start3A_25 : memref<1x10112xf32, #tpu.memory_space<hbm>> -> memref<10112xf32, #tpu.memory_space<hbm>>
        tpu.enqueue_dma source(%arg15 : memref<10112xf32, #tpu.memory_space<vmem_shared>>) target(%dma_start3A_26 : memref<10112xf32, #tpu.memory_space<hbm>>) target_semaphore(%run_scoped3A : memref<!tpu.dma_semaphore, #tpu.memory_space<semaphore_mem>>)
        %dma_wait3A = arith.constant 0 : i32
        %dma_wait3A_27 = tpu.memref_slice %arg3[%arg0, %dma_wait3A] : memref<2x10112xf32, #tpu.memory_space<hbm>> -> memref<1x10112xf32, #tpu.memory_space<hbm>>
        %dma_wait3A_28 = tpu.memref_squeeze %dma_wait3A_27 : memref<1x10112xf32, #tpu.memory_space<hbm>> -> memref<10112xf32, #tpu.memory_space<hbm>>
        tpu.wait_dma2 semaphore(%run_scoped3A : memref<!tpu.dma_semaphore, #tpu.memory_space<semaphore_mem>>) src(%arg15 : memref<10112xf32, #tpu.memory_space<vmem_shared>>) dst(%dma_wait3A_28 : memref<10112xf32, #tpu.memory_space<hbm>>)
        tpu.yield
      }) : () -> ()
    } else {
    }
    return
  }
}

#map = affine_map<(d0, d1) -> (0, 0)>
#map1 = affine_map<(d0, d1) -> (0)>
module attributes {stable_mosaic.version = 14 : i64} {
  func.func @_scatter_edges_body(%arg0: i32, %arg1: i32, %arg2: memref<10000x128xf32, #tpu.memory_space<hbm>>, %arg3: memref<320000xi32, #tpu.memory_space<hbm>>, %arg4: memref<320000xi32, #tpu.memory_space<hbm>>, %arg5: memref<10112x128xf32, #tpu.memory_space<hbm>>, %arg6: memref<10112x128xf32, #tpu.memory_space<hbm>>, %arg7: memref<128xi32, #tpu.memory_space<vmem>>, %arg8: memref<128xi32, #tpu.memory_space<vmem>>, %arg9: memref<128xi32, #tpu.memory_space<vmem>>, %arg10: memref<128xi32, #tpu.memory_space<vmem>>, %arg11: memref<128x128xf32, #tpu.memory_space<vmem>>, %arg12: memref<128x128xf32, #tpu.memory_space<vmem>>, %arg13: memref<128x128xf32, #tpu.memory_space<vmem>>, %arg14: memref<10112x128xf32, #tpu.memory_space<vmem_shared>>, %arg15: memref<!tpu.dma_semaphore, #tpu.memory_space<semaphore_mem>>, %arg16: memref<!tpu.dma_semaphore, #tpu.memory_space<semaphore_mem>>) attributes {dimension_semantics = [#tpu.dimension_semantics<core_parallel>, #tpu.dimension_semantics<subcore_parallel>], iteration_bounds = array<i64: 2, 16>, scalar_prefetch = 0 : i64, scratch_operands = 10 : i64, tpu.core_type = #tpu.core_type<sc_vector_subcore>, window_params = [{transform_indices = #map}, {transform_indices = #map1}, {transform_indices = #map1}, {transform_indices = #map}, {transform_indices = #map}]} {
    %scan3A = arith.constant 0 : i32
    %scan3A_0 = arith.constant 0 : i32
    %scan3A_1 = arith.constant 128 : i32
    %scan3A_2 = arith.addi %scan3A_0, %scan3A_1 : i32
    %scan3A_3 = arith.constant 1 : i32
    scf.for %scan3A_48 = %scan3A_0 to %scan3A_2 step %scan3A_3  : i32 {
      %broadcast_in_dim3A = arith.constant 0.000000e+00 : f32
      %broadcast_in_dim3A_49 = vector.broadcast %broadcast_in_dim3A : f32 to vector<16xf32>
      %swap3A = arith.index_cast %scan3A_48 : i32 to index
      %swap3A_50 = arith.constant 0 : index
      %swap3A_51 = tpu.vector_load %arg13[%swap3A, %swap3A_50] {strides = array<i32>} : memref<128x128xf32, #tpu.memory_space<vmem>>, vector<1x16xf32>,
      %swap3A_52 = vector.shape_cast %swap3A_51 : vector<1x16xf32> to vector<16xf32>
      %swap3A_53 = vector.shape_cast %broadcast_in_dim3A_49 : vector<16xf32> to vector<1x16xf32>
      tpu.vector_store %arg13[%swap3A, %swap3A_50], %swap3A_53 {strides = array<i32>} : memref<128x128xf32, #tpu.memory_space<vmem>>, vector<1x16xf32>,
      %broadcast_in_dim3A_54 = arith.constant 0.000000e+00 : f32
      %broadcast_in_dim3A_55 = vector.broadcast %broadcast_in_dim3A_54 : f32 to vector<16xf32>
      %swap3A_56 = arith.index_cast %scan3A_48 : i32 to index
      %swap3A_57 = arith.constant 16 : index
      %swap3A_58 = tpu.vector_load %arg13[%swap3A_56, %swap3A_57] {strides = array<i32>} : memref<128x128xf32, #tpu.memory_space<vmem>>, vector<1x16xf32>,
      %swap3A_59 = vector.shape_cast %swap3A_58 : vector<1x16xf32> to vector<16xf32>
      %swap3A_60 = vector.shape_cast %broadcast_in_dim3A_55 : vector<16xf32> to vector<1x16xf32>
      tpu.vector_store %arg13[%swap3A_56, %swap3A_57], %swap3A_60 {strides = array<i32>} : memref<128x128xf32, #tpu.memory_space<vmem>>, vector<1x16xf32>,
      %broadcast_in_dim3A_61 = arith.constant 0.000000e+00 : f32
      %broadcast_in_dim3A_62 = vector.broadcast %broadcast_in_dim3A_61 : f32 to vector<16xf32>
      %swap3A_63 = arith.index_cast %scan3A_48 : i32 to index
      %swap3A_64 = arith.constant 32 : index
      %swap3A_65 = tpu.vector_load %arg13[%swap3A_63, %swap3A_64] {strides = array<i32>} : memref<128x128xf32, #tpu.memory_space<vmem>>, vector<1x16xf32>,
      %swap3A_66 = vector.shape_cast %swap3A_65 : vector<1x16xf32> to vector<16xf32>
      %swap3A_67 = vector.shape_cast %broadcast_in_dim3A_62 : vector<16xf32> to vector<1x16xf32>
      tpu.vector_store %arg13[%swap3A_63, %swap3A_64], %swap3A_67 {strides = array<i32>} : memref<128x128xf32, #tpu.memory_space<vmem>>, vector<1x16xf32>,
      %broadcast_in_dim3A_68 = arith.constant 0.000000e+00 : f32
      %broadcast_in_dim3A_69 = vector.broadcast %broadcast_in_dim3A_68 : f32 to vector<16xf32>
      %swap3A_70 = arith.index_cast %scan3A_48 : i32 to index
      %swap3A_71 = arith.constant 48 : index
      %swap3A_72 = tpu.vector_load %arg13[%swap3A_70, %swap3A_71] {strides = array<i32>} : memref<128x128xf32, #tpu.memory_space<vmem>>, vector<1x16xf32>,
      %swap3A_73 = vector.shape_cast %swap3A_72 : vector<1x16xf32> to vector<16xf32>
      %swap3A_74 = vector.shape_cast %broadcast_in_dim3A_69 : vector<16xf32> to vector<1x16xf32>
      tpu.vector_store %arg13[%swap3A_70, %swap3A_71], %swap3A_74 {strides = array<i32>} : memref<128x128xf32, #tpu.memory_space<vmem>>, vector<1x16xf32>,
      %broadcast_in_dim3A_75 = arith.constant 0.000000e+00 : f32
      %broadcast_in_dim3A_76 = vector.broadcast %broadcast_in_dim3A_75 : f32 to vector<16xf32>
      %swap3A_77 = arith.index_cast %scan3A_48 : i32 to index
      %swap3A_78 = arith.constant 64 : index
      %swap3A_79 = tpu.vector_load %arg13[%swap3A_77, %swap3A_78] {strides = array<i32>} : memref<128x128xf32, #tpu.memory_space<vmem>>, vector<1x16xf32>,
      %swap3A_80 = vector.shape_cast %swap3A_79 : vector<1x16xf32> to vector<16xf32>
      %swap3A_81 = vector.shape_cast %broadcast_in_dim3A_76 : vector<16xf32> to vector<1x16xf32>
      tpu.vector_store %arg13[%swap3A_77, %swap3A_78], %swap3A_81 {strides = array<i32>} : memref<128x128xf32, #tpu.memory_space<vmem>>, vector<1x16xf32>,
      %broadcast_in_dim3A_82 = arith.constant 0.000000e+00 : f32
      %broadcast_in_dim3A_83 = vector.broadcast %broadcast_in_dim3A_82 : f32 to vector<16xf32>
      %swap3A_84 = arith.index_cast %scan3A_48 : i32 to index
      %swap3A_85 = arith.constant 80 : index
      %swap3A_86 = tpu.vector_load %arg13[%swap3A_84, %swap3A_85] {strides = array<i32>} : memref<128x128xf32, #tpu.memory_space<vmem>>, vector<1x16xf32>,
      %swap3A_87 = vector.shape_cast %swap3A_86 : vector<1x16xf32> to vector<16xf32>
      %swap3A_88 = vector.shape_cast %broadcast_in_dim3A_83 : vector<16xf32> to vector<1x16xf32>
      tpu.vector_store %arg13[%swap3A_84, %swap3A_85], %swap3A_88 {strides = array<i32>} : memref<128x128xf32, #tpu.memory_space<vmem>>, vector<1x16xf32>,
      %broadcast_in_dim3A_89 = arith.constant 0.000000e+00 : f32
      %broadcast_in_dim3A_90 = vector.broadcast %broadcast_in_dim3A_89 : f32 to vector<16xf32>
      %swap3A_91 = arith.index_cast %scan3A_48 : i32 to index
      %swap3A_92 = arith.constant 96 : index
      %swap3A_93 = tpu.vector_load %arg13[%swap3A_91, %swap3A_92] {strides = array<i32>} : memref<128x128xf32, #tpu.memory_space<vmem>>, vector<1x16xf32>,
      %swap3A_94 = vector.shape_cast %swap3A_93 : vector<1x16xf32> to vector<16xf32>
      %swap3A_95 = vector.shape_cast %broadcast_in_dim3A_90 : vector<16xf32> to vector<1x16xf32>
      tpu.vector_store %arg13[%swap3A_91, %swap3A_92], %swap3A_95 {strides = array<i32>} : memref<128x128xf32, #tpu.memory_space<vmem>>, vector<1x16xf32>,
      %broadcast_in_dim3A_96 = arith.constant 0.000000e+00 : f32
      %broadcast_in_dim3A_97 = vector.broadcast %broadcast_in_dim3A_96 : f32 to vector<16xf32>
      %swap3A_98 = arith.index_cast %scan3A_48 : i32 to index
      %swap3A_99 = arith.constant 112 : index
      %swap3A_100 = tpu.vector_load %arg13[%swap3A_98, %swap3A_99] {strides = array<i32>} : memref<128x128xf32, #tpu.memory_space<vmem>>, vector<1x16xf32>,
      %swap3A_101 = vector.shape_cast %swap3A_100 : vector<1x16xf32> to vector<16xf32>
      %swap3A_102 = vector.shape_cast %broadcast_in_dim3A_97 : vector<16xf32> to vector<1x16xf32>
      tpu.vector_store %arg13[%swap3A_98, %swap3A_99], %swap3A_102 {strides = array<i32>} : memref<128x128xf32, #tpu.memory_space<vmem>>, vector<1x16xf32>,
    }
    %scan3A_4 = arith.constant 128 : i32
    %mul3A = arith.constant 632 : i32
    %mul3A_5 = arith.muli %arg1, %mul3A : i32
    %add3A = arith.constant 0 : i32
    %add3A_6 = arith.addi %mul3A_5, %add3A : i32
    "tpu.region"() ({
      %run_scoped3A = tpu.sem_alloc : memref<!tpu.dma_semaphore, #tpu.memory_space<semaphore_mem>>
      %dma_start3A_48 = arith.constant 0 : i32
      %dma_start3A_49 = tpu.memref_slice %arg14[%add3A_6, %dma_start3A_48] : memref<10112x128xf32, #tpu.memory_space<vmem_shared>> -> memref<128x128xf32, #tpu.memory_space<vmem_shared>>
      %dma_start3A_50 = arith.constant 0 : i32
      %dma_start3A_51 = tpu.memref_slice %arg14[%add3A_6, %dma_start3A_50] : memref<10112x128xf32, #tpu.memory_space<vmem_shared>> -> memref<128x128xf32, #tpu.memory_space<vmem_shared>>
      tpu.enqueue_dma source(%arg13 : memref<128x128xf32, #tpu.memory_space<vmem>>) target(%dma_start3A_51 : memref<128x128xf32, #tpu.memory_space<vmem_shared>>) target_semaphore(%run_scoped3A : memref<!tpu.dma_semaphore, #tpu.memory_space<semaphore_mem>>)
      %dma_wait3A = arith.constant 0 : i32
      %dma_wait3A_52 = tpu.memref_slice %arg14[%add3A_6, %dma_wait3A] : memref<10112x128xf32, #tpu.memory_space<vmem_shared>> -> memref<128x128xf32, #tpu.memory_space<vmem_shared>>
      %dma_wait3A_53 = arith.constant 0 : i32
      %dma_wait3A_54 = tpu.memref_slice %arg14[%add3A_6, %dma_wait3A_53] : memref<10112x128xf32, #tpu.memory_space<vmem_shared>> -> memref<128x128xf32, #tpu.memory_space<vmem_shared>>
      tpu.wait_dma2 semaphore(%run_scoped3A : memref<!tpu.dma_semaphore, #tpu.memory_space<semaphore_mem>>) src(%arg13 : memref<128x128xf32, #tpu.memory_space<vmem>>) dst(%dma_wait3A_54 : memref<128x128xf32, #tpu.memory_space<vmem_shared>>)
      tpu.yield
    }) : () -> ()
    %mul3A_7 = arith.constant 632 : i32
    %mul3A_8 = arith.muli %arg1, %mul3A_7 : i32
    %add3A_9 = arith.constant 128 : i32
    %add3A_10 = arith.addi %mul3A_8, %add3A_9 : i32
    "tpu.region"() ({
      %run_scoped3A = tpu.sem_alloc : memref<!tpu.dma_semaphore, #tpu.memory_space<semaphore_mem>>
      %dma_start3A_48 = arith.constant 0 : i32
      %dma_start3A_49 = tpu.memref_slice %arg14[%add3A_10, %dma_start3A_48] : memref<10112x128xf32, #tpu.memory_space<vmem_shared>> -> memref<128x128xf32, #tpu.memory_space<vmem_shared>>
      %dma_start3A_50 = arith.constant 0 : i32
      %dma_start3A_51 = tpu.memref_slice %arg14[%add3A_10, %dma_start3A_50] : memref<10112x128xf32, #tpu.memory_space<vmem_shared>> -> memref<128x128xf32, #tpu.memory_space<vmem_shared>>
      tpu.enqueue_dma source(%arg13 : memref<128x128xf32, #tpu.memory_space<vmem>>) target(%dma_start3A_51 : memref<128x128xf32, #tpu.memory_space<vmem_shared>>) target_semaphore(%run_scoped3A : memref<!tpu.dma_semaphore, #tpu.memory_space<semaphore_mem>>)
      %dma_wait3A = arith.constant 0 : i32
      %dma_wait3A_52 = tpu.memref_slice %arg14[%add3A_10, %dma_wait3A] : memref<10112x128xf32, #tpu.memory_space<vmem_shared>> -> memref<128x128xf32, #tpu.memory_space<vmem_shared>>
      %dma_wait3A_53 = arith.constant 0 : i32
      %dma_wait3A_54 = tpu.memref_slice %arg14[%add3A_10, %dma_wait3A_53] : memref<10112x128xf32, #tpu.memory_space<vmem_shared>> -> memref<128x128xf32, #tpu.memory_space<vmem_shared>>
      tpu.wait_dma2 semaphore(%run_scoped3A : memref<!tpu.dma_semaphore, #tpu.memory_space<semaphore_mem>>) src(%arg13 : memref<128x128xf32, #tpu.memory_space<vmem>>) dst(%dma_wait3A_54 : memref<128x128xf32, #tpu.memory_space<vmem_shared>>)
      tpu.yield
    }) : () -> ()
    %mul3A_11 = arith.constant 632 : i32
    %mul3A_12 = arith.muli %arg1, %mul3A_11 : i32
    %add3A_13 = arith.constant 256 : i32
    %add3A_14 = arith.addi %mul3A_12, %add3A_13 : i32
    "tpu.region"() ({
      %run_scoped3A = tpu.sem_alloc : memref<!tpu.dma_semaphore, #tpu.memory_space<semaphore_mem>>
      %dma_start3A_48 = arith.constant 0 : i32
      %dma_start3A_49 = tpu.memref_slice %arg14[%add3A_14, %dma_start3A_48] : memref<10112x128xf32, #tpu.memory_space<vmem_shared>> -> memref<128x128xf32, #tpu.memory_space<vmem_shared>>
      %dma_start3A_50 = arith.constant 0 : i32
      %dma_start3A_51 = tpu.memref_slice %arg14[%add3A_14, %dma_start3A_50] : memref<10112x128xf32, #tpu.memory_space<vmem_shared>> -> memref<128x128xf32, #tpu.memory_space<vmem_shared>>
      tpu.enqueue_dma source(%arg13 : memref<128x128xf32, #tpu.memory_space<vmem>>) target(%dma_start3A_51 : memref<128x128xf32, #tpu.memory_space<vmem_shared>>) target_semaphore(%run_scoped3A : memref<!tpu.dma_semaphore, #tpu.memory_space<semaphore_mem>>)
      %dma_wait3A = arith.constant 0 : i32
      %dma_wait3A_52 = tpu.memref_slice %arg14[%add3A_14, %dma_wait3A] : memref<10112x128xf32, #tpu.memory_space<vmem_shared>> -> memref<128x128xf32, #tpu.memory_space<vmem_shared>>
      %dma_wait3A_53 = arith.constant 0 : i32
      %dma_wait3A_54 = tpu.memref_slice %arg14[%add3A_14, %dma_wait3A_53] : memref<10112x128xf32, #tpu.memory_space<vmem_shared>> -> memref<128x128xf32, #tpu.memory_space<vmem_shared>>
      tpu.wait_dma2 semaphore(%run_scoped3A : memref<!tpu.dma_semaphore, #tpu.memory_space<semaphore_mem>>) src(%arg13 : memref<128x128xf32, #tpu.memory_space<vmem>>) dst(%dma_wait3A_54 : memref<128x128xf32, #tpu.memory_space<vmem_shared>>)
      tpu.yield
    }) : () -> ()
    %mul3A_15 = arith.constant 632 : i32
    %mul3A_16 = arith.muli %arg1, %mul3A_15 : i32
    %add3A_17 = arith.constant 384 : i32
    %add3A_18 = arith.addi %mul3A_16, %add3A_17 : i32
    "tpu.region"() ({
      %run_scoped3A = tpu.sem_alloc : memref<!tpu.dma_semaphore, #tpu.memory_space<semaphore_mem>>
      %dma_start3A_48 = arith.constant 0 : i32
      %dma_start3A_49 = tpu.memref_slice %arg14[%add3A_18, %dma_start3A_48] : memref<10112x128xf32, #tpu.memory_space<vmem_shared>> -> memref<128x128xf32, #tpu.memory_space<vmem_shared>>
      %dma_start3A_50 = arith.constant 0 : i32
      %dma_start3A_51 = tpu.memref_slice %arg14[%add3A_18, %dma_start3A_50] : memref<10112x128xf32, #tpu.memory_space<vmem_shared>> -> memref<128x128xf32, #tpu.memory_space<vmem_shared>>
      tpu.enqueue_dma source(%arg13 : memref<128x128xf32, #tpu.memory_space<vmem>>) target(%dma_start3A_51 : memref<128x128xf32, #tpu.memory_space<vmem_shared>>) target_semaphore(%run_scoped3A : memref<!tpu.dma_semaphore, #tpu.memory_space<semaphore_mem>>)
      %dma_wait3A = arith.constant 0 : i32
      %dma_wait3A_52 = tpu.memref_slice %arg14[%add3A_18, %dma_wait3A] : memref<10112x128xf32, #tpu.memory_space<vmem_shared>> -> memref<128x128xf32, #tpu.memory_space<vmem_shared>>
      %dma_wait3A_53 = arith.constant 0 : i32
      %dma_wait3A_54 = tpu.memref_slice %arg14[%add3A_18, %dma_wait3A_53] : memref<10112x128xf32, #tpu.memory_space<vmem_shared>> -> memref<128x128xf32, #tpu.memory_space<vmem_shared>>
      tpu.wait_dma2 semaphore(%run_scoped3A : memref<!tpu.dma_semaphore, #tpu.memory_space<semaphore_mem>>) src(%arg13 : memref<128x128xf32, #tpu.memory_space<vmem>>) dst(%dma_wait3A_54 : memref<128x128xf32, #tpu.memory_space<vmem_shared>>)
      tpu.yield
    }) : () -> ()
    %mul3A_19 = arith.constant 632 : i32
    %mul3A_20 = arith.muli %arg1, %mul3A_19 : i32
    %add3A_21 = arith.constant 512 : i32
    %add3A_22 = arith.addi %mul3A_20, %add3A_21 : i32
    "tpu.region"() ({
      %run_scoped3A = tpu.sem_alloc : memref<!tpu.dma_semaphore, #tpu.memory_space<semaphore_mem>>
      %dma_start3A_48 = arith.constant 0 : i32
      %dma_start3A_49 = arith.constant 0 : i32
      %dma_start3A_50 = tpu.memref_slice %arg13[%dma_start3A_48, %dma_start3A_49] : memref<128x128xf32, #tpu.memory_space<vmem>> -> memref<120x128xf32, #tpu.memory_space<vmem>>
      %dma_start3A_51 = arith.constant 0 : i32
      %dma_start3A_52 = tpu.memref_slice %arg14[%add3A_22, %dma_start3A_51] : memref<10112x128xf32, #tpu.memory_space<vmem_shared>> -> memref<120x128xf32, #tpu.memory_space<vmem_shared>>
      %dma_start3A_53 = arith.constant 0 : i32
      %dma_start3A_54 = tpu.memref_slice %arg14[%add3A_22, %dma_start3A_53] : memref<10112x128xf32, #tpu.memory_space<vmem_shared>> -> memref<120x128xf32, #tpu.memory_space<vmem_shared>>
      %dma_start3A_55 = arith.constant 0 : i32
      %dma_start3A_56 = arith.constant 0 : i32
      %dma_start3A_57 = tpu.memref_slice %arg13[%dma_start3A_55, %dma_start3A_56] : memref<128x128xf32, #tpu.memory_space<vmem>> -> memref<120x128xf32, #tpu.memory_space<vmem>>
      tpu.enqueue_dma source(%dma_start3A_57 : memref<120x128xf32, #tpu.memory_space<vmem>>) target(%dma_start3A_54 : memref<120x128xf32, #tpu.memory_space<vmem_shared>>) target_semaphore(%run_scoped3A : memref<!tpu.dma_semaphore, #tpu.memory_space<semaphore_mem>>)
      %dma_wait3A = arith.constant 0 : i32
      %dma_wait3A_58 = arith.constant 0 : i32
      %dma_wait3A_59 = tpu.memref_slice %arg13[%dma_wait3A, %dma_wait3A_58] : memref<128x128xf32, #tpu.memory_space<vmem>> -> memref<120x128xf32, #tpu.memory_space<vmem>>
      %dma_wait3A_60 = arith.constant 0 : i32
      %dma_wait3A_61 = tpu.memref_slice %arg14[%add3A_22, %dma_wait3A_60] : memref<10112x128xf32, #tpu.memory_space<vmem_shared>> -> memref<120x128xf32, #tpu.memory_space<vmem_shared>>
      %dma_wait3A_62 = arith.constant 0 : i32
      %dma_wait3A_63 = tpu.memref_slice %arg14[%add3A_22, %dma_wait3A_62] : memref<10112x128xf32, #tpu.memory_space<vmem_shared>> -> memref<120x128xf32, #tpu.memory_space<vmem_shared>>
      %dma_wait3A_64 = arith.constant 0 : i32
      %dma_wait3A_65 = arith.constant 0 : i32
      %dma_wait3A_66 = tpu.memref_slice %arg13[%dma_wait3A_64, %dma_wait3A_65] : memref<128x128xf32, #tpu.memory_space<vmem>> -> memref<120x128xf32, #tpu.memory_space<vmem>>
      tpu.wait_dma2 semaphore(%run_scoped3A : memref<!tpu.dma_semaphore, #tpu.memory_space<semaphore_mem>>) src(%dma_wait3A_66 : memref<120x128xf32, #tpu.memory_space<vmem>>) dst(%dma_wait3A_63 : memref<120x128xf32, #tpu.memory_space<vmem_shared>>)
      tpu.yield
    }) : () -> ()
    %barrier3A = arith.constant 0 : index
    tpu.barrier barrier_id(%barrier3A)
    %add3A_23 = arith.constant 0 : i32
    %add3A_24 = arith.addi %arg1, %add3A_23 : i32
    %mul3A_25 = arith.constant 2 : i32
    %mul3A_26 = arith.muli %mul3A_25, %add3A_24 : i32
    %add3A_27 = arith.addi %mul3A_26, %arg0 : i32
    %mul3A_28 = arith.constant 128 : i32
    %mul3A_29 = arith.muli %add3A_27, %mul3A_28 : i32
    "tpu.region"() ({
      %run_scoped3A = tpu.sem_alloc : memref<!tpu.dma_semaphore, #tpu.memory_space<semaphore_mem>>
      %dma_start3A_48 = tpu.memref_slice %arg3[%mul3A_29] : memref<320000xi32, #tpu.memory_space<hbm>> -> memref<128xi32, #tpu.memory_space<hbm>>
      %dma_start3A_49 = tpu.memref_slice %arg3[%mul3A_29] : memref<320000xi32, #tpu.memory_space<hbm>> -> memref<128xi32, #tpu.memory_space<hbm>>
      tpu.enqueue_dma source(%dma_start3A_49 : memref<128xi32, #tpu.memory_space<hbm>>) target(%arg7 : memref<128xi32, #tpu.memory_space<vmem>>) target_semaphore(%run_scoped3A : memref<!tpu.dma_semaphore, #tpu.memory_space<semaphore_mem>>)
      %dma_wait3A = tpu.memref_slice %arg3[%mul3A_29] : memref<320000xi32, #tpu.memory_space<hbm>> -> memref<128xi32, #tpu.memory_space<hbm>>
      %dma_wait3A_50 = tpu.memref_slice %arg3[%mul3A_29] : memref<320000xi32, #tpu.memory_space<hbm>> -> memref<128xi32, #tpu.memory_space<hbm>>
      tpu.wait_dma2 semaphore(%run_scoped3A : memref<!tpu.dma_semaphore, #tpu.memory_space<semaphore_mem>>) src(%dma_wait3A_50 : memref<128xi32, #tpu.memory_space<hbm>>) dst(%arg7 : memref<128xi32, #tpu.memory_space<vmem>>)
      tpu.yield
    }) : () -> ()
    %mul3A_30 = arith.constant 128 : i32
    %mul3A_31 = arith.muli %add3A_27, %mul3A_30 : i32
    "tpu.region"() ({
      %run_scoped3A = tpu.sem_alloc : memref<!tpu.dma_semaphore, #tpu.memory_space<semaphore_mem>>
      %dma_start3A_48 = tpu.memref_slice %arg4[%mul3A_31] : memref<320000xi32, #tpu.memory_space<hbm>> -> memref<128xi32, #tpu.memory_space<hbm>>
      %dma_start3A_49 = tpu.memref_slice %arg4[%mul3A_31] : memref<320000xi32, #tpu.memory_space<hbm>> -> memref<128xi32, #tpu.memory_space<hbm>>
      tpu.enqueue_dma source(%dma_start3A_49 : memref<128xi32, #tpu.memory_space<hbm>>) target(%arg9 : memref<128xi32, #tpu.memory_space<vmem>>) target_semaphore(%run_scoped3A : memref<!tpu.dma_semaphore, #tpu.memory_space<semaphore_mem>>)
      %dma_wait3A = tpu.memref_slice %arg4[%mul3A_31] : memref<320000xi32, #tpu.memory_space<hbm>> -> memref<128xi32, #tpu.memory_space<hbm>>
      %dma_wait3A_50 = tpu.memref_slice %arg4[%mul3A_31] : memref<320000xi32, #tpu.memory_space<hbm>> -> memref<128xi32, #tpu.memory_space<hbm>>
      tpu.wait_dma2 semaphore(%run_scoped3A : memref<!tpu.dma_semaphore, #tpu.memory_space<semaphore_mem>>) src(%dma_wait3A_50 : memref<128xi32, #tpu.memory_space<hbm>>) dst(%arg9 : memref<128xi32, #tpu.memory_space<vmem>>)
      tpu.yield
    }) : () -> ()
    %dma_start3A = arith.constant 0 : i32
    %dma_start3A_32 = arith.constant 0 : i32
    %dma_start3A_33 = tpu.memref_slice %arg2[%dma_start3A, %dma_start3A_32] : memref<10000x128xf32, #tpu.memory_space<hbm>> -> memref<10000x128xf32, #tpu.memory_space<hbm>>
    tpu.enqueue_indirect_dma source(%dma_start3A_33 : memref<10000x128xf32, #tpu.memory_space<hbm>>) target(%arg11 : memref<128x128xf32, #tpu.memory_space<vmem>>) offsets(%arg7 : memref<128xi32, #tpu.memory_space<vmem>>) semaphore(%arg15 : memref<!tpu.dma_semaphore, #tpu.memory_space<semaphore_mem>>)
    %scan3A_34 = arith.constant 0 : i32
    %scan3A_35 = arith.constant 0 : i32
    %scan3A_36 = arith.constant 40 : i32
    %scan3A_37 = arith.addi %scan3A_35, %scan3A_36 : i32
    %scan3A_38 = arith.constant 1 : i32
    scf.for %scan3A_48 = %scan3A_35 to %scan3A_37 step %scan3A_38  : i32 {
      %mul3A_49 = arith.constant 2 : i32
      %mul3A_50 = arith.muli %mul3A_49, %scan3A_48 : i32
      %add3A_51 = arith.constant 1 : i32
      %add3A_52 = arith.addi %mul3A_50, %add3A_51 : i32
      %mul3A_53 = arith.constant 16 : i32
      %mul3A_54 = arith.muli %mul3A_53, %add3A_52 : i32
      %add3A_55 = arith.addi %arg1, %mul3A_54 : i32
      %lt3A = arith.constant 1250 : i32
      %lt3A_56 = arith.cmpi slt, %add3A_55, %lt3A : i32
      %convert_element_type3A_57 = arith.extui %lt3A_56 : i1 to i32
      %cond3A_58 = arith.constant 0 : i32
      %cond3A_59 = arith.cmpi ne, %convert_element_type3A_57, %cond3A_58 : i32
      scf.if %cond3A_59 {
        %add3A_88 = arith.constant 1 : i32
        %add3A_89 = arith.addi %mul3A_50, %add3A_88 : i32
        %mul3A_90 = arith.constant 16 : i32
        %mul3A_91 = arith.muli %mul3A_90, %add3A_89 : i32
        %add3A_92 = arith.addi %arg1, %mul3A_91 : i32
        %mul3A_93 = arith.constant 2 : i32
        %mul3A_94 = arith.muli %mul3A_93, %add3A_92 : i32
        %add3A_95 = arith.addi %mul3A_94, %arg0 : i32
        %mul3A_96 = arith.constant 128 : i32
        %mul3A_97 = arith.muli %add3A_95, %mul3A_96 : i32
        "tpu.region"() ({
          %run_scoped3A = tpu.sem_alloc : memref<!tpu.dma_semaphore, #tpu.memory_space<semaphore_mem>>
          %dma_start3A_103 = tpu.memref_slice %arg3[%mul3A_97] : memref<320000xi32, #tpu.memory_space<hbm>> -> memref<128xi32, #tpu.memory_space<hbm>>
          %dma_start3A_104 = tpu.memref_slice %arg3[%mul3A_97] : memref<320000xi32, #tpu.memory_space<hbm>> -> memref<128xi32, #tpu.memory_space<hbm>>
          tpu.enqueue_dma source(%dma_start3A_104 : memref<128xi32, #tpu.memory_space<hbm>>) target(%arg8 : memref<128xi32, #tpu.memory_space<vmem>>) target_semaphore(%run_scoped3A : memref<!tpu.dma_semaphore, #tpu.memory_space<semaphore_mem>>)
          %dma_wait3A = tpu.memref_slice %arg3[%mul3A_97] : memref<320000xi32, #tpu.memory_space<hbm>> -> memref<128xi32, #tpu.memory_space<hbm>>
          %dma_wait3A_105 = tpu.memref_slice %arg3[%mul3A_97] : memref<320000xi32, #tpu.memory_space<hbm>> -> memref<128xi32, #tpu.memory_space<hbm>>
          tpu.wait_dma2 semaphore(%run_scoped3A : memref<!tpu.dma_semaphore, #tpu.memory_space<semaphore_mem>>) src(%dma_wait3A_105 : memref<128xi32, #tpu.memory_space<hbm>>) dst(%arg8 : memref<128xi32, #tpu.memory_space<vmem>>)
          tpu.yield
        }) : () -> ()
        %mul3A_98 = arith.constant 128 : i32
        %mul3A_99 = arith.muli %add3A_95, %mul3A_98 : i32
        "tpu.region"() ({
          %run_scoped3A = tpu.sem_alloc : memref<!tpu.dma_semaphore, #tpu.memory_space<semaphore_mem>>
          %dma_start3A_103 = tpu.memref_slice %arg4[%mul3A_99] : memref<320000xi32, #tpu.memory_space<hbm>> -> memref<128xi32, #tpu.memory_space<hbm>>
          %dma_start3A_104 = tpu.memref_slice %arg4[%mul3A_99] : memref<320000xi32, #tpu.memory_space<hbm>> -> memref<128xi32, #tpu.memory_space<hbm>>
          tpu.enqueue_dma source(%dma_start3A_104 : memref<128xi32, #tpu.memory_space<hbm>>) target(%arg10 : memref<128xi32, #tpu.memory_space<vmem>>) target_semaphore(%run_scoped3A : memref<!tpu.dma_semaphore, #tpu.memory_space<semaphore_mem>>)
          %dma_wait3A = tpu.memref_slice %arg4[%mul3A_99] : memref<320000xi32, #tpu.memory_space<hbm>> -> memref<128xi32, #tpu.memory_space<hbm>>
          %dma_wait3A_105 = tpu.memref_slice %arg4[%mul3A_99] : memref<320000xi32, #tpu.memory_space<hbm>> -> memref<128xi32, #tpu.memory_space<hbm>>
          tpu.wait_dma2 semaphore(%run_scoped3A : memref<!tpu.dma_semaphore, #tpu.memory_space<semaphore_mem>>) src(%dma_wait3A_105 : memref<128xi32, #tpu.memory_space<hbm>>) dst(%arg10 : memref<128xi32, #tpu.memory_space<vmem>>)
          tpu.yield
        }) : () -> ()
        %dma_start3A_100 = arith.constant 0 : i32
        %dma_start3A_101 = arith.constant 0 : i32
        %dma_start3A_102 = tpu.memref_slice %arg2[%dma_start3A_100, %dma_start3A_101] : memref<10000x128xf32, #tpu.memory_space<hbm>> -> memref<10000x128xf32, #tpu.memory_space<hbm>>
        tpu.enqueue_indirect_dma source(%dma_start3A_102 : memref<10000x128xf32, #tpu.memory_space<hbm>>) target(%arg12 : memref<128x128xf32, #tpu.memory_space<vmem>>) offsets(%arg8 : memref<128xi32, #tpu.memory_space<vmem>>) semaphore(%arg16 : memref<!tpu.dma_semaphore, #tpu.memory_space<semaphore_mem>>)
      } else {
      }
      %mul3A_60 = arith.constant 16 : i32
      %mul3A_61 = arith.muli %mul3A_60, %mul3A_50 : i32
      %add3A_62 = arith.addi %arg1, %mul3A_61 : i32
      %lt3A_63 = arith.constant 1250 : i32
      %lt3A_64 = arith.cmpi slt, %add3A_62, %lt3A_63 : i32
      %convert_element_type3A_65 = arith.extui %lt3A_64 : i1 to i32
      %cond3A_66 = arith.constant 0 : i32
      %cond3A_67 = arith.cmpi ne, %convert_element_type3A_65, %cond3A_66 : i32
      scf.if %cond3A_67 {
        %dma_wait3A = arith.constant 0 : i32
        %dma_wait3A_88 = arith.constant 0 : i32
        %dma_wait3A_89 = tpu.memref_slice %arg2[%dma_wait3A, %dma_wait3A_88] : memref<10000x128xf32, #tpu.memory_space<hbm>> -> memref<10000x128xf32, #tpu.memory_space<hbm>>
        tpu.wait_indirect_dma semaphore(%arg15 : memref<!tpu.dma_semaphore, #tpu.memory_space<semaphore_mem>>) src(%dma_wait3A_89 : memref<10000x128xf32, #tpu.memory_space<hbm>>) dst(%arg11 : memref<128x128xf32, #tpu.memory_space<vmem>>)
        "tpu.region"() ({
          %run_scoped3A = tpu.sem_alloc : memref<!tpu.dma_semaphore, #tpu.memory_space<semaphore_mem>>
          %dma_start3A_90 = arith.constant 0 : i32
          %dma_start3A_91 = arith.constant 0 : i32
          %dma_start3A_92 = tpu.memref_slice %arg14[%dma_start3A_90, %dma_start3A_91] : memref<10112x128xf32, #tpu.memory_space<vmem_shared>> -> memref<10112x128xf32, #tpu.memory_space<vmem_shared>>
          tpu.enqueue_indirect_dma source(%arg11 : memref<128x128xf32, #tpu.memory_space<vmem>>) target(%dma_start3A_92 : memref<10112x128xf32, #tpu.memory_space<vmem_shared>>) offsets(%arg9 : memref<128xi32, #tpu.memory_space<vmem>>) semaphore(%run_scoped3A : memref<!tpu.dma_semaphore, #tpu.memory_space<semaphore_mem>>) {add = true}
          %dma_wait3A_93 = arith.constant 0 : i32
          %dma_wait3A_94 = arith.constant 0 : i32
          %dma_wait3A_95 = tpu.memref_slice %arg14[%dma_wait3A_93, %dma_wait3A_94] : memref<10112x128xf32, #tpu.memory_space<vmem_shared>> -> memref<10112x128xf32, #tpu.memory_space<vmem_shared>>
          tpu.wait_indirect_dma semaphore(%run_scoped3A : memref<!tpu.dma_semaphore, #tpu.memory_space<semaphore_mem>>) src(%arg11 : memref<128x128xf32, #tpu.memory_space<vmem>>) dst(%dma_wait3A_95 : memref<10112x128xf32, #tpu.memory_space<vmem_shared>>)
          tpu.yield
        }) : () -> ()
      } else {
      }
      %add3A_68 = arith.constant 2 : i32
      %add3A_69 = arith.addi %mul3A_50, %add3A_68 : i32
      %mul3A_70 = arith.constant 16 : i32
      %mul3A_71 = arith.muli %mul3A_70, %add3A_69 : i32
      %add3A_72 = arith.addi %arg1, %mul3A_71 : i32
      %lt3A_73 = arith.constant 1250 : i32
      %lt3A_74 = arith.cmpi slt, %add3A_72, %lt3A_73 : i32
      %convert_element_type3A_75 = arith.extui %lt3A_74 : i1 to i32
      %cond3A_76 = arith.constant 0 : i32
      %cond3A_77 = arith.cmpi ne, %convert_element_type3A_75, %cond3A_76 : i32
      scf.if %cond3A_77 {
        %add3A_88 = arith.constant 2 : i32
        %add3A_89 = arith.addi %mul3A_50, %add3A_88 : i32
        %mul3A_90 = arith.constant 16 : i32
        %mul3A_91 = arith.muli %mul3A_90, %add3A_89 : i32
        %add3A_92 = arith.addi %arg1, %mul3A_91 : i32
        %mul3A_93 = arith.constant 2 : i32
        %mul3A_94 = arith.muli %mul3A_93, %add3A_92 : i32
        %add3A_95 = arith.addi %mul3A_94, %arg0 : i32
        %mul3A_96 = arith.constant 128 : i32
        %mul3A_97 = arith.muli %add3A_95, %mul3A_96 : i32
        "tpu.region"() ({
          %run_scoped3A = tpu.sem_alloc : memref<!tpu.dma_semaphore, #tpu.memory_space<semaphore_mem>>
          %dma_start3A_103 = tpu.memref_slice %arg3[%mul3A_97] : memref<320000xi32, #tpu.memory_space<hbm>> -> memref<128xi32, #tpu.memory_space<hbm>>
          %dma_start3A_104 = tpu.memref_slice %arg3[%mul3A_97] : memref<320000xi32, #tpu.memory_space<hbm>> -> memref<128xi32, #tpu.memory_space<hbm>>
          tpu.enqueue_dma source(%dma_start3A_104 : memref<128xi32, #tpu.memory_space<hbm>>) target(%arg7 : memref<128xi32, #tpu.memory_space<vmem>>) target_semaphore(%run_scoped3A : memref<!tpu.dma_semaphore, #tpu.memory_space<semaphore_mem>>)
          %dma_wait3A = tpu.memref_slice %arg3[%mul3A_97] : memref<320000xi32, #tpu.memory_space<hbm>> -> memref<128xi32, #tpu.memory_space<hbm>>
          %dma_wait3A_105 = tpu.memref_slice %arg3[%mul3A_97] : memref<320000xi32, #tpu.memory_space<hbm>> -> memref<128xi32, #tpu.memory_space<hbm>>
          tpu.wait_dma2 semaphore(%run_scoped3A : memref<!tpu.dma_semaphore, #tpu.memory_space<semaphore_mem>>) src(%dma_wait3A_105 : memref<128xi32, #tpu.memory_space<hbm>>) dst(%arg7 : memref<128xi32, #tpu.memory_space<vmem>>)
          tpu.yield
        }) : () -> ()
        %mul3A_98 = arith.constant 128 : i32
        %mul3A_99 = arith.muli %add3A_95, %mul3A_98 : i32
        "tpu.region"() ({
          %run_scoped3A = tpu.sem_alloc : memref<!tpu.dma_semaphore, #tpu.memory_space<semaphore_mem>>
          %dma_start3A_103 = tpu.memref_slice %arg4[%mul3A_99] : memref<320000xi32, #tpu.memory_space<hbm>> -> memref<128xi32, #tpu.memory_space<hbm>>
          %dma_start3A_104 = tpu.memref_slice %arg4[%mul3A_99] : memref<320000xi32, #tpu.memory_space<hbm>> -> memref<128xi32, #tpu.memory_space<hbm>>
          tpu.enqueue_dma source(%dma_start3A_104 : memref<128xi32, #tpu.memory_space<hbm>>) target(%arg9 : memref<128xi32, #tpu.memory_space<vmem>>) target_semaphore(%run_scoped3A : memref<!tpu.dma_semaphore, #tpu.memory_space<semaphore_mem>>)
          %dma_wait3A = tpu.memref_slice %arg4[%mul3A_99] : memref<320000xi32, #tpu.memory_space<hbm>> -> memref<128xi32, #tpu.memory_space<hbm>>
          %dma_wait3A_105 = tpu.memref_slice %arg4[%mul3A_99] : memref<320000xi32, #tpu.memory_space<hbm>> -> memref<128xi32, #tpu.memory_space<hbm>>
          tpu.wait_dma2 semaphore(%run_scoped3A : memref<!tpu.dma_semaphore, #tpu.memory_space<semaphore_mem>>) src(%dma_wait3A_105 : memref<128xi32, #tpu.memory_space<hbm>>) dst(%arg9 : memref<128xi32, #tpu.memory_space<vmem>>)
          tpu.yield
        }) : () -> ()
        %dma_start3A_100 = arith.constant 0 : i32
        %dma_start3A_101 = arith.constant 0 : i32
        %dma_start3A_102 = tpu.memref_slice %arg2[%dma_start3A_100, %dma_start3A_101] : memref<10000x128xf32, #tpu.memory_space<hbm>> -> memref<10000x128xf32, #tpu.memory_space<hbm>>
        tpu.enqueue_indirect_dma source(%dma_start3A_102 : memref<10000x128xf32, #tpu.memory_space<hbm>>) target(%arg11 : memref<128x128xf32, #tpu.memory_space<vmem>>) offsets(%arg7 : memref<128xi32, #tpu.memory_space<vmem>>) semaphore(%arg15 : memref<!tpu.dma_semaphore, #tpu.memory_space<semaphore_mem>>)
      } else {
      }
      %add3A_78 = arith.constant 1 : i32
      %add3A_79 = arith.addi %mul3A_50, %add3A_78 : i32
      %mul3A_80 = arith.constant 16 : i32
      %mul3A_81 = arith.muli %mul3A_80, %add3A_79 : i32
      %add3A_82 = arith.addi %arg1, %mul3A_81 : i32
      %lt3A_83 = arith.constant 1250 : i32
      %lt3A_84 = arith.cmpi slt, %add3A_82, %lt3A_83 : i32
      %convert_element_type3A_85 = arith.extui %lt3A_84 : i1 to i32
      %cond3A_86 = arith.constant 0 : i32
      %cond3A_87 = arith.cmpi ne, %convert_element_type3A_85, %cond3A_86 : i32
      scf.if %cond3A_87 {
        %dma_wait3A = arith.constant 0 : i32
        %dma_wait3A_88 = arith.constant 0 : i32
        %dma_wait3A_89 = tpu.memref_slice %arg2[%dma_wait3A, %dma_wait3A_88] : memref<10000x128xf32, #tpu.memory_space<hbm>> -> memref<10000x128xf32, #tpu.memory_space<hbm>>
        tpu.wait_indirect_dma semaphore(%arg16 : memref<!tpu.dma_semaphore, #tpu.memory_space<semaphore_mem>>) src(%dma_wait3A_89 : memref<10000x128xf32, #tpu.memory_space<hbm>>) dst(%arg12 : memref<128x128xf32, #tpu.memory_space<vmem>>)
        "tpu.region"() ({
          %run_scoped3A = tpu.sem_alloc : memref<!tpu.dma_semaphore, #tpu.memory_space<semaphore_mem>>
          %dma_start3A_90 = arith.constant 0 : i32
          %dma_start3A_91 = arith.constant 0 : i32
          %dma_start3A_92 = tpu.memref_slice %arg14[%dma_start3A_90, %dma_start3A_91] : memref<10112x128xf32, #tpu.memory_space<vmem_shared>> -> memref<10112x128xf32, #tpu.memory_space<vmem_shared>>
          tpu.enqueue_indirect_dma source(%arg12 : memref<128x128xf32, #tpu.memory_space<vmem>>) target(%dma_start3A_92 : memref<10112x128xf32, #tpu.memory_space<vmem_shared>>) offsets(%arg10 : memref<128xi32, #tpu.memory_space<vmem>>) semaphore(%run_scoped3A : memref<!tpu.dma_semaphore, #tpu.memory_space<semaphore_mem>>) {add = true}
          %dma_wait3A_93 = arith.constant 0 : i32
          %dma_wait3A_94 = arith.constant 0 : i32
          %dma_wait3A_95 = tpu.memref_slice %arg14[%dma_wait3A_93, %dma_wait3A_94] : memref<10112x128xf32, #tpu.memory_space<vmem_shared>> -> memref<10112x128xf32, #tpu.memory_space<vmem_shared>>
          tpu.wait_indirect_dma semaphore(%run_scoped3A : memref<!tpu.dma_semaphore, #tpu.memory_space<semaphore_mem>>) src(%arg12 : memref<128x128xf32, #tpu.memory_space<vmem>>) dst(%dma_wait3A_95 : memref<10112x128xf32, #tpu.memory_space<vmem_shared>>)
          tpu.yield
        }) : () -> ()
      } else {
      }
    }
    %scan3A_39 = arith.constant 40 : i32
    %barrier3A_40 = arith.constant 0 : index
    tpu.barrier barrier_id(%barrier3A_40)
    %eq3A = arith.constant 0 : i32
    %eq3A_41 = arith.cmpi eq, %arg0, %eq3A : i32
    %convert_element_type3A = arith.extui %eq3A_41 : i1 to i32
    %cond3A = arith.constant 0 : i32
    %cond3A_42 = arith.cmpi ne, %convert_element_type3A, %cond3A : i32
    scf.if %cond3A_42 {
      %mul3A_48 = arith.constant 632 : i32
      %mul3A_49 = arith.muli %arg1, %mul3A_48 : i32
      %mul3A_50 = arith.constant 632 : i32
      %mul3A_51 = arith.muli %arg1, %mul3A_50 : i32
      "tpu.region"() ({
        %run_scoped3A = tpu.sem_alloc : memref<!tpu.dma_semaphore, #tpu.memory_space<semaphore_mem>>
        %dma_start3A_52 = arith.constant 0 : i32
        %dma_start3A_53 = tpu.memref_slice %arg5[%mul3A_51, %dma_start3A_52] : memref<10112x128xf32, #tpu.memory_space<hbm>> -> memref<632x128xf32, #tpu.memory_space<hbm>>
        %dma_start3A_54 = arith.constant 0 : i32
        %dma_start3A_55 = tpu.memref_slice %arg14[%mul3A_49, %dma_start3A_54] : memref<10112x128xf32, #tpu.memory_space<vmem_shared>> -> memref<632x128xf32, #tpu.memory_space<vmem_shared>>
        tpu.enqueue_dma source(%dma_start3A_55 : memref<632x128xf32, #tpu.memory_space<vmem_shared>>) target(%dma_start3A_53 : memref<632x128xf32, #tpu.memory_space<hbm>>) target_semaphore(%run_scoped3A : memref<!tpu.dma_semaphore, #tpu.memory_space<semaphore_mem>>)
        %dma_wait3A = arith.constant 0 : i32
        %dma_wait3A_56 = tpu.memref_slice %arg5[%mul3A_51, %dma_wait3A] : memref<10112x128xf32, #tpu.memory_space<hbm>> -> memref<632x128xf32, #tpu.memory_space<hbm>>
        %dma_wait3A_57 = arith.constant 0 : i32
        %dma_wait3A_58 = tpu.memref_slice %arg14[%mul3A_49, %dma_wait3A_57] : memref<10112x128xf32, #tpu.memory_space<vmem_shared>> -> memref<632x128xf32, #tpu.memory_space<vmem_shared>>
        tpu.wait_dma2 semaphore(%run_scoped3A : memref<!tpu.dma_semaphore, #tpu.memory_space<semaphore_mem>>) src(%dma_wait3A_58 : memref<632x128xf32, #tpu.memory_space<vmem_shared>>) dst(%dma_wait3A_56 : memref<632x128xf32, #tpu.memory_space<hbm>>)
        tpu.yield
      }) : () -> ()
    } else {
    }
    %eq3A_43 = arith.constant 1 : i32
    %eq3A_44 = arith.cmpi eq, %arg0, %eq3A_43 : i32
    %convert_element_type3A_45 = arith.extui %eq3A_44 : i1 to i32
    %cond3A_46 = arith.constant 0 : i32
    %cond3A_47 = arith.cmpi ne, %convert_element_type3A_45, %cond3A_46 : i32
    scf.if %cond3A_47 {
      %mul3A_48 = arith.constant 632 : i32
      %mul3A_49 = arith.muli %arg1, %mul3A_48 : i32
      %mul3A_50 = arith.constant 632 : i32
      %mul3A_51 = arith.muli %arg1, %mul3A_50 : i32
      "tpu.region"() ({
        %run_scoped3A = tpu.sem_alloc : memref<!tpu.dma_semaphore, #tpu.memory_space<semaphore_mem>>
        %dma_start3A_52 = arith.constant 0 : i32
        %dma_start3A_53 = tpu.memref_slice %arg6[%mul3A_51, %dma_start3A_52] : memref<10112x128xf32, #tpu.memory_space<hbm>> -> memref<632x128xf32, #tpu.memory_space<hbm>>
        %dma_start3A_54 = arith.constant 0 : i32
        %dma_start3A_55 = tpu.memref_slice %arg14[%mul3A_49, %dma_start3A_54] : memref<10112x128xf32, #tpu.memory_space<vmem_shared>> -> memref<632x128xf32, #tpu.memory_space<vmem_shared>>
        tpu.enqueue_dma source(%dma_start3A_55 : memref<632x128xf32, #tpu.memory_space<vmem_shared>>) target(%dma_start3A_53 : memref<632x128xf32, #tpu.memory_space<hbm>>) target_semaphore(%run_scoped3A : memref<!tpu.dma_semaphore, #tpu.memory_space<semaphore_mem>>)
        %dma_wait3A = arith.constant 0 : i32
        %dma_wait3A_56 = tpu.memref_slice %arg6[%mul3A_51, %dma_wait3A] : memref<10112x128xf32, #tpu.memory_space<hbm>> -> memref<632x128xf32, #tpu.memory_space<hbm>>
        %dma_wait3A_57 = arith.constant 0 : i32
        %dma_wait3A_58 = tpu.memref_slice %arg14[%mul3A_49, %dma_wait3A_57] : memref<10112x128xf32, #tpu.memory_space<vmem_shared>> -> memref<632x128xf32, #tpu.memory_space<vmem_shared>>
        tpu.wait_dma2 semaphore(%run_scoped3A : memref<!tpu.dma_semaphore, #tpu.memory_space<semaphore_mem>>) src(%dma_wait3A_58 : memref<632x128xf32, #tpu.memory_space<vmem_shared>>) dst(%dma_wait3A_56 : memref<632x128xf32, #tpu.memory_space<hbm>>)
        tpu.yield
      }) : () -> ()
    } else {
    }
    return
  }
}

#map = affine_map<(d0, d1) -> (0, 0)>
#map1 = affine_map<(d0, d1) -> (0)>
module attributes {stable_mosaic.version = 14 : i64} {
  func.func @_scatter128_body(%arg0: i32, %arg1: i32, %arg2: memref<20000x128xf32, #tpu.memory_space<hbm>>, %arg3: memref<320000xi32, #tpu.memory_space<hbm>>, %arg4: memref<320000xi32, #tpu.memory_space<hbm>>, %arg5: memref<10112x128xf32, #tpu.memory_space<hbm>>, %arg6: memref<10112x128xf32, #tpu.memory_space<hbm>>, %arg7: memref<128xi32, #tpu.memory_space<vmem>>, %arg8: memref<128xi32, #tpu.memory_space<vmem>>, %arg9: memref<128xi32, #tpu.memory_space<vmem>>, %arg10: memref<128xi32, #tpu.memory_space<vmem>>, %arg11: memref<128xi32, #tpu.memory_space<vmem>>, %arg12: memref<128xi32, #tpu.memory_space<vmem>>, %arg13: memref<128x128xf32, #tpu.memory_space<vmem>>, %arg14: memref<128x128xf32, #tpu.memory_space<vmem>>, %arg15: memref<128x128xf32, #tpu.memory_space<vmem>>, %arg16: memref<10112x128xf32, #tpu.memory_space<vmem_shared>>, %arg17: memref<!tpu.dma_semaphore, #tpu.memory_space<semaphore_mem>>, %arg18: memref<!tpu.dma_semaphore, #tpu.memory_space<semaphore_mem>>) attributes {dimension_semantics = [#tpu.dimension_semantics<core_parallel>, #tpu.dimension_semantics<subcore_parallel>], iteration_bounds = array<i64: 2, 16>, scalar_prefetch = 0 : i64, scratch_operands = 12 : i64, tpu.core_type = #tpu.core_type<sc_vector_subcore>, window_params = [{transform_indices = #map}, {transform_indices = #map1}, {transform_indices = #map1}, {transform_indices = #map}, {transform_indices = #map}]} {
    %scan3A = arith.constant 0 : i32
    %scan3A_0 = arith.constant 0 : i32
    %scan3A_1 = arith.constant 128 : i32
    %scan3A_2 = arith.addi %scan3A_0, %scan3A_1 : i32
    %scan3A_3 = arith.constant 1 : i32
    scf.for %scan3A_139 = %scan3A_0 to %scan3A_2 step %scan3A_3  : i32 {
      %broadcast_in_dim3A = arith.constant 0.000000e+00 : f32
      %broadcast_in_dim3A_140 = vector.broadcast %broadcast_in_dim3A : f32 to vector<16xf32>
      %swap3A_141 = arith.index_cast %scan3A_139 : i32 to index
      %swap3A_142 = arith.constant 0 : index
      %swap3A_143 = tpu.vector_load %arg15[%swap3A_141, %swap3A_142] {strides = array<i32>} : memref<128x128xf32, #tpu.memory_space<vmem>>, vector<1x16xf32>,
      %swap3A_144 = vector.shape_cast %swap3A_143 : vector<1x16xf32> to vector<16xf32>
      %swap3A_145 = vector.shape_cast %broadcast_in_dim3A_140 : vector<16xf32> to vector<1x16xf32>
      tpu.vector_store %arg15[%swap3A_141, %swap3A_142], %swap3A_145 {strides = array<i32>} : memref<128x128xf32, #tpu.memory_space<vmem>>, vector<1x16xf32>,
      %broadcast_in_dim3A_146 = arith.constant 0.000000e+00 : f32
      %broadcast_in_dim3A_147 = vector.broadcast %broadcast_in_dim3A_146 : f32 to vector<16xf32>
      %swap3A_148 = arith.index_cast %scan3A_139 : i32 to index
      %swap3A_149 = arith.constant 16 : index
      %swap3A_150 = tpu.vector_load %arg15[%swap3A_148, %swap3A_149] {strides = array<i32>} : memref<128x128xf32, #tpu.memory_space<vmem>>, vector<1x16xf32>,
      %swap3A_151 = vector.shape_cast %swap3A_150 : vector<1x16xf32> to vector<16xf32>
      %swap3A_152 = vector.shape_cast %broadcast_in_dim3A_147 : vector<16xf32> to vector<1x16xf32>
      tpu.vector_store %arg15[%swap3A_148, %swap3A_149], %swap3A_152 {strides = array<i32>} : memref<128x128xf32, #tpu.memory_space<vmem>>, vector<1x16xf32>,
      %broadcast_in_dim3A_153 = arith.constant 0.000000e+00 : f32
      %broadcast_in_dim3A_154 = vector.broadcast %broadcast_in_dim3A_153 : f32 to vector<16xf32>
      %swap3A_155 = arith.index_cast %scan3A_139 : i32 to index
      %swap3A_156 = arith.constant 32 : index
      %swap3A_157 = tpu.vector_load %arg15[%swap3A_155, %swap3A_156] {strides = array<i32>} : memref<128x128xf32, #tpu.memory_space<vmem>>, vector<1x16xf32>,
      %swap3A_158 = vector.shape_cast %swap3A_157 : vector<1x16xf32> to vector<16xf32>
      %swap3A_159 = vector.shape_cast %broadcast_in_dim3A_154 : vector<16xf32> to vector<1x16xf32>
      tpu.vector_store %arg15[%swap3A_155, %swap3A_156], %swap3A_159 {strides = array<i32>} : memref<128x128xf32, #tpu.memory_space<vmem>>, vector<1x16xf32>,
      %broadcast_in_dim3A_160 = arith.constant 0.000000e+00 : f32
      %broadcast_in_dim3A_161 = vector.broadcast %broadcast_in_dim3A_160 : f32 to vector<16xf32>
      %swap3A_162 = arith.index_cast %scan3A_139 : i32 to index
      %swap3A_163 = arith.constant 48 : index
      %swap3A_164 = tpu.vector_load %arg15[%swap3A_162, %swap3A_163] {strides = array<i32>} : memref<128x128xf32, #tpu.memory_space<vmem>>, vector<1x16xf32>,
      %swap3A_165 = vector.shape_cast %swap3A_164 : vector<1x16xf32> to vector<16xf32>
      %swap3A_166 = vector.shape_cast %broadcast_in_dim3A_161 : vector<16xf32> to vector<1x16xf32>
      tpu.vector_store %arg15[%swap3A_162, %swap3A_163], %swap3A_166 {strides = array<i32>} : memref<128x128xf32, #tpu.memory_space<vmem>>, vector<1x16xf32>,
      %broadcast_in_dim3A_167 = arith.constant 0.000000e+00 : f32
      %broadcast_in_dim3A_168 = vector.broadcast %broadcast_in_dim3A_167 : f32 to vector<16xf32>
      %swap3A_169 = arith.index_cast %scan3A_139 : i32 to index
      %swap3A_170 = arith.constant 64 : index
      %swap3A_171 = tpu.vector_load %arg15[%swap3A_169, %swap3A_170] {strides = array<i32>} : memref<128x128xf32, #tpu.memory_space<vmem>>, vector<1x16xf32>,
      %swap3A_172 = vector.shape_cast %swap3A_171 : vector<1x16xf32> to vector<16xf32>
      %swap3A_173 = vector.shape_cast %broadcast_in_dim3A_168 : vector<16xf32> to vector<1x16xf32>
      tpu.vector_store %arg15[%swap3A_169, %swap3A_170], %swap3A_173 {strides = array<i32>} : memref<128x128xf32, #tpu.memory_space<vmem>>, vector<1x16xf32>,
      %broadcast_in_dim3A_174 = arith.constant 0.000000e+00 : f32
      %broadcast_in_dim3A_175 = vector.broadcast %broadcast_in_dim3A_174 : f32 to vector<16xf32>
      %swap3A_176 = arith.index_cast %scan3A_139 : i32 to index
      %swap3A_177 = arith.constant 80 : index
      %swap3A_178 = tpu.vector_load %arg15[%swap3A_176, %swap3A_177] {strides = array<i32>} : memref<128x128xf32, #tpu.memory_space<vmem>>, vector<1x16xf32>,
      %swap3A_179 = vector.shape_cast %swap3A_178 : vector<1x16xf32> to vector<16xf32>
      %swap3A_180 = vector.shape_cast %broadcast_in_dim3A_175 : vector<16xf32> to vector<1x16xf32>
      tpu.vector_store %arg15[%swap3A_176, %swap3A_177], %swap3A_180 {strides = array<i32>} : memref<128x128xf32, #tpu.memory_space<vmem>>, vector<1x16xf32>,
      %broadcast_in_dim3A_181 = arith.constant 0.000000e+00 : f32
      %broadcast_in_dim3A_182 = vector.broadcast %broadcast_in_dim3A_181 : f32 to vector<16xf32>
      %swap3A_183 = arith.index_cast %scan3A_139 : i32 to index
      %swap3A_184 = arith.constant 96 : index
      %swap3A_185 = tpu.vector_load %arg15[%swap3A_183, %swap3A_184] {strides = array<i32>} : memref<128x128xf32, #tpu.memory_space<vmem>>, vector<1x16xf32>,
      %swap3A_186 = vector.shape_cast %swap3A_185 : vector<1x16xf32> to vector<16xf32>
      %swap3A_187 = vector.shape_cast %broadcast_in_dim3A_182 : vector<16xf32> to vector<1x16xf32>
      tpu.vector_store %arg15[%swap3A_183, %swap3A_184], %swap3A_187 {strides = array<i32>} : memref<128x128xf32, #tpu.memory_space<vmem>>, vector<1x16xf32>,
      %broadcast_in_dim3A_188 = arith.constant 0.000000e+00 : f32
      %broadcast_in_dim3A_189 = vector.broadcast %broadcast_in_dim3A_188 : f32 to vector<16xf32>
      %swap3A_190 = arith.index_cast %scan3A_139 : i32 to index
      %swap3A_191 = arith.constant 112 : index
      %swap3A_192 = tpu.vector_load %arg15[%swap3A_190, %swap3A_191] {strides = array<i32>} : memref<128x128xf32, #tpu.memory_space<vmem>>, vector<1x16xf32>,
      %swap3A_193 = vector.shape_cast %swap3A_192 : vector<1x16xf32> to vector<16xf32>
      %swap3A_194 = vector.shape_cast %broadcast_in_dim3A_189 : vector<16xf32> to vector<1x16xf32>
      tpu.vector_store %arg15[%swap3A_190, %swap3A_191], %swap3A_194 {strides = array<i32>} : memref<128x128xf32, #tpu.memory_space<vmem>>, vector<1x16xf32>,
    }
    %scan3A_4 = arith.constant 128 : i32
    %mul3A = arith.constant 632 : i32
    %mul3A_5 = arith.muli %arg1, %mul3A : i32
    %add3A = arith.constant 0 : i32
    %add3A_6 = arith.addi %mul3A_5, %add3A : i32
    "tpu.region"() ({
      %run_scoped3A = tpu.sem_alloc : memref<!tpu.dma_semaphore, #tpu.memory_space<semaphore_mem>>
      %dma_start3A_139 = arith.constant 0 : i32
      %dma_start3A_140 = tpu.memref_slice %arg16[%add3A_6, %dma_start3A_139] : memref<10112x128xf32, #tpu.memory_space<vmem_shared>> -> memref<128x128xf32, #tpu.memory_space<vmem_shared>>
      %dma_start3A_141 = arith.constant 0 : i32
      %dma_start3A_142 = tpu.memref_slice %arg16[%add3A_6, %dma_start3A_141] : memref<10112x128xf32, #tpu.memory_space<vmem_shared>> -> memref<128x128xf32, #tpu.memory_space<vmem_shared>>
      tpu.enqueue_dma source(%arg15 : memref<128x128xf32, #tpu.memory_space<vmem>>) target(%dma_start3A_142 : memref<128x128xf32, #tpu.memory_space<vmem_shared>>) target_semaphore(%run_scoped3A : memref<!tpu.dma_semaphore, #tpu.memory_space<semaphore_mem>>)
      %dma_wait3A = arith.constant 0 : i32
      %dma_wait3A_143 = tpu.memref_slice %arg16[%add3A_6, %dma_wait3A] : memref<10112x128xf32, #tpu.memory_space<vmem_shared>> -> memref<128x128xf32, #tpu.memory_space<vmem_shared>>
      %dma_wait3A_144 = arith.constant 0 : i32
      %dma_wait3A_145 = tpu.memref_slice %arg16[%add3A_6, %dma_wait3A_144] : memref<10112x128xf32, #tpu.memory_space<vmem_shared>> -> memref<128x128xf32, #tpu.memory_space<vmem_shared>>
      tpu.wait_dma2 semaphore(%run_scoped3A : memref<!tpu.dma_semaphore, #tpu.memory_space<semaphore_mem>>) src(%arg15 : memref<128x128xf32, #tpu.memory_space<vmem>>) dst(%dma_wait3A_145 : memref<128x128xf32, #tpu.memory_space<vmem_shared>>)
      tpu.yield
    }) : () -> ()
    %mul3A_7 = arith.constant 632 : i32
    %mul3A_8 = arith.muli %arg1, %mul3A_7 : i32
    %add3A_9 = arith.constant 128 : i32
    %add3A_10 = arith.addi %mul3A_8, %add3A_9 : i32
    "tpu.region"() ({
      %run_scoped3A = tpu.sem_alloc : memref<!tpu.dma_semaphore, #tpu.memory_space<semaphore_mem>>
      %dma_start3A_139 = arith.constant 0 : i32
      %dma_start3A_140 = tpu.memref_slice %arg16[%add3A_10, %dma_start3A_139] : memref<10112x128xf32, #tpu.memory_space<vmem_shared>> -> memref<128x128xf32, #tpu.memory_space<vmem_shared>>
      %dma_start3A_141 = arith.constant 0 : i32
      %dma_start3A_142 = tpu.memref_slice %arg16[%add3A_10, %dma_start3A_141] : memref<10112x128xf32, #tpu.memory_space<vmem_shared>> -> memref<128x128xf32, #tpu.memory_space<vmem_shared>>
      tpu.enqueue_dma source(%arg15 : memref<128x128xf32, #tpu.memory_space<vmem>>) target(%dma_start3A_142 : memref<128x128xf32, #tpu.memory_space<vmem_shared>>) target_semaphore(%run_scoped3A : memref<!tpu.dma_semaphore, #tpu.memory_space<semaphore_mem>>)
      %dma_wait3A = arith.constant 0 : i32
      %dma_wait3A_143 = tpu.memref_slice %arg16[%add3A_10, %dma_wait3A] : memref<10112x128xf32, #tpu.memory_space<vmem_shared>> -> memref<128x128xf32, #tpu.memory_space<vmem_shared>>
      %dma_wait3A_144 = arith.constant 0 : i32
      %dma_wait3A_145 = tpu.memref_slice %arg16[%add3A_10, %dma_wait3A_144] : memref<10112x128xf32, #tpu.memory_space<vmem_shared>> -> memref<128x128xf32, #tpu.memory_space<vmem_shared>>
      tpu.wait_dma2 semaphore(%run_scoped3A : memref<!tpu.dma_semaphore, #tpu.memory_space<semaphore_mem>>) src(%arg15 : memref<128x128xf32, #tpu.memory_space<vmem>>) dst(%dma_wait3A_145 : memref<128x128xf32, #tpu.memory_space<vmem_shared>>)
      tpu.yield
    }) : () -> ()
    %mul3A_11 = arith.constant 632 : i32
    %mul3A_12 = arith.muli %arg1, %mul3A_11 : i32
    %add3A_13 = arith.constant 256 : i32
    %add3A_14 = arith.addi %mul3A_12, %add3A_13 : i32
    "tpu.region"() ({
      %run_scoped3A = tpu.sem_alloc : memref<!tpu.dma_semaphore, #tpu.memory_space<semaphore_mem>>
      %dma_start3A_139 = arith.constant 0 : i32
      %dma_start3A_140 = tpu.memref_slice %arg16[%add3A_14, %dma_start3A_139] : memref<10112x128xf32, #tpu.memory_space<vmem_shared>> -> memref<128x128xf32, #tpu.memory_space<vmem_shared>>
      %dma_start3A_141 = arith.constant 0 : i32
      %dma_start3A_142 = tpu.memref_slice %arg16[%add3A_14, %dma_start3A_141] : memref<10112x128xf32, #tpu.memory_space<vmem_shared>> -> memref<128x128xf32, #tpu.memory_space<vmem_shared>>
      tpu.enqueue_dma source(%arg15 : memref<128x128xf32, #tpu.memory_space<vmem>>) target(%dma_start3A_142 : memref<128x128xf32, #tpu.memory_space<vmem_shared>>) target_semaphore(%run_scoped3A : memref<!tpu.dma_semaphore, #tpu.memory_space<semaphore_mem>>)
      %dma_wait3A = arith.constant 0 : i32
      %dma_wait3A_143 = tpu.memref_slice %arg16[%add3A_14, %dma_wait3A] : memref<10112x128xf32, #tpu.memory_space<vmem_shared>> -> memref<128x128xf32, #tpu.memory_space<vmem_shared>>
      %dma_wait3A_144 = arith.constant 0 : i32
      %dma_wait3A_145 = tpu.memref_slice %arg16[%add3A_14, %dma_wait3A_144] : memref<10112x128xf32, #tpu.memory_space<vmem_shared>> -> memref<128x128xf32, #tpu.memory_space<vmem_shared>>
      tpu.wait_dma2 semaphore(%run_scoped3A : memref<!tpu.dma_semaphore, #tpu.memory_space<semaphore_mem>>) src(%arg15 : memref<128x128xf32, #tpu.memory_space<vmem>>) dst(%dma_wait3A_145 : memref<128x128xf32, #tpu.memory_space<vmem_shared>>)
      tpu.yield
    }) : () -> ()
    %mul3A_15 = arith.constant 632 : i32
    %mul3A_16 = arith.muli %arg1, %mul3A_15 : i32
    %add3A_17 = arith.constant 384 : i32
    %add3A_18 = arith.addi %mul3A_16, %add3A_17 : i32
    "tpu.region"() ({
      %run_scoped3A = tpu.sem_alloc : memref<!tpu.dma_semaphore, #tpu.memory_space<semaphore_mem>>
      %dma_start3A_139 = arith.constant 0 : i32
      %dma_start3A_140 = tpu.memref_slice %arg16[%add3A_18, %dma_start3A_139] : memref<10112x128xf32, #tpu.memory_space<vmem_shared>> -> memref<128x128xf32, #tpu.memory_space<vmem_shared>>
      %dma_start3A_141 = arith.constant 0 : i32
      %dma_start3A_142 = tpu.memref_slice %arg16[%add3A_18, %dma_start3A_141] : memref<10112x128xf32, #tpu.memory_space<vmem_shared>> -> memref<128x128xf32, #tpu.memory_space<vmem_shared>>
      tpu.enqueue_dma source(%arg15 : memref<128x128xf32, #tpu.memory_space<vmem>>) target(%dma_start3A_142 : memref<128x128xf32, #tpu.memory_space<vmem_shared>>) target_semaphore(%run_scoped3A : memref<!tpu.dma_semaphore, #tpu.memory_space<semaphore_mem>>)
      %dma_wait3A = arith.constant 0 : i32
      %dma_wait3A_143 = tpu.memref_slice %arg16[%add3A_18, %dma_wait3A] : memref<10112x128xf32, #tpu.memory_space<vmem_shared>> -> memref<128x128xf32, #tpu.memory_space<vmem_shared>>
      %dma_wait3A_144 = arith.constant 0 : i32
      %dma_wait3A_145 = tpu.memref_slice %arg16[%add3A_18, %dma_wait3A_144] : memref<10112x128xf32, #tpu.memory_space<vmem_shared>> -> memref<128x128xf32, #tpu.memory_space<vmem_shared>>
      tpu.wait_dma2 semaphore(%run_scoped3A : memref<!tpu.dma_semaphore, #tpu.memory_space<semaphore_mem>>) src(%arg15 : memref<128x128xf32, #tpu.memory_space<vmem>>) dst(%dma_wait3A_145 : memref<128x128xf32, #tpu.memory_space<vmem_shared>>)
      tpu.yield
    }) : () -> ()
    %mul3A_19 = arith.constant 632 : i32
    %mul3A_20 = arith.muli %arg1, %mul3A_19 : i32
    %add3A_21 = arith.constant 512 : i32
    %add3A_22 = arith.addi %mul3A_20, %add3A_21 : i32
    "tpu.region"() ({
      %run_scoped3A = tpu.sem_alloc : memref<!tpu.dma_semaphore, #tpu.memory_space<semaphore_mem>>
      %dma_start3A_139 = arith.constant 0 : i32
      %dma_start3A_140 = arith.constant 0 : i32
      %dma_start3A_141 = tpu.memref_slice %arg15[%dma_start3A_139, %dma_start3A_140] : memref<128x128xf32, #tpu.memory_space<vmem>> -> memref<120x128xf32, #tpu.memory_space<vmem>>
      %dma_start3A_142 = arith.constant 0 : i32
      %dma_start3A_143 = tpu.memref_slice %arg16[%add3A_22, %dma_start3A_142] : memref<10112x128xf32, #tpu.memory_space<vmem_shared>> -> memref<120x128xf32, #tpu.memory_space<vmem_shared>>
      %dma_start3A_144 = arith.constant 0 : i32
      %dma_start3A_145 = tpu.memref_slice %arg16[%add3A_22, %dma_start3A_144] : memref<10112x128xf32, #tpu.memory_space<vmem_shared>> -> memref<120x128xf32, #tpu.memory_space<vmem_shared>>
      %dma_start3A_146 = arith.constant 0 : i32
      %dma_start3A_147 = arith.constant 0 : i32
      %dma_start3A_148 = tpu.memref_slice %arg15[%dma_start3A_146, %dma_start3A_147] : memref<128x128xf32, #tpu.memory_space<vmem>> -> memref<120x128xf32, #tpu.memory_space<vmem>>
      tpu.enqueue_dma source(%dma_start3A_148 : memref<120x128xf32, #tpu.memory_space<vmem>>) target(%dma_start3A_145 : memref<120x128xf32, #tpu.memory_space<vmem_shared>>) target_semaphore(%run_scoped3A : memref<!tpu.dma_semaphore, #tpu.memory_space<semaphore_mem>>)
      %dma_wait3A = arith.constant 0 : i32
      %dma_wait3A_149 = arith.constant 0 : i32
      %dma_wait3A_150 = tpu.memref_slice %arg15[%dma_wait3A, %dma_wait3A_149] : memref<128x128xf32, #tpu.memory_space<vmem>> -> memref<120x128xf32, #tpu.memory_space<vmem>>
      %dma_wait3A_151 = arith.constant 0 : i32
      %dma_wait3A_152 = tpu.memref_slice %arg16[%add3A_22, %dma_wait3A_151] : memref<10112x128xf32, #tpu.memory_space<vmem_shared>> -> memref<120x128xf32, #tpu.memory_space<vmem_shared>>
      %dma_wait3A_153 = arith.constant 0 : i32
      %dma_wait3A_154 = tpu.memref_slice %arg16[%add3A_22, %dma_wait3A_153] : memref<10112x128xf32, #tpu.memory_space<vmem_shared>> -> memref<120x128xf32, #tpu.memory_space<vmem_shared>>
      %dma_wait3A_155 = arith.constant 0 : i32
      %dma_wait3A_156 = arith.constant 0 : i32
      %dma_wait3A_157 = tpu.memref_slice %arg15[%dma_wait3A_155, %dma_wait3A_156] : memref<128x128xf32, #tpu.memory_space<vmem>> -> memref<120x128xf32, #tpu.memory_space<vmem>>
      tpu.wait_dma2 semaphore(%run_scoped3A : memref<!tpu.dma_semaphore, #tpu.memory_space<semaphore_mem>>) src(%dma_wait3A_157 : memref<120x128xf32, #tpu.memory_space<vmem>>) dst(%dma_wait3A_154 : memref<120x128xf32, #tpu.memory_space<vmem_shared>>)
      tpu.yield
    }) : () -> ()
    %barrier3A = arith.constant 0 : index
    tpu.barrier barrier_id(%barrier3A)
    %add3A_23 = arith.constant 0 : i32
    %add3A_24 = arith.addi %arg1, %add3A_23 : i32
    %mul3A_25 = arith.constant 128 : i32
    %mul3A_26 = arith.muli %add3A_24, %mul3A_25 : i32
    "tpu.region"() ({
      %run_scoped3A = tpu.sem_alloc : memref<!tpu.dma_semaphore, #tpu.memory_space<semaphore_mem>>
      %dma_start3A_139 = tpu.memref_slice %arg3[%mul3A_26] : memref<320000xi32, #tpu.memory_space<hbm>> -> memref<128xi32, #tpu.memory_space<hbm>>
      %dma_start3A_140 = tpu.memref_slice %arg3[%mul3A_26] : memref<320000xi32, #tpu.memory_space<hbm>> -> memref<128xi32, #tpu.memory_space<hbm>>
      tpu.enqueue_dma source(%dma_start3A_140 : memref<128xi32, #tpu.memory_space<hbm>>) target(%arg7 : memref<128xi32, #tpu.memory_space<vmem>>) target_semaphore(%run_scoped3A : memref<!tpu.dma_semaphore, #tpu.memory_space<semaphore_mem>>)
      %dma_wait3A = tpu.memref_slice %arg3[%mul3A_26] : memref<320000xi32, #tpu.memory_space<hbm>> -> memref<128xi32, #tpu.memory_space<hbm>>
      %dma_wait3A_141 = tpu.memref_slice %arg3[%mul3A_26] : memref<320000xi32, #tpu.memory_space<hbm>> -> memref<128xi32, #tpu.memory_space<hbm>>
      tpu.wait_dma2 semaphore(%run_scoped3A : memref<!tpu.dma_semaphore, #tpu.memory_space<semaphore_mem>>) src(%dma_wait3A_141 : memref<128xi32, #tpu.memory_space<hbm>>) dst(%arg7 : memref<128xi32, #tpu.memory_space<vmem>>)
      tpu.yield
    }) : () -> ()
    %mul3A_27 = arith.constant 128 : i32
    %mul3A_28 = arith.muli %add3A_24, %mul3A_27 : i32
    "tpu.region"() ({
      %run_scoped3A = tpu.sem_alloc : memref<!tpu.dma_semaphore, #tpu.memory_space<semaphore_mem>>
      %dma_start3A_139 = tpu.memref_slice %arg4[%mul3A_28] : memref<320000xi32, #tpu.memory_space<hbm>> -> memref<128xi32, #tpu.memory_space<hbm>>
      %dma_start3A_140 = tpu.memref_slice %arg4[%mul3A_28] : memref<320000xi32, #tpu.memory_space<hbm>> -> memref<128xi32, #tpu.memory_space<hbm>>
      tpu.enqueue_dma source(%dma_start3A_140 : memref<128xi32, #tpu.memory_space<hbm>>) target(%arg11 : memref<128xi32, #tpu.memory_space<vmem>>) target_semaphore(%run_scoped3A : memref<!tpu.dma_semaphore, #tpu.memory_space<semaphore_mem>>)
      %dma_wait3A = tpu.memref_slice %arg4[%mul3A_28] : memref<320000xi32, #tpu.memory_space<hbm>> -> memref<128xi32, #tpu.memory_space<hbm>>
      %dma_wait3A_141 = tpu.memref_slice %arg4[%mul3A_28] : memref<320000xi32, #tpu.memory_space<hbm>> -> memref<128xi32, #tpu.memory_space<hbm>>
      tpu.wait_dma2 semaphore(%run_scoped3A : memref<!tpu.dma_semaphore, #tpu.memory_space<semaphore_mem>>) src(%dma_wait3A_141 : memref<128xi32, #tpu.memory_space<hbm>>) dst(%arg11 : memref<128xi32, #tpu.memory_space<vmem>>)
      tpu.yield
    }) : () -> ()
    %get3A = arith.constant 0 : index
    %get3A_29 = tpu.vector_load %arg7[%get3A] {strides = array<i32>} : memref<128xi32, #tpu.memory_space<vmem>>, vector<16xi32>,
    %get3A_30 = vector.shape_cast %get3A_29 : vector<16xi32> to vector<16xi32>
    %mul3A_31 = arith.constant 2 : i32
    %mul3A_32 = vector.broadcast %mul3A_31 : i32 to vector<16xi32>
    %mul3A_33 = arith.muli %get3A_30, %mul3A_32 : vector<16xi32>
    %add3A_34 = vector.broadcast %arg0 : i32 to vector<16xi32>
    %add3A_35 = arith.addi %mul3A_33, %add3A_34 : vector<16xi32>
    %swap3A = arith.constant 0 : index
    %swap3A_36 = tpu.vector_load %arg9[%swap3A] {strides = array<i32>} : memref<128xi32, #tpu.memory_space<vmem>>, vector<16xi32>,
    %swap3A_37 = vector.shape_cast %swap3A_36 : vector<16xi32> to vector<16xi32>
    %swap3A_38 = vector.shape_cast %add3A_35 : vector<16xi32> to vector<16xi32>
    tpu.vector_store %arg9[%swap3A], %swap3A_38 {strides = array<i32>} : memref<128xi32, #tpu.memory_space<vmem>>, vector<16xi32>,
    %get3A_39 = arith.constant 16 : index
    %get3A_40 = tpu.vector_load %arg7[%get3A_39] {strides = array<i32>} : memref<128xi32, #tpu.memory_space<vmem>>, vector<16xi32>,
    %get3A_41 = vector.shape_cast %get3A_40 : vector<16xi32> to vector<16xi32>
    %mul3A_42 = arith.constant 2 : i32
    %mul3A_43 = vector.broadcast %mul3A_42 : i32 to vector<16xi32>
    %mul3A_44 = arith.muli %get3A_41, %mul3A_43 : vector<16xi32>
    %add3A_45 = vector.broadcast %arg0 : i32 to vector<16xi32>
    %add3A_46 = arith.addi %mul3A_44, %add3A_45 : vector<16xi32>
    %swap3A_47 = arith.constant 16 : index
    %swap3A_48 = tpu.vector_load %arg9[%swap3A_47] {strides = array<i32>} : memref<128xi32, #tpu.memory_space<vmem>>, vector<16xi32>,
    %swap3A_49 = vector.shape_cast %swap3A_48 : vector<16xi32> to vector<16xi32>
    %swap3A_50 = vector.shape_cast %add3A_46 : vector<16xi32> to vector<16xi32>
    tpu.vector_store %arg9[%swap3A_47], %swap3A_50 {strides = array<i32>} : memref<128xi32, #tpu.memory_space<vmem>>, vector<16xi32>,
    %get3A_51 = arith.constant 32 : index
    %get3A_52 = tpu.vector_load %arg7[%get3A_51] {strides = array<i32>} : memref<128xi32, #tpu.memory_space<vmem>>, vector<16xi32>,
    %get3A_53 = vector.shape_cast %get3A_52 : vector<16xi32> to vector<16xi32>
    %mul3A_54 = arith.constant 2 : i32
    %mul3A_55 = vector.broadcast %mul3A_54 : i32 to vector<16xi32>
    %mul3A_56 = arith.muli %get3A_53, %mul3A_55 : vector<16xi32>
    %add3A_57 = vector.broadcast %arg0 : i32 to vector<16xi32>
    %add3A_58 = arith.addi %mul3A_56, %add3A_57 : vector<16xi32>
    %swap3A_59 = arith.constant 32 : index
    %swap3A_60 = tpu.vector_load %arg9[%swap3A_59] {strides = array<i32>} : memref<128xi32, #tpu.memory_space<vmem>>, vector<16xi32>,
    %swap3A_61 = vector.shape_cast %swap3A_60 : vector<16xi32> to vector<16xi32>
    %swap3A_62 = vector.shape_cast %add3A_58 : vector<16xi32> to vector<16xi32>
    tpu.vector_store %arg9[%swap3A_59], %swap3A_62 {strides = array<i32>} : memref<128xi32, #tpu.memory_space<vmem>>, vector<16xi32>,
    %get3A_63 = arith.constant 48 : index
    %get3A_64 = tpu.vector_load %arg7[%get3A_63] {strides = array<i32>} : memref<128xi32, #tpu.memory_space<vmem>>, vector<16xi32>,
    %get3A_65 = vector.shape_cast %get3A_64 : vector<16xi32> to vector<16xi32>
    %mul3A_66 = arith.constant 2 : i32
    %mul3A_67 = vector.broadcast %mul3A_66 : i32 to vector<16xi32>
    %mul3A_68 = arith.muli %get3A_65, %mul3A_67 : vector<16xi32>
    %add3A_69 = vector.broadcast %arg0 : i32 to vector<16xi32>
    %add3A_70 = arith.addi %mul3A_68, %add3A_69 : vector<16xi32>
    %swap3A_71 = arith.constant 48 : index
    %swap3A_72 = tpu.vector_load %arg9[%swap3A_71] {strides = array<i32>} : memref<128xi32, #tpu.memory_space<vmem>>, vector<16xi32>,
    %swap3A_73 = vector.shape_cast %swap3A_72 : vector<16xi32> to vector<16xi32>
    %swap3A_74 = vector.shape_cast %add3A_70 : vector<16xi32> to vector<16xi32>
    tpu.vector_store %arg9[%swap3A_71], %swap3A_74 {strides = array<i32>} : memref<128xi32, #tpu.memory_space<vmem>>, vector<16xi32>,
    %get3A_75 = arith.constant 64 : index
    %get3A_76 = tpu.vector_load %arg7[%get3A_75] {strides = array<i32>} : memref<128xi32, #tpu.memory_space<vmem>>, vector<16xi32>,
    %get3A_77 = vector.shape_cast %get3A_76 : vector<16xi32> to vector<16xi32>
    %mul3A_78 = arith.constant 2 : i32
    %mul3A_79 = vector.broadcast %mul3A_78 : i32 to vector<16xi32>
    %mul3A_80 = arith.muli %get3A_77, %mul3A_79 : vector<16xi32>
    %add3A_81 = vector.broadcast %arg0 : i32 to vector<16xi32>
    %add3A_82 = arith.addi %mul3A_80, %add3A_81 : vector<16xi32>
    %swap3A_83 = arith.constant 64 : index
    %swap3A_84 = tpu.vector_load %arg9[%swap3A_83] {strides = array<i32>} : memref<128xi32, #tpu.memory_space<vmem>>, vector<16xi32>,
    %swap3A_85 = vector.shape_cast %swap3A_84 : vector<16xi32> to vector<16xi32>
    %swap3A_86 = vector.shape_cast %add3A_82 : vector<16xi32> to vector<16xi32>
    tpu.vector_store %arg9[%swap3A_83], %swap3A_86 {strides = array<i32>} : memref<128xi32, #tpu.memory_space<vmem>>, vector<16xi32>,
    %get3A_87 = arith.constant 80 : index
    %get3A_88 = tpu.vector_load %arg7[%get3A_87] {strides = array<i32>} : memref<128xi32, #tpu.memory_space<vmem>>, vector<16xi32>,
    %get3A_89 = vector.shape_cast %get3A_88 : vector<16xi32> to vector<16xi32>
    %mul3A_90 = arith.constant 2 : i32
    %mul3A_91 = vector.broadcast %mul3A_90 : i32 to vector<16xi32>
    %mul3A_92 = arith.muli %get3A_89, %mul3A_91 : vector<16xi32>
    %add3A_93 = vector.broadcast %arg0 : i32 to vector<16xi32>
    %add3A_94 = arith.addi %mul3A_92, %add3A_93 : vector<16xi32>
    %swap3A_95 = arith.constant 80 : index
    %swap3A_96 = tpu.vector_load %arg9[%swap3A_95] {strides = array<i32>} : memref<128xi32, #tpu.memory_space<vmem>>, vector<16xi32>,
    %swap3A_97 = vector.shape_cast %swap3A_96 : vector<16xi32> to vector<16xi32>
    %swap3A_98 = vector.shape_cast %add3A_94 : vector<16xi32> to vector<16xi32>
    tpu.vector_store %arg9[%swap3A_95], %swap3A_98 {strides = array<i32>} : memref<128xi32, #tpu.memory_space<vmem>>, vector<16xi32>,
    %get3A_99 = arith.constant 96 : index
    %get3A_100 = tpu.vector_load %arg7[%get3A_99] {strides = array<i32>} : memref<128xi32, #tpu.memory_space<vmem>>, vector<16xi32>,
    %get3A_101 = vector.shape_cast %get3A_100 : vector<16xi32> to vector<16xi32>
    %mul3A_102 = arith.constant 2 : i32
    %mul3A_103 = vector.broadcast %mul3A_102 : i32 to vector<16xi32>
    %mul3A_104 = arith.muli %get3A_101, %mul3A_103 : vector<16xi32>
    %add3A_105 = vector.broadcast %arg0 : i32 to vector<16xi32>
    %add3A_106 = arith.addi %mul3A_104, %add3A_105 : vector<16xi32>
    %swap3A_107 = arith.constant 96 : index
    %swap3A_108 = tpu.vector_load %arg9[%swap3A_107] {strides = array<i32>} : memref<128xi32, #tpu.memory_space<vmem>>, vector<16xi32>,
    %swap3A_109 = vector.shape_cast %swap3A_108 : vector<16xi32> to vector<16xi32>
    %swap3A_110 = vector.shape_cast %add3A_106 : vector<16xi32> to vector<16xi32>
    tpu.vector_store %arg9[%swap3A_107], %swap3A_110 {strides = array<i32>} : memref<128xi32, #tpu.memory_space<vmem>>, vector<16xi32>,
    %get3A_111 = arith.constant 112 : index
    %get3A_112 = tpu.vector_load %arg7[%get3A_111] {strides = array<i32>} : memref<128xi32, #tpu.memory_space<vmem>>, vector<16xi32>,
    %get3A_113 = vector.shape_cast %get3A_112 : vector<16xi32> to vector<16xi32>
    %mul3A_114 = arith.constant 2 : i32
    %mul3A_115 = vector.broadcast %mul3A_114 : i32 to vector<16xi32>
    %mul3A_116 = arith.muli %get3A_113, %mul3A_115 : vector<16xi32>
    %add3A_117 = vector.broadcast %arg0 : i32 to vector<16xi32>
    %add3A_118 = arith.addi %mul3A_116, %add3A_117 : vector<16xi32>
    %swap3A_119 = arith.constant 112 : index
    %swap3A_120 = tpu.vector_load %arg9[%swap3A_119] {strides = array<i32>} : memref<128xi32, #tpu.memory_space<vmem>>, vector<16xi32>,
    %swap3A_121 = vector.shape_cast %swap3A_120 : vector<16xi32> to vector<16xi32>
    %swap3A_122 = vector.shape_cast %add3A_118 : vector<16xi32> to vector<16xi32>
    tpu.vector_store %arg9[%swap3A_119], %swap3A_122 {strides = array<i32>} : memref<128xi32, #tpu.memory_space<vmem>>, vector<16xi32>,
    %dma_start3A = arith.constant 0 : i32
    %dma_start3A_123 = arith.constant 0 : i32
    %dma_start3A_124 = tpu.memref_slice %arg2[%dma_start3A, %dma_start3A_123] : memref<20000x128xf32, #tpu.memory_space<hbm>> -> memref<20000x128xf32, #tpu.memory_space<hbm>>
    tpu.enqueue_indirect_dma source(%dma_start3A_124 : memref<20000x128xf32, #tpu.memory_space<hbm>>) target(%arg13 : memref<128x128xf32, #tpu.memory_space<vmem>>) offsets(%arg9 : memref<128xi32, #tpu.memory_space<vmem>>) semaphore(%arg17 : memref<!tpu.dma_semaphore, #tpu.memory_space<semaphore_mem>>)
    %scan3A_125 = arith.constant 0 : i32
    %scan3A_126 = arith.constant 0 : i32
    %scan3A_127 = arith.constant 79 : i32
    %scan3A_128 = arith.addi %scan3A_126, %scan3A_127 : i32
    %scan3A_129 = arith.constant 1 : i32
    scf.for %scan3A_139 = %scan3A_126 to %scan3A_128 step %scan3A_129  : i32 {
      %mul3A_140 = arith.constant 2 : i32
      %mul3A_141 = arith.muli %mul3A_140, %scan3A_139 : i32
      %add3A_142 = arith.constant 1 : i32
      %add3A_143 = arith.addi %mul3A_141, %add3A_142 : i32
      %mul3A_144 = arith.constant 16 : i32
      %mul3A_145 = arith.muli %mul3A_144, %add3A_143 : i32
      %add3A_146 = arith.addi %arg1, %mul3A_145 : i32
      %lt3A = arith.constant 2500 : i32
      %lt3A_147 = arith.cmpi slt, %add3A_146, %lt3A : i32
      %convert_element_type3A_148 = arith.extui %lt3A_147 : i1 to i32
      %cond3A_149 = arith.constant 0 : i32
      %cond3A_150 = arith.cmpi ne, %convert_element_type3A_148, %cond3A_149 : i32
      scf.if %cond3A_150 {
        %add3A_179 = arith.constant 1 : i32
        %add3A_180 = arith.addi %mul3A_141, %add3A_179 : i32
        %mul3A_181 = arith.constant 16 : i32
        %mul3A_182 = arith.muli %mul3A_181, %add3A_180 : i32
        %add3A_183 = arith.addi %arg1, %mul3A_182 : i32
        %mul3A_184 = arith.constant 128 : i32
        %mul3A_185 = arith.muli %add3A_183, %mul3A_184 : i32
        "tpu.region"() ({
          %run_scoped3A = tpu.sem_alloc : memref<!tpu.dma_semaphore, #tpu.memory_space<semaphore_mem>>
          %dma_start3A_287 = tpu.memref_slice %arg3[%mul3A_185] : memref<320000xi32, #tpu.memory_space<hbm>> -> memref<128xi32, #tpu.memory_space<hbm>>
          %dma_start3A_288 = tpu.memref_slice %arg3[%mul3A_185] : memref<320000xi32, #tpu.memory_space<hbm>> -> memref<128xi32, #tpu.memory_space<hbm>>
          tpu.enqueue_dma source(%dma_start3A_288 : memref<128xi32, #tpu.memory_space<hbm>>) target(%arg8 : memref<128xi32, #tpu.memory_space<vmem>>) target_semaphore(%run_scoped3A : memref<!tpu.dma_semaphore, #tpu.memory_space<semaphore_mem>>)
          %dma_wait3A = tpu.memref_slice %arg3[%mul3A_185] : memref<320000xi32, #tpu.memory_space<hbm>> -> memref<128xi32, #tpu.memory_space<hbm>>
          %dma_wait3A_289 = tpu.memref_slice %arg3[%mul3A_185] : memref<320000xi32, #tpu.memory_space<hbm>> -> memref<128xi32, #tpu.memory_space<hbm>>
          tpu.wait_dma2 semaphore(%run_scoped3A : memref<!tpu.dma_semaphore, #tpu.memory_space<semaphore_mem>>) src(%dma_wait3A_289 : memref<128xi32, #tpu.memory_space<hbm>>) dst(%arg8 : memref<128xi32, #tpu.memory_space<vmem>>)
          tpu.yield
        }) : () -> ()
        %mul3A_186 = arith.constant 128 : i32
        %mul3A_187 = arith.muli %add3A_183, %mul3A_186 : i32
        "tpu.region"() ({
          %run_scoped3A = tpu.sem_alloc : memref<!tpu.dma_semaphore, #tpu.memory_space<semaphore_mem>>
          %dma_start3A_287 = tpu.memref_slice %arg4[%mul3A_187] : memref<320000xi32, #tpu.memory_space<hbm>> -> memref<128xi32, #tpu.memory_space<hbm>>
          %dma_start3A_288 = tpu.memref_slice %arg4[%mul3A_187] : memref<320000xi32, #tpu.memory_space<hbm>> -> memref<128xi32, #tpu.memory_space<hbm>>
          tpu.enqueue_dma source(%dma_start3A_288 : memref<128xi32, #tpu.memory_space<hbm>>) target(%arg12 : memref<128xi32, #tpu.memory_space<vmem>>) target_semaphore(%run_scoped3A : memref<!tpu.dma_semaphore, #tpu.memory_space<semaphore_mem>>)
          %dma_wait3A = tpu.memref_slice %arg4[%mul3A_187] : memref<320000xi32, #tpu.memory_space<hbm>> -> memref<128xi32, #tpu.memory_space<hbm>>
          %dma_wait3A_289 = tpu.memref_slice %arg4[%mul3A_187] : memref<320000xi32, #tpu.memory_space<hbm>> -> memref<128xi32, #tpu.memory_space<hbm>>
          tpu.wait_dma2 semaphore(%run_scoped3A : memref<!tpu.dma_semaphore, #tpu.memory_space<semaphore_mem>>) src(%dma_wait3A_289 : memref<128xi32, #tpu.memory_space<hbm>>) dst(%arg12 : memref<128xi32, #tpu.memory_space<vmem>>)
          tpu.yield
        }) : () -> ()
        %get3A_188 = arith.constant 0 : index
        %get3A_189 = tpu.vector_load %arg8[%get3A_188] {strides = array<i32>} : memref<128xi32, #tpu.memory_space<vmem>>, vector<16xi32>,
        %get3A_190 = vector.shape_cast %get3A_189 : vector<16xi32> to vector<16xi32>
        %mul3A_191 = arith.constant 2 : i32
        %mul3A_192 = vector.broadcast %mul3A_191 : i32 to vector<16xi32>
        %mul3A_193 = arith.muli %get3A_190, %mul3A_192 : vector<16xi32>
        %add3A_194 = vector.broadcast %arg0 : i32 to vector<16xi32>
        %add3A_195 = arith.addi %mul3A_193, %add3A_194 : vector<16xi32>
        %swap3A_196 = arith.constant 0 : index
        %swap3A_197 = tpu.vector_load %arg10[%swap3A_196] {strides = array<i32>} : memref<128xi32, #tpu.memory_space<vmem>>, vector<16xi32>,
        %swap3A_198 = vector.shape_cast %swap3A_197 : vector<16xi32> to vector<16xi32>
        %swap3A_199 = vector.shape_cast %add3A_195 : vector<16xi32> to vector<16xi32>
        tpu.vector_store %arg10[%swap3A_196], %swap3A_199 {strides = array<i32>} : memref<128xi32, #tpu.memory_space<vmem>>, vector<16xi32>,
        %get3A_200 = arith.constant 16 : index
        %get3A_201 = tpu.vector_load %arg8[%get3A_200] {strides = array<i32>} : memref<128xi32, #tpu.memory_space<vmem>>, vector<16xi32>,
        %get3A_202 = vector.shape_cast %get3A_201 : vector<16xi32> to vector<16xi32>
        %mul3A_203 = arith.constant 2 : i32
        %mul3A_204 = vector.broadcast %mul3A_203 : i32 to vector<16xi32>
        %mul3A_205 = arith.muli %get3A_202, %mul3A_204 : vector<16xi32>
        %add3A_206 = vector.broadcast %arg0 : i32 to vector<16xi32>
        %add3A_207 = arith.addi %mul3A_205, %add3A_206 : vector<16xi32>
        %swap3A_208 = arith.constant 16 : index
        %swap3A_209 = tpu.vector_load %arg10[%swap3A_208] {strides = array<i32>} : memref<128xi32, #tpu.memory_space<vmem>>, vector<16xi32>,
        %swap3A_210 = vector.shape_cast %swap3A_209 : vector<16xi32> to vector<16xi32>
        %swap3A_211 = vector.shape_cast %add3A_207 : vector<16xi32> to vector<16xi32>
        tpu.vector_store %arg10[%swap3A_208], %swap3A_211 {strides = array<i32>} : memref<128xi32, #tpu.memory_space<vmem>>, vector<16xi32>,
        %get3A_212 = arith.constant 32 : index
        %get3A_213 = tpu.vector_load %arg8[%get3A_212] {strides = array<i32>} : memref<128xi32, #tpu.memory_space<vmem>>, vector<16xi32>,
        %get3A_214 = vector.shape_cast %get3A_213 : vector<16xi32> to vector<16xi32>
        %mul3A_215 = arith.constant 2 : i32
        %mul3A_216 = vector.broadcast %mul3A_215 : i32 to vector<16xi32>
        %mul3A_217 = arith.muli %get3A_214, %mul3A_216 : vector<16xi32>
        %add3A_218 = vector.broadcast %arg0 : i32 to vector<16xi32>
        %add3A_219 = arith.addi %mul3A_217, %add3A_218 : vector<16xi32>
        %swap3A_220 = arith.constant 32 : index
        %swap3A_221 = tpu.vector_load %arg10[%swap3A_220] {strides = array<i32>} : memref<128xi32, #tpu.memory_space<vmem>>, vector<16xi32>,
        %swap3A_222 = vector.shape_cast %swap3A_221 : vector<16xi32> to vector<16xi32>
        %swap3A_223 = vector.shape_cast %add3A_219 : vector<16xi32> to vector<16xi32>
        tpu.vector_store %arg10[%swap3A_220], %swap3A_223 {strides = array<i32>} : memref<128xi32, #tpu.memory_space<vmem>>, vector<16xi32>,
        %get3A_224 = arith.constant 48 : index
        %get3A_225 = tpu.vector_load %arg8[%get3A_224] {strides = array<i32>} : memref<128xi32, #tpu.memory_space<vmem>>, vector<16xi32>,
        %get3A_226 = vector.shape_cast %get3A_225 : vector<16xi32> to vector<16xi32>
        %mul3A_227 = arith.constant 2 : i32
        %mul3A_228 = vector.broadcast %mul3A_227 : i32 to vector<16xi32>
        %mul3A_229 = arith.muli %get3A_226, %mul3A_228 : vector<16xi32>
        %add3A_230 = vector.broadcast %arg0 : i32 to vector<16xi32>
        %add3A_231 = arith.addi %mul3A_229, %add3A_230 : vector<16xi32>
        %swap3A_232 = arith.constant 48 : index
        %swap3A_233 = tpu.vector_load %arg10[%swap3A_232] {strides = array<i32>} : memref<128xi32, #tpu.memory_space<vmem>>, vector<16xi32>,
        %swap3A_234 = vector.shape_cast %swap3A_233 : vector<16xi32> to vector<16xi32>
        %swap3A_235 = vector.shape_cast %add3A_231 : vector<16xi32> to vector<16xi32>
        tpu.vector_store %arg10[%swap3A_232], %swap3A_235 {strides = array<i32>} : memref<128xi32, #tpu.memory_space<vmem>>, vector<16xi32>,
        %get3A_236 = arith.constant 64 : index
        %get3A_237 = tpu.vector_load %arg8[%get3A_236] {strides = array<i32>} : memref<128xi32, #tpu.memory_space<vmem>>, vector<16xi32>,
        %get3A_238 = vector.shape_cast %get3A_237 : vector<16xi32> to vector<16xi32>
        %mul3A_239 = arith.constant 2 : i32
        %mul3A_240 = vector.broadcast %mul3A_239 : i32 to vector<16xi32>
        %mul3A_241 = arith.muli %get3A_238, %mul3A_240 : vector<16xi32>
        %add3A_242 = vector.broadcast %arg0 : i32 to vector<16xi32>
        %add3A_243 = arith.addi %mul3A_241, %add3A_242 : vector<16xi32>
        %swap3A_244 = arith.constant 64 : index
        %swap3A_245 = tpu.vector_load %arg10[%swap3A_244] {strides = array<i32>} : memref<128xi32, #tpu.memory_space<vmem>>, vector<16xi32>,
        %swap3A_246 = vector.shape_cast %swap3A_245 : vector<16xi32> to vector<16xi32>
        %swap3A_247 = vector.shape_cast %add3A_243 : vector<16xi32> to vector<16xi32>
        tpu.vector_store %arg10[%swap3A_244], %swap3A_247 {strides = array<i32>} : memref<128xi32, #tpu.memory_space<vmem>>, vector<16xi32>,
        %get3A_248 = arith.constant 80 : index
        %get3A_249 = tpu.vector_load %arg8[%get3A_248] {strides = array<i32>} : memref<128xi32, #tpu.memory_space<vmem>>, vector<16xi32>,
        %get3A_250 = vector.shape_cast %get3A_249 : vector<16xi32> to vector<16xi32>
        %mul3A_251 = arith.constant 2 : i32
        %mul3A_252 = vector.broadcast %mul3A_251 : i32 to vector<16xi32>
        %mul3A_253 = arith.muli %get3A_250, %mul3A_252 : vector<16xi32>
        %add3A_254 = vector.broadcast %arg0 : i32 to vector<16xi32>
        %add3A_255 = arith.addi %mul3A_253, %add3A_254 : vector<16xi32>
        %swap3A_256 = arith.constant 80 : index
        %swap3A_257 = tpu.vector_load %arg10[%swap3A_256] {strides = array<i32>} : memref<128xi32, #tpu.memory_space<vmem>>, vector<16xi32>,
        %swap3A_258 = vector.shape_cast %swap3A_257 : vector<16xi32> to vector<16xi32>
        %swap3A_259 = vector.shape_cast %add3A_255 : vector<16xi32> to vector<16xi32>
        tpu.vector_store %arg10[%swap3A_256], %swap3A_259 {strides = array<i32>} : memref<128xi32, #tpu.memory_space<vmem>>, vector<16xi32>,
        %get3A_260 = arith.constant 96 : index
        %get3A_261 = tpu.vector_load %arg8[%get3A_260] {strides = array<i32>} : memref<128xi32, #tpu.memory_space<vmem>>, vector<16xi32>,
        %get3A_262 = vector.shape_cast %get3A_261 : vector<16xi32> to vector<16xi32>
        %mul3A_263 = arith.constant 2 : i32
        %mul3A_264 = vector.broadcast %mul3A_263 : i32 to vector<16xi32>
        %mul3A_265 = arith.muli %get3A_262, %mul3A_264 : vector<16xi32>
        %add3A_266 = vector.broadcast %arg0 : i32 to vector<16xi32>
        %add3A_267 = arith.addi %mul3A_265, %add3A_266 : vector<16xi32>
        %swap3A_268 = arith.constant 96 : index
        %swap3A_269 = tpu.vector_load %arg10[%swap3A_268] {strides = array<i32>} : memref<128xi32, #tpu.memory_space<vmem>>, vector<16xi32>,
        %swap3A_270 = vector.shape_cast %swap3A_269 : vector<16xi32> to vector<16xi32>
        %swap3A_271 = vector.shape_cast %add3A_267 : vector<16xi32> to vector<16xi32>
        tpu.vector_store %arg10[%swap3A_268], %swap3A_271 {strides = array<i32>} : memref<128xi32, #tpu.memory_space<vmem>>, vector<16xi32>,
        %get3A_272 = arith.constant 112 : index
        %get3A_273 = tpu.vector_load %arg8[%get3A_272] {strides = array<i32>} : memref<128xi32, #tpu.memory_space<vmem>>, vector<16xi32>,
        %get3A_274 = vector.shape_cast %get3A_273 : vector<16xi32> to vector<16xi32>
        %mul3A_275 = arith.constant 2 : i32
        %mul3A_276 = vector.broadcast %mul3A_275 : i32 to vector<16xi32>
        %mul3A_277 = arith.muli %get3A_274, %mul3A_276 : vector<16xi32>
        %add3A_278 = vector.broadcast %arg0 : i32 to vector<16xi32>
        %add3A_279 = arith.addi %mul3A_277, %add3A_278 : vector<16xi32>
        %swap3A_280 = arith.constant 112 : index
        %swap3A_281 = tpu.vector_load %arg10[%swap3A_280] {strides = array<i32>} : memref<128xi32, #tpu.memory_space<vmem>>, vector<16xi32>,
        %swap3A_282 = vector.shape_cast %swap3A_281 : vector<16xi32> to vector<16xi32>
        %swap3A_283 = vector.shape_cast %add3A_279 : vector<16xi32> to vector<16xi32>
        tpu.vector_store %arg10[%swap3A_280], %swap3A_283 {strides = array<i32>} : memref<128xi32, #tpu.memory_space<vmem>>, vector<16xi32>,
        %dma_start3A_284 = arith.constant 0 : i32
        %dma_start3A_285 = arith.constant 0 : i32
        %dma_start3A_286 = tpu.memref_slice %arg2[%dma_start3A_284, %dma_start3A_285] : memref<20000x128xf32, #tpu.memory_space<hbm>> -> memref<20000x128xf32, #tpu.memory_space<hbm>>
        tpu.enqueue_indirect_dma source(%dma_start3A_286 : memref<20000x128xf32, #tpu.memory_space<hbm>>) target(%arg14 : memref<128x128xf32, #tpu.memory_space<vmem>>) offsets(%arg10 : memref<128xi32, #tpu.memory_space<vmem>>) semaphore(%arg18 : memref<!tpu.dma_semaphore, #tpu.memory_space<semaphore_mem>>)
      } else {
      }
      %mul3A_151 = arith.constant 16 : i32
      %mul3A_152 = arith.muli %mul3A_151, %mul3A_141 : i32
      %add3A_153 = arith.addi %arg1, %mul3A_152 : i32
      %lt3A_154 = arith.constant 2500 : i32
      %lt3A_155 = arith.cmpi slt, %add3A_153, %lt3A_154 : i32
      %convert_element_type3A_156 = arith.extui %lt3A_155 : i1 to i32
      %cond3A_157 = arith.constant 0 : i32
      %cond3A_158 = arith.cmpi ne, %convert_element_type3A_156, %cond3A_157 : i32
      scf.if %cond3A_158 {
        %dma_wait3A = arith.constant 0 : i32
        %dma_wait3A_179 = arith.constant 0 : i32
        %dma_wait3A_180 = tpu.memref_slice %arg2[%dma_wait3A, %dma_wait3A_179] : memref<20000x128xf32, #tpu.memory_space<hbm>> -> memref<20000x128xf32, #tpu.memory_space<hbm>>
        tpu.wait_indirect_dma semaphore(%arg17 : memref<!tpu.dma_semaphore, #tpu.memory_space<semaphore_mem>>) src(%dma_wait3A_180 : memref<20000x128xf32, #tpu.memory_space<hbm>>) dst(%arg13 : memref<128x128xf32, #tpu.memory_space<vmem>>)
        "tpu.region"() ({
          %run_scoped3A = tpu.sem_alloc : memref<!tpu.dma_semaphore, #tpu.memory_space<semaphore_mem>>
          %dma_start3A_181 = arith.constant 0 : i32
          %dma_start3A_182 = arith.constant 0 : i32
          %dma_start3A_183 = tpu.memref_slice %arg16[%dma_start3A_181, %dma_start3A_182] : memref<10112x128xf32, #tpu.memory_space<vmem_shared>> -> memref<10112x128xf32, #tpu.memory_space<vmem_shared>>
          tpu.enqueue_indirect_dma source(%arg13 : memref<128x128xf32, #tpu.memory_space<vmem>>) target(%dma_start3A_183 : memref<10112x128xf32, #tpu.memory_space<vmem_shared>>) offsets(%arg11 : memref<128xi32, #tpu.memory_space<vmem>>) semaphore(%run_scoped3A : memref<!tpu.dma_semaphore, #tpu.memory_space<semaphore_mem>>) {add = true}
          %dma_wait3A_184 = arith.constant 0 : i32
          %dma_wait3A_185 = arith.constant 0 : i32
          %dma_wait3A_186 = tpu.memref_slice %arg16[%dma_wait3A_184, %dma_wait3A_185] : memref<10112x128xf32, #tpu.memory_space<vmem_shared>> -> memref<10112x128xf32, #tpu.memory_space<vmem_shared>>
          tpu.wait_indirect_dma semaphore(%run_scoped3A : memref<!tpu.dma_semaphore, #tpu.memory_space<semaphore_mem>>) src(%arg13 : memref<128x128xf32, #tpu.memory_space<vmem>>) dst(%dma_wait3A_186 : memref<10112x128xf32, #tpu.memory_space<vmem_shared>>)
          tpu.yield
        }) : () -> ()
      } else {
      }
      %add3A_159 = arith.constant 2 : i32
      %add3A_160 = arith.addi %mul3A_141, %add3A_159 : i32
      %mul3A_161 = arith.constant 16 : i32
      %mul3A_162 = arith.muli %mul3A_161, %add3A_160 : i32
      %add3A_163 = arith.addi %arg1, %mul3A_162 : i32
      %lt3A_164 = arith.constant 2500 : i32
      %lt3A_165 = arith.cmpi slt, %add3A_163, %lt3A_164 : i32
      %convert_element_type3A_166 = arith.extui %lt3A_165 : i1 to i32
      %cond3A_167 = arith.constant 0 : i32
      %cond3A_168 = arith.cmpi ne, %convert_element_type3A_166, %cond3A_167 : i32
      scf.if %cond3A_168 {
        %add3A_179 = arith.constant 2 : i32
        %add3A_180 = arith.addi %mul3A_141, %add3A_179 : i32
        %mul3A_181 = arith.constant 16 : i32
        %mul3A_182 = arith.muli %mul3A_181, %add3A_180 : i32
        %add3A_183 = arith.addi %arg1, %mul3A_182 : i32
        %mul3A_184 = arith.constant 128 : i32
        %mul3A_185 = arith.muli %add3A_183, %mul3A_184 : i32
        "tpu.region"() ({
          %run_scoped3A = tpu.sem_alloc : memref<!tpu.dma_semaphore, #tpu.memory_space<semaphore_mem>>
          %dma_start3A_287 = tpu.memref_slice %arg3[%mul3A_185] : memref<320000xi32, #tpu.memory_space<hbm>> -> memref<128xi32, #tpu.memory_space<hbm>>
          %dma_start3A_288 = tpu.memref_slice %arg3[%mul3A_185] : memref<320000xi32, #tpu.memory_space<hbm>> -> memref<128xi32, #tpu.memory_space<hbm>>
          tpu.enqueue_dma source(%dma_start3A_288 : memref<128xi32, #tpu.memory_space<hbm>>) target(%arg7 : memref<128xi32, #tpu.memory_space<vmem>>) target_semaphore(%run_scoped3A : memref<!tpu.dma_semaphore, #tpu.memory_space<semaphore_mem>>)
          %dma_wait3A = tpu.memref_slice %arg3[%mul3A_185] : memref<320000xi32, #tpu.memory_space<hbm>> -> memref<128xi32, #tpu.memory_space<hbm>>
          %dma_wait3A_289 = tpu.memref_slice %arg3[%mul3A_185] : memref<320000xi32, #tpu.memory_space<hbm>> -> memref<128xi32, #tpu.memory_space<hbm>>
          tpu.wait_dma2 semaphore(%run_scoped3A : memref<!tpu.dma_semaphore, #tpu.memory_space<semaphore_mem>>) src(%dma_wait3A_289 : memref<128xi32, #tpu.memory_space<hbm>>) dst(%arg7 : memref<128xi32, #tpu.memory_space<vmem>>)
          tpu.yield
        }) : () -> ()
        %mul3A_186 = arith.constant 128 : i32
        %mul3A_187 = arith.muli %add3A_183, %mul3A_186 : i32
        "tpu.region"() ({
          %run_scoped3A = tpu.sem_alloc : memref<!tpu.dma_semaphore, #tpu.memory_space<semaphore_mem>>
          %dma_start3A_287 = tpu.memref_slice %arg4[%mul3A_187] : memref<320000xi32, #tpu.memory_space<hbm>> -> memref<128xi32, #tpu.memory_space<hbm>>
          %dma_start3A_288 = tpu.memref_slice %arg4[%mul3A_187] : memref<320000xi32, #tpu.memory_space<hbm>> -> memref<128xi32, #tpu.memory_space<hbm>>
          tpu.enqueue_dma source(%dma_start3A_288 : memref<128xi32, #tpu.memory_space<hbm>>) target(%arg11 : memref<128xi32, #tpu.memory_space<vmem>>) target_semaphore(%run_scoped3A : memref<!tpu.dma_semaphore, #tpu.memory_space<semaphore_mem>>)
          %dma_wait3A = tpu.memref_slice %arg4[%mul3A_187] : memref<320000xi32, #tpu.memory_space<hbm>> -> memref<128xi32, #tpu.memory_space<hbm>>
          %dma_wait3A_289 = tpu.memref_slice %arg4[%mul3A_187] : memref<320000xi32, #tpu.memory_space<hbm>> -> memref<128xi32, #tpu.memory_space<hbm>>
          tpu.wait_dma2 semaphore(%run_scoped3A : memref<!tpu.dma_semaphore, #tpu.memory_space<semaphore_mem>>) src(%dma_wait3A_289 : memref<128xi32, #tpu.memory_space<hbm>>) dst(%arg11 : memref<128xi32, #tpu.memory_space<vmem>>)
          tpu.yield
        }) : () -> ()
        %get3A_188 = arith.constant 0 : index
        %get3A_189 = tpu.vector_load %arg7[%get3A_188] {strides = array<i32>} : memref<128xi32, #tpu.memory_space<vmem>>, vector<16xi32>,
        %get3A_190 = vector.shape_cast %get3A_189 : vector<16xi32> to vector<16xi32>
        %mul3A_191 = arith.constant 2 : i32
        %mul3A_192 = vector.broadcast %mul3A_191 : i32 to vector<16xi32>
        %mul3A_193 = arith.muli %get3A_190, %mul3A_192 : vector<16xi32>
        %add3A_194 = vector.broadcast %arg0 : i32 to vector<16xi32>
        %add3A_195 = arith.addi %mul3A_193, %add3A_194 : vector<16xi32>
        %swap3A_196 = arith.constant 0 : index
        %swap3A_197 = tpu.vector_load %arg9[%swap3A_196] {strides = array<i32>} : memref<128xi32, #tpu.memory_space<vmem>>, vector<16xi32>,
        %swap3A_198 = vector.shape_cast %swap3A_197 : vector<16xi32> to vector<16xi32>
        %swap3A_199 = vector.shape_cast %add3A_195 : vector<16xi32> to vector<16xi32>
        tpu.vector_store %arg9[%swap3A_196], %swap3A_199 {strides = array<i32>} : memref<128xi32, #tpu.memory_space<vmem>>, vector<16xi32>,
        %get3A_200 = arith.constant 16 : index
        %get3A_201 = tpu.vector_load %arg7[%get3A_200] {strides = array<i32>} : memref<128xi32, #tpu.memory_space<vmem>>, vector<16xi32>,
        %get3A_202 = vector.shape_cast %get3A_201 : vector<16xi32> to vector<16xi32>
        %mul3A_203 = arith.constant 2 : i32
        %mul3A_204 = vector.broadcast %mul3A_203 : i32 to vector<16xi32>
        %mul3A_205 = arith.muli %get3A_202, %mul3A_204 : vector<16xi32>
        %add3A_206 = vector.broadcast %arg0 : i32 to vector<16xi32>
        %add3A_207 = arith.addi %mul3A_205, %add3A_206 : vector<16xi32>
        %swap3A_208 = arith.constant 16 : index
        %swap3A_209 = tpu.vector_load %arg9[%swap3A_208] {strides = array<i32>} : memref<128xi32, #tpu.memory_space<vmem>>, vector<16xi32>,
        %swap3A_210 = vector.shape_cast %swap3A_209 : vector<16xi32> to vector<16xi32>
        %swap3A_211 = vector.shape_cast %add3A_207 : vector<16xi32> to vector<16xi32>
        tpu.vector_store %arg9[%swap3A_208], %swap3A_211 {strides = array<i32>} : memref<128xi32, #tpu.memory_space<vmem>>, vector<16xi32>,
        %get3A_212 = arith.constant 32 : index
        %get3A_213 = tpu.vector_load %arg7[%get3A_212] {strides = array<i32>} : memref<128xi32, #tpu.memory_space<vmem>>, vector<16xi32>,
        %get3A_214 = vector.shape_cast %get3A_213 : vector<16xi32> to vector<16xi32>
        %mul3A_215 = arith.constant 2 : i32
        %mul3A_216 = vector.broadcast %mul3A_215 : i32 to vector<16xi32>
        %mul3A_217 = arith.muli %get3A_214, %mul3A_216 : vector<16xi32>
        %add3A_218 = vector.broadcast %arg0 : i32 to vector<16xi32>
        %add3A_219 = arith.addi %mul3A_217, %add3A_218 : vector<16xi32>
        %swap3A_220 = arith.constant 32 : index
        %swap3A_221 = tpu.vector_load %arg9[%swap3A_220] {strides = array<i32>} : memref<128xi32, #tpu.memory_space<vmem>>, vector<16xi32>,
        %swap3A_222 = vector.shape_cast %swap3A_221 : vector<16xi32> to vector<16xi32>
        %swap3A_223 = vector.shape_cast %add3A_219 : vector<16xi32> to vector<16xi32>
        tpu.vector_store %arg9[%swap3A_220], %swap3A_223 {strides = array<i32>} : memref<128xi32, #tpu.memory_space<vmem>>, vector<16xi32>,
        %get3A_224 = arith.constant 48 : index
        %get3A_225 = tpu.vector_load %arg7[%get3A_224] {strides = array<i32>} : memref<128xi32, #tpu.memory_space<vmem>>, vector<16xi32>,
        %get3A_226 = vector.shape_cast %get3A_225 : vector<16xi32> to vector<16xi32>
        %mul3A_227 = arith.constant 2 : i32
        %mul3A_228 = vector.broadcast %mul3A_227 : i32 to vector<16xi32>
        %mul3A_229 = arith.muli %get3A_226, %mul3A_228 : vector<16xi32>
        %add3A_230 = vector.broadcast %arg0 : i32 to vector<16xi32>
        %add3A_231 = arith.addi %mul3A_229, %add3A_230 : vector<16xi32>
        %swap3A_232 = arith.constant 48 : index
        %swap3A_233 = tpu.vector_load %arg9[%swap3A_232] {strides = array<i32>} : memref<128xi32, #tpu.memory_space<vmem>>, vector<16xi32>,
        %swap3A_234 = vector.shape_cast %swap3A_233 : vector<16xi32> to vector<16xi32>
        %swap3A_235 = vector.shape_cast %add3A_231 : vector<16xi32> to vector<16xi32>
        tpu.vector_store %arg9[%swap3A_232], %swap3A_235 {strides = array<i32>} : memref<128xi32, #tpu.memory_space<vmem>>, vector<16xi32>,
        %get3A_236 = arith.constant 64 : index
        %get3A_237 = tpu.vector_load %arg7[%get3A_236] {strides = array<i32>} : memref<128xi32, #tpu.memory_space<vmem>>, vector<16xi32>,
        %get3A_238 = vector.shape_cast %get3A_237 : vector<16xi32> to vector<16xi32>
        %mul3A_239 = arith.constant 2 : i32
        %mul3A_240 = vector.broadcast %mul3A_239 : i32 to vector<16xi32>
        %mul3A_241 = arith.muli %get3A_238, %mul3A_240 : vector<16xi32>
        %add3A_242 = vector.broadcast %arg0 : i32 to vector<16xi32>
        %add3A_243 = arith.addi %mul3A_241, %add3A_242 : vector<16xi32>
        %swap3A_244 = arith.constant 64 : index
        %swap3A_245 = tpu.vector_load %arg9[%swap3A_244] {strides = array<i32>} : memref<128xi32, #tpu.memory_space<vmem>>, vector<16xi32>,
        %swap3A_246 = vector.shape_cast %swap3A_245 : vector<16xi32> to vector<16xi32>
        %swap3A_247 = vector.shape_cast %add3A_243 : vector<16xi32> to vector<16xi32>
        tpu.vector_store %arg9[%swap3A_244], %swap3A_247 {strides = array<i32>} : memref<128xi32, #tpu.memory_space<vmem>>, vector<16xi32>,
        %get3A_248 = arith.constant 80 : index
        %get3A_249 = tpu.vector_load %arg7[%get3A_248] {strides = array<i32>} : memref<128xi32, #tpu.memory_space<vmem>>, vector<16xi32>,
        %get3A_250 = vector.shape_cast %get3A_249 : vector<16xi32> to vector<16xi32>
        %mul3A_251 = arith.constant 2 : i32
        %mul3A_252 = vector.broadcast %mul3A_251 : i32 to vector<16xi32>
        %mul3A_253 = arith.muli %get3A_250, %mul3A_252 : vector<16xi32>
        %add3A_254 = vector.broadcast %arg0 : i32 to vector<16xi32>
        %add3A_255 = arith.addi %mul3A_253, %add3A_254 : vector<16xi32>
        %swap3A_256 = arith.constant 80 : index
        %swap3A_257 = tpu.vector_load %arg9[%swap3A_256] {strides = array<i32>} : memref<128xi32, #tpu.memory_space<vmem>>, vector<16xi32>,
        %swap3A_258 = vector.shape_cast %swap3A_257 : vector<16xi32> to vector<16xi32>
        %swap3A_259 = vector.shape_cast %add3A_255 : vector<16xi32> to vector<16xi32>
        tpu.vector_store %arg9[%swap3A_256], %swap3A_259 {strides = array<i32>} : memref<128xi32, #tpu.memory_space<vmem>>, vector<16xi32>,
        %get3A_260 = arith.constant 96 : index
        %get3A_261 = tpu.vector_load %arg7[%get3A_260] {strides = array<i32>} : memref<128xi32, #tpu.memory_space<vmem>>, vector<16xi32>,
        %get3A_262 = vector.shape_cast %get3A_261 : vector<16xi32> to vector<16xi32>
        %mul3A_263 = arith.constant 2 : i32
        %mul3A_264 = vector.broadcast %mul3A_263 : i32 to vector<16xi32>
        %mul3A_265 = arith.muli %get3A_262, %mul3A_264 : vector<16xi32>
        %add3A_266 = vector.broadcast %arg0 : i32 to vector<16xi32>
        %add3A_267 = arith.addi %mul3A_265, %add3A_266 : vector<16xi32>
        %swap3A_268 = arith.constant 96 : index
        %swap3A_269 = tpu.vector_load %arg9[%swap3A_268] {strides = array<i32>} : memref<128xi32, #tpu.memory_space<vmem>>, vector<16xi32>,
        %swap3A_270 = vector.shape_cast %swap3A_269 : vector<16xi32> to vector<16xi32>
        %swap3A_271 = vector.shape_cast %add3A_267 : vector<16xi32> to vector<16xi32>
        tpu.vector_store %arg9[%swap3A_268], %swap3A_271 {strides = array<i32>} : memref<128xi32, #tpu.memory_space<vmem>>, vector<16xi32>,
        %get3A_272 = arith.constant 112 : index
        %get3A_273 = tpu.vector_load %arg7[%get3A_272] {strides = array<i32>} : memref<128xi32, #tpu.memory_space<vmem>>, vector<16xi32>,
        %get3A_274 = vector.shape_cast %get3A_273 : vector<16xi32> to vector<16xi32>
        %mul3A_275 = arith.constant 2 : i32
        %mul3A_276 = vector.broadcast %mul3A_275 : i32 to vector<16xi32>
        %mul3A_277 = arith.muli %get3A_274, %mul3A_276 : vector<16xi32>
        %add3A_278 = vector.broadcast %arg0 : i32 to vector<16xi32>
        %add3A_279 = arith.addi %mul3A_277, %add3A_278 : vector<16xi32>
        %swap3A_280 = arith.constant 112 : index
        %swap3A_281 = tpu.vector_load %arg9[%swap3A_280] {strides = array<i32>} : memref<128xi32, #tpu.memory_space<vmem>>, vector<16xi32>,
        %swap3A_282 = vector.shape_cast %swap3A_281 : vector<16xi32> to vector<16xi32>
        %swap3A_283 = vector.shape_cast %add3A_279 : vector<16xi32> to vector<16xi32>
        tpu.vector_store %arg9[%swap3A_280], %swap3A_283 {strides = array<i32>} : memref<128xi32, #tpu.memory_space<vmem>>, vector<16xi32>,
        %dma_start3A_284 = arith.constant 0 : i32
        %dma_start3A_285 = arith.constant 0 : i32
        %dma_start3A_286 = tpu.memref_slice %arg2[%dma_start3A_284, %dma_start3A_285] : memref<20000x128xf32, #tpu.memory_space<hbm>> -> memref<20000x128xf32, #tpu.memory_space<hbm>>
        tpu.enqueue_indirect_dma source(%dma_start3A_286 : memref<20000x128xf32, #tpu.memory_space<hbm>>) target(%arg13 : memref<128x128xf32, #tpu.memory_space<vmem>>) offsets(%arg9 : memref<128xi32, #tpu.memory_space<vmem>>) semaphore(%arg17 : memref<!tpu.dma_semaphore, #tpu.memory_space<semaphore_mem>>)
      } else {
      }
      %add3A_169 = arith.constant 1 : i32
      %add3A_170 = arith.addi %mul3A_141, %add3A_169 : i32
      %mul3A_171 = arith.constant 16 : i32
      %mul3A_172 = arith.muli %mul3A_171, %add3A_170 : i32
      %add3A_173 = arith.addi %arg1, %mul3A_172 : i32
      %lt3A_174 = arith.constant 2500 : i32
      %lt3A_175 = arith.cmpi slt, %add3A_173, %lt3A_174 : i32
      %convert_element_type3A_176 = arith.extui %lt3A_175 : i1 to i32
      %cond3A_177 = arith.constant 0 : i32
      %cond3A_178 = arith.cmpi ne, %convert_element_type3A_176, %cond3A_177 : i32
      scf.if %cond3A_178 {
        %dma_wait3A = arith.constant 0 : i32
        %dma_wait3A_179 = arith.constant 0 : i32
        %dma_wait3A_180 = tpu.memref_slice %arg2[%dma_wait3A, %dma_wait3A_179] : memref<20000x128xf32, #tpu.memory_space<hbm>> -> memref<20000x128xf32, #tpu.memory_space<hbm>>
        tpu.wait_indirect_dma semaphore(%arg18 : memref<!tpu.dma_semaphore, #tpu.memory_space<semaphore_mem>>) src(%dma_wait3A_180 : memref<20000x128xf32, #tpu.memory_space<hbm>>) dst(%arg14 : memref<128x128xf32, #tpu.memory_space<vmem>>)
        "tpu.region"() ({
          %run_scoped3A = tpu.sem_alloc : memref<!tpu.dma_semaphore, #tpu.memory_space<semaphore_mem>>
          %dma_start3A_181 = arith.constant 0 : i32
          %dma_start3A_182 = arith.constant 0 : i32
          %dma_start3A_183 = tpu.memref_slice %arg16[%dma_start3A_181, %dma_start3A_182] : memref<10112x128xf32, #tpu.memory_space<vmem_shared>> -> memref<10112x128xf32, #tpu.memory_space<vmem_shared>>
          tpu.enqueue_indirect_dma source(%arg14 : memref<128x128xf32, #tpu.memory_space<vmem>>) target(%dma_start3A_183 : memref<10112x128xf32, #tpu.memory_space<vmem_shared>>) offsets(%arg12 : memref<128xi32, #tpu.memory_space<vmem>>) semaphore(%run_scoped3A : memref<!tpu.dma_semaphore, #tpu.memory_space<semaphore_mem>>) {add = true}
          %dma_wait3A_184 = arith.constant 0 : i32
          %dma_wait3A_185 = arith.constant 0 : i32
          %dma_wait3A_186 = tpu.memref_slice %arg16[%dma_wait3A_184, %dma_wait3A_185] : memref<10112x128xf32, #tpu.memory_space<vmem_shared>> -> memref<10112x128xf32, #tpu.memory_space<vmem_shared>>
          tpu.wait_indirect_dma semaphore(%run_scoped3A : memref<!tpu.dma_semaphore, #tpu.memory_space<semaphore_mem>>) src(%arg14 : memref<128x128xf32, #tpu.memory_space<vmem>>) dst(%dma_wait3A_186 : memref<10112x128xf32, #tpu.memory_space<vmem_shared>>)
          tpu.yield
        }) : () -> ()
      } else {
      }
    }
    %scan3A_130 = arith.constant 79 : i32
    %barrier3A_131 = arith.constant 0 : index
    tpu.barrier barrier_id(%barrier3A_131)
    %eq3A = arith.constant 0 : i32
    %eq3A_132 = arith.cmpi eq, %arg0, %eq3A : i32
    %convert_element_type3A = arith.extui %eq3A_132 : i1 to i32
    %cond3A = arith.constant 0 : i32
    %cond3A_133 = arith.cmpi ne, %convert_element_type3A, %cond3A : i32
    scf.if %cond3A_133 {
      %mul3A_139 = arith.constant 632 : i32
      %mul3A_140 = arith.muli %arg1, %mul3A_139 : i32
      %mul3A_141 = arith.constant 632 : i32
      %mul3A_142 = arith.muli %arg1, %mul3A_141 : i32
      "tpu.region"() ({
        %run_scoped3A = tpu.sem_alloc : memref<!tpu.dma_semaphore, #tpu.memory_space<semaphore_mem>>
        %dma_start3A_143 = arith.constant 0 : i32
        %dma_start3A_144 = tpu.memref_slice %arg5[%mul3A_142, %dma_start3A_143] : memref<10112x128xf32, #tpu.memory_space<hbm>> -> memref<632x128xf32, #tpu.memory_space<hbm>>
        %dma_start3A_145 = arith.constant 0 : i32
        %dma_start3A_146 = tpu.memref_slice %arg16[%mul3A_140, %dma_start3A_145] : memref<10112x128xf32, #tpu.memory_space<vmem_shared>> -> memref<632x128xf32, #tpu.memory_space<vmem_shared>>
        tpu.enqueue_dma source(%dma_start3A_146 : memref<632x128xf32, #tpu.memory_space<vmem_shared>>) target(%dma_start3A_144 : memref<632x128xf32, #tpu.memory_space<hbm>>) target_semaphore(%run_scoped3A : memref<!tpu.dma_semaphore, #tpu.memory_space<semaphore_mem>>)
        %dma_wait3A = arith.constant 0 : i32
        %dma_wait3A_147 = tpu.memref_slice %arg5[%mul3A_142, %dma_wait3A] : memref<10112x128xf32, #tpu.memory_space<hbm>> -> memref<632x128xf32, #tpu.memory_space<hbm>>
        %dma_wait3A_148 = arith.constant 0 : i32
        %dma_wait3A_149 = tpu.memref_slice %arg16[%mul3A_140, %dma_wait3A_148] : memref<10112x128xf32, #tpu.memory_space<vmem_shared>> -> memref<632x128xf32, #tpu.memory_space<vmem_shared>>
        tpu.wait_dma2 semaphore(%run_scoped3A : memref<!tpu.dma_semaphore, #tpu.memory_space<semaphore_mem>>) src(%dma_wait3A_149 : memref<632x128xf32, #tpu.memory_space<vmem_shared>>) dst(%dma_wait3A_147 : memref<632x128xf32, #tpu.memory_space<hbm>>)
        tpu.yield
      }) : () -> ()
    } else {
    }
    %eq3A_134 = arith.constant 1 : i32
    %eq3A_135 = arith.cmpi eq, %arg0, %eq3A_134 : i32
    %convert_element_type3A_136 = arith.extui %eq3A_135 : i1 to i32
    %cond3A_137 = arith.constant 0 : i32
    %cond3A_138 = arith.cmpi ne, %convert_element_type3A_136, %cond3A_137 : i32
    scf.if %cond3A_138 {
      %mul3A_139 = arith.constant 632 : i32
      %mul3A_140 = arith.muli %arg1, %mul3A_139 : i32
      %mul3A_141 = arith.constant 632 : i32
      %mul3A_142 = arith.muli %arg1, %mul3A_141 : i32
      "tpu.region"() ({
        %run_scoped3A = tpu.sem_alloc : memref<!tpu.dma_semaphore, #tpu.memory_space<semaphore_mem>>
        %dma_start3A_143 = arith.constant 0 : i32
        %dma_start3A_144 = tpu.memref_slice %arg6[%mul3A_142, %dma_start3A_143] : memref<10112x128xf32, #tpu.memory_space<hbm>> -> memref<632x128xf32, #tpu.memory_space<hbm>>
        %dma_start3A_145 = arith.constant 0 : i32
        %dma_start3A_146 = tpu.memref_slice %arg16[%mul3A_140, %dma_start3A_145] : memref<10112x128xf32, #tpu.memory_space<vmem_shared>> -> memref<632x128xf32, #tpu.memory_space<vmem_shared>>
        tpu.enqueue_dma source(%dma_start3A_146 : memref<632x128xf32, #tpu.memory_space<vmem_shared>>) target(%dma_start3A_144 : memref<632x128xf32, #tpu.memory_space<hbm>>) target_semaphore(%run_scoped3A : memref<!tpu.dma_semaphore, #tpu.memory_space<semaphore_mem>>)
        %dma_wait3A = arith.constant 0 : i32
        %dma_wait3A_147 = tpu.memref_slice %arg6[%mul3A_142, %dma_wait3A] : memref<10112x128xf32, #tpu.memory_space<hbm>> -> memref<632x128xf32, #tpu.memory_space<hbm>>
        %dma_wait3A_148 = arith.constant 0 : i32
        %dma_wait3A_149 = tpu.memref_slice %arg16[%mul3A_140, %dma_wait3A_148] : memref<10112x128xf32, #tpu.memory_space<vmem_shared>> -> memref<632x128xf32, #tpu.memory_space<vmem_shared>>
        tpu.wait_dma2 semaphore(%run_scoped3A : memref<!tpu.dma_semaphore, #tpu.memory_space<semaphore_mem>>) src(%dma_wait3A_149 : memref<632x128xf32, #tpu.memory_space<vmem_shared>>) dst(%dma_wait3A_147 : memref<632x128xf32, #tpu.memory_space<hbm>>)
        tpu.yield
      }) : () -> ()
    } else {
    }
    return
  }
}

module attributes {stable_mosaic.version = 14 : i64} {
  func.func @_dense_body(%arg0: i32, %arg1: memref<400x128xf32, #tpu.memory_space<vmem>>, %arg2: memref<128x256xf32, #tpu.memory_space<vmem>>, %arg3: memref<1x256xf32, #tpu.memory_space<vmem>>, %arg4: memref<256x256xf32, #tpu.memory_space<vmem>>, %arg5: memref<1x256xf32, #tpu.memory_space<vmem>>, %arg6: memref<256x256xf32, #tpu.memory_space<vmem>>, %arg7: memref<400x1xf32, #tpu.memory_space<vmem>>, %arg8: memref<400x256xf32, #tpu.memory_space<vmem>>) attributes {dimension_semantics = [#tpu.dimension_semantics<arbitrary>], iteration_bounds = array<i64: 25>, scalar_prefetch = 0 : i64, scratch_operands = 0 : i64, tpu.core_type = #tpu.core_type<tc>, window_params = [{transform_indices = @transform_0, window_bounds = array<i64: 400, 128>}, {pipeline_mode = #tpu.pipeline_mode<synchronous>, transform_indices = @transform_1, window_bounds = array<i64: 128, 256>}, {pipeline_mode = #tpu.pipeline_mode<synchronous>, transform_indices = @transform_2, window_bounds = array<i64: 1, 256>}, {pipeline_mode = #tpu.pipeline_mode<synchronous>, transform_indices = @transform_3, window_bounds = array<i64: 256, 256>}, {pipeline_mode = #tpu.pipeline_mode<synchronous>, transform_indices = @transform_4, window_bounds = array<i64: 1, 256>}, {pipeline_mode = #tpu.pipeline_mode<synchronous>, transform_indices = @transform_5, window_bounds = array<i64: 256, 256>}, {transform_indices = @transform_6, window_bounds = array<i64: 400, 1>}, {transform_indices = @transform_7, window_bounds = array<i64: 400, 256>}]} {
    %get3A = arith.constant 0 : index
    %get3A_0 = arith.constant 0 : index
    %get3A_1 = vector.load %arg1[%get3A, %get3A_0] : memref<400x128xf32, #tpu.memory_space<vmem>>, vector<400x128xf32>
    %get3A_2 = arith.constant 0 : index
    %get3A_3 = arith.constant 0 : index
    %get3A_4 = vector.load %arg2[%get3A_2, %get3A_3] : memref<128x256xf32, #tpu.memory_space<vmem>>, vector<128x256xf32>
    %dot_general3A = arith.constant dense<0.000000e+00> : vector<400x256xf32>
    %dot_general3A_5 = tpu.matmul %get3A_1, %get3A_4, %dot_general3A {dimension_numbers = #tpu.dot_dimension_numbers<[1], [0], [0], [1], [0, 0, 1, 1], [], []>, transpose_lhs_hint = false} : vector<400x128xf32>, vector<128x256xf32>, vector<400x256xf32> -> vector<400x256xf32>
    %get3A_6 = arith.constant 0 : index
    %get3A_7 = arith.constant 0 : index
    %get3A_8 = vector.load %arg3[%get3A_6, %get3A_7] : memref<1x256xf32, #tpu.memory_space<vmem>>, vector<1x256xf32>
    %add3A = vector.broadcast %get3A_8 : vector<1x256xf32> to vector<400x256xf32>
    %add3A_9 = arith.addf %dot_general3A_5, %add3A : vector<400x256xf32>
    %ge3A = arith.constant 0.000000e+00 : f32
    %ge3A_10 = vector.broadcast %ge3A : f32 to vector<400x256xf32>
    %ge3A_11 = arith.cmpf oge, %add3A_9, %ge3A_10 : vector<400x256xf32>
    %mul3A = arith.constant 0.00999999977 : f32
    %mul3A_12 = vector.broadcast %mul3A : f32 to vector<400x256xf32>
    %mul3A_13 = arith.mulf %mul3A_12, %add3A_9 : vector<400x256xf32>
    %select_n3A = arith.select %ge3A_11, %add3A_9, %mul3A_13 : vector<400x256xi1>, vector<400x256xf32>
    %get3A_14 = arith.constant 0 : index
    %get3A_15 = arith.constant 0 : index
    %get3A_16 = vector.load %arg4[%get3A_14, %get3A_15] : memref<256x256xf32, #tpu.memory_space<vmem>>, vector<256x256xf32>
    %dot_general3A_17 = arith.constant dense<0.000000e+00> : vector<400x256xf32>
    %dot_general3A_18 = tpu.matmul %select_n3A, %get3A_16, %dot_general3A_17 {dimension_numbers = #tpu.dot_dimension_numbers<[1], [0], [0], [1], [0, 0, 1, 1], [], []>, transpose_lhs_hint = false} : vector<400x256xf32>, vector<256x256xf32>, vector<400x256xf32> -> vector<400x256xf32>
    %get3A_19 = arith.constant 0 : index
    %get3A_20 = arith.constant 0 : index
    %get3A_21 = vector.load %arg5[%get3A_19, %get3A_20] : memref<1x256xf32, #tpu.memory_space<vmem>>, vector<1x256xf32>
    %add3A_22 = vector.broadcast %get3A_21 : vector<1x256xf32> to vector<400x256xf32>
    %add3A_23 = arith.addf %dot_general3A_18, %add3A_22 : vector<400x256xf32>
    %ge3A_24 = arith.constant 0.000000e+00 : f32
    %ge3A_25 = vector.broadcast %ge3A_24 : f32 to vector<400x256xf32>
    %ge3A_26 = arith.cmpf oge, %add3A_23, %ge3A_25 : vector<400x256xf32>
    %mul3A_27 = arith.constant 0.00999999977 : f32
    %mul3A_28 = vector.broadcast %mul3A_27 : f32 to vector<400x256xf32>
    %mul3A_29 = arith.mulf %mul3A_28, %add3A_23 : vector<400x256xf32>
    %select_n3A_30 = arith.select %ge3A_26, %add3A_23, %mul3A_29 : vector<400x256xi1>, vector<400x256xf32>
    %get3A_31 = arith.constant 0 : index
    %get3A_32 = arith.constant 0 : index
    %get3A_33 = vector.load %arg6[%get3A_31, %get3A_32] : memref<256x256xf32, #tpu.memory_space<vmem>>, vector<256x256xf32>
    %dot_general3A_34 = arith.constant dense<0.000000e+00> : vector<400x256xf32>
    %dot_general3A_35 = tpu.matmul %select_n3A_30, %get3A_33, %dot_general3A_34 {dimension_numbers = #tpu.dot_dimension_numbers<[1], [0], [0], [1], [0, 0, 1, 1], [], []>, transpose_lhs_hint = false} : vector<400x256xf32>, vector<256x256xf32>, vector<400x256xf32> -> vector<400x256xf32>
    %get3A_36 = arith.constant 0 : index
    %get3A_37 = arith.constant 0 : index
    %get3A_38 = vector.load %arg7[%get3A_36, %get3A_37] : memref<400x1xf32, #tpu.memory_space<vmem>>, vector<400x1xf32>
    %add3A_39 = arith.constant 1.000000e+00 : f32
    %add3A_40 = vector.broadcast %add3A_39 : f32 to vector<400x1xf32>
    %add3A_41 = arith.addf %get3A_38, %add3A_40 : vector<400x1xf32>
    %rsqrt3A = math.rsqrt %add3A_41 : vector<400x1xf32>
    %mul3A_42 = vector.broadcast %rsqrt3A : vector<400x1xf32> to vector<400x256xf32>
    %mul3A_43 = arith.mulf %dot_general3A_35, %mul3A_42 : vector<400x256xf32>
    %swap3A = arith.constant 0 : index
    %swap3A_44 = arith.constant 0 : index
    %swap3A_45 = vector.load %arg8[%swap3A, %swap3A_44] : memref<400x256xf32, #tpu.memory_space<vmem>>, vector<400x256xf32>
    tpu.vector_store %arg8[%swap3A, %swap3A_44], %mul3A_43 {strides = array<i32>} : memref<400x256xf32, #tpu.memory_space<vmem>>, vector<400x256xf32>,
    return
  }
  func.func @transform_0(%arg0: i32) -> (i32, i32) {
    %c0_i32 = arith.constant 0 : i32
    %c0_i32_0 = arith.constant 0 : i32
    return %arg0, %c0_i32 : i32, i32
  }
  func.func @transform_1(%arg0: i32) -> (i32, i32) {
    %c0_i32 = arith.constant 0 : i32
    %c0_i32_0 = arith.constant 0 : i32
    %c0_i32_1 = arith.constant 0 : i32
    return %c0_i32, %c0_i32_0 : i32, i32
  }
  func.func @transform_2(%arg0: i32) -> (i32, i32) {
    %c0_i32 = arith.constant 0 : i32
    %c0_i32_0 = arith.constant 0 : i32
    %c0_i32_1 = arith.constant 0 : i32
    return %c0_i32, %c0_i32_0 : i32, i32
  }
  func.func @transform_3(%arg0: i32) -> (i32, i32) {
    %c0_i32 = arith.constant 0 : i32
    %c0_i32_0 = arith.constant 0 : i32
    %c0_i32_1 = arith.constant 0 : i32
    return %c0_i32, %c0_i32_0 : i32, i32
  }
  func.func @transform_4(%arg0: i32) -> (i32, i32) {
    %c0_i32 = arith.constant 0 : i32
    %c0_i32_0 = arith.constant 0 : i32
    %c0_i32_1 = arith.constant 0 : i32
    return %c0_i32, %c0_i32_0 : i32, i32
  }
  func.func @transform_5(%arg0: i32) -> (i32, i32) {
    %c0_i32 = arith.constant 0 : i32
    %c0_i32_0 = arith.constant 0 : i32
    %c0_i32_1 = arith.constant 0 : i32
    return %c0_i32, %c0_i32_0 : i32, i32
  }
  func.func @transform_6(%arg0: i32) -> (i32, i32) {
    %c0_i32 = arith.constant 0 : i32
    %c0_i32_0 = arith.constant 0 : i32
    return %arg0, %c0_i32 : i32, i32
  }
  func.func @transform_7(%arg0: i32) -> (i32, i32) {
    %c0_i32 = arith.constant 0 : i32
    %c0_i32_0 = arith.constant 0 : i32
    return %arg0, %c0_i32 : i32, i32
  }
}

module attributes {stable_mosaic.version = 14 : i64} {
  func.func @_mid_body(%arg0: i32, %arg1: memref<400x128xf32, #tpu.memory_space<vmem>>, %arg2: memref<400x128xf32, #tpu.memory_space<vmem>>, %arg3: memref<400x256xf32, #tpu.memory_space<vmem>>, %arg4: memref<400x1xf32, #tpu.memory_space<vmem>>, %arg5: memref<1x256xf32, #tpu.memory_space<vmem>>, %arg6: memref<256x128xf32, #tpu.memory_space<vmem>>, %arg7: memref<400x256xf32, #tpu.memory_space<vmem>>, %arg8: memref<400x128xf32, #tpu.memory_space<vmem>>) attributes {dimension_semantics = [#tpu.dimension_semantics<arbitrary>], iteration_bounds = array<i64: 25>, scalar_prefetch = 0 : i64, scratch_operands = 0 : i64, tpu.core_type = #tpu.core_type<tc>, window_params = [{transform_indices = @transform_0, window_bounds = array<i64: 400, 128>}, {transform_indices = @transform_1, window_bounds = array<i64: 400, 128>}, {transform_indices = @transform_2, window_bounds = array<i64: 400, 256>}, {transform_indices = @transform_3, window_bounds = array<i64: 400, 1>}, {pipeline_mode = #tpu.pipeline_mode<synchronous>, transform_indices = @transform_4, window_bounds = array<i64: 1, 256>}, {pipeline_mode = #tpu.pipeline_mode<synchronous>, transform_indices = @transform_5, window_bounds = array<i64: 256, 128>}, {transform_indices = @transform_6, window_bounds = array<i64: 400, 256>}, {transform_indices = @transform_7, window_bounds = array<i64: 400, 128>}]} {
    %get3A = arith.constant 0 : index
    %get3A_0 = arith.constant 0 : index
    %get3A_1 = vector.load %arg4[%get3A, %get3A_0] : memref<400x1xf32, #tpu.memory_space<vmem>>, vector<400x1xf32>
    %add3A = arith.constant 1.000000e+00 : f32
    %add3A_2 = vector.broadcast %add3A : f32 to vector<400x1xf32>
    %add3A_3 = arith.addf %get3A_1, %add3A_2 : vector<400x1xf32>
    %rsqrt3A = math.rsqrt %add3A_3 : vector<400x1xf32>
    %get3A_4 = arith.constant 0 : index
    %get3A_5 = arith.constant 0 : index
    %get3A_6 = vector.load %arg1[%get3A_4, %get3A_5] : memref<400x128xf32, #tpu.memory_space<vmem>>, vector<400x128xf32>
    %get3A_7 = arith.constant 0 : index
    %get3A_8 = arith.constant 0 : index
    %get3A_9 = vector.load %arg2[%get3A_7, %get3A_8] : memref<400x128xf32, #tpu.memory_space<vmem>>, vector<400x128xf32>
    %concatenate3A = tpu.concatenate %get3A_6, %get3A_9 in 1 : vector<400x128xf32>, vector<400x128xf32> -> vector<400x256xf32>
    %get3A_10 = arith.constant 0 : index
    %get3A_11 = arith.constant 0 : index
    %get3A_12 = vector.load %arg3[%get3A_10, %get3A_11] : memref<400x256xf32, #tpu.memory_space<vmem>>, vector<400x256xf32>
    %add3A_13 = arith.addf %concatenate3A, %get3A_12 : vector<400x256xf32>
    %mul3A = vector.broadcast %rsqrt3A : vector<400x1xf32> to vector<400x256xf32>
    %mul3A_14 = arith.mulf %mul3A, %add3A_13 : vector<400x256xf32>
    %get3A_15 = arith.constant 0 : index
    %get3A_16 = arith.constant 0 : index
    %get3A_17 = vector.load %arg5[%get3A_15, %get3A_16] : memref<1x256xf32, #tpu.memory_space<vmem>>, vector<1x256xf32>
    %add3A_18 = vector.broadcast %get3A_17 : vector<1x256xf32> to vector<400x256xf32>
    %add3A_19 = arith.addf %mul3A_14, %add3A_18 : vector<400x256xf32>
    %ge3A = arith.constant 0.000000e+00 : f32
    %ge3A_20 = vector.broadcast %ge3A : f32 to vector<400x256xf32>
    %ge3A_21 = arith.cmpf oge, %add3A_19, %ge3A_20 : vector<400x256xf32>
    %mul3A_22 = arith.constant 0.00999999977 : f32
    %mul3A_23 = vector.broadcast %mul3A_22 : f32 to vector<400x256xf32>
    %mul3A_24 = arith.mulf %mul3A_23, %add3A_19 : vector<400x256xf32>
    %select_n3A = arith.select %ge3A_21, %add3A_19, %mul3A_24 : vector<400x256xi1>, vector<400x256xf32>
    %swap3A = arith.constant 0 : index
    %swap3A_25 = arith.constant 0 : index
    %swap3A_26 = vector.load %arg7[%swap3A, %swap3A_25] : memref<400x256xf32, #tpu.memory_space<vmem>>, vector<400x256xf32>
    tpu.vector_store %arg7[%swap3A, %swap3A_25], %select_n3A {strides = array<i32>} : memref<400x256xf32, #tpu.memory_space<vmem>>, vector<400x256xf32>,
    %get3A_27 = arith.constant 0 : index
    %get3A_28 = arith.constant 0 : index
    %get3A_29 = vector.load %arg6[%get3A_27, %get3A_28] : memref<256x128xf32, #tpu.memory_space<vmem>>, vector<256x128xf32>
    %dot_general3A = arith.constant dense<0.000000e+00> : vector<400x128xf32>
    %dot_general3A_30 = tpu.matmul %select_n3A, %get3A_29, %dot_general3A {dimension_numbers = #tpu.dot_dimension_numbers<[1], [0], [0], [1], [0, 0, 1, 1], [], []>, transpose_lhs_hint = false} : vector<400x256xf32>, vector<256x128xf32>, vector<400x128xf32> -> vector<400x128xf32>
    %mul3A_31 = vector.broadcast %rsqrt3A : vector<400x1xf32> to vector<400x128xf32>
    %mul3A_32 = arith.mulf %dot_general3A_30, %mul3A_31 : vector<400x128xf32>
    %swap3A_33 = arith.constant 0 : index
    %swap3A_34 = arith.constant 0 : index
    %swap3A_35 = vector.load %arg8[%swap3A_33, %swap3A_34] : memref<400x128xf32, #tpu.memory_space<vmem>>, vector<400x128xf32>
    tpu.vector_store %arg8[%swap3A_33, %swap3A_34], %mul3A_32 {strides = array<i32>} : memref<400x128xf32, #tpu.memory_space<vmem>>, vector<400x128xf32>,
    return
  }
  func.func @transform_0(%arg0: i32) -> (i32, i32) {
    %c0_i32 = arith.constant 0 : i32
    %c0_i32_0 = arith.constant 0 : i32
    return %arg0, %c0_i32 : i32, i32
  }
  func.func @transform_1(%arg0: i32) -> (i32, i32) {
    %c0_i32 = arith.constant 0 : i32
    %c0_i32_0 = arith.constant 0 : i32
    return %arg0, %c0_i32 : i32, i32
  }
  func.func @transform_2(%arg0: i32) -> (i32, i32) {
    %c0_i32 = arith.constant 0 : i32
    %c0_i32_0 = arith.constant 0 : i32
    return %arg0, %c0_i32 : i32, i32
  }
  func.func @transform_3(%arg0: i32) -> (i32, i32) {
    %c0_i32 = arith.constant 0 : i32
    %c0_i32_0 = arith.constant 0 : i32
    return %arg0, %c0_i32 : i32, i32
  }
  func.func @transform_4(%arg0: i32) -> (i32, i32) {
    %c0_i32 = arith.constant 0 : i32
    %c0_i32_0 = arith.constant 0 : i32
    %c0_i32_1 = arith.constant 0 : i32
    return %c0_i32, %c0_i32_0 : i32, i32
  }
  func.func @transform_5(%arg0: i32) -> (i32, i32) {
    %c0_i32 = arith.constant 0 : i32
    %c0_i32_0 = arith.constant 0 : i32
    %c0_i32_1 = arith.constant 0 : i32
    return %c0_i32, %c0_i32_0 : i32, i32
  }
  func.func @transform_6(%arg0: i32) -> (i32, i32) {
    %c0_i32 = arith.constant 0 : i32
    %c0_i32_0 = arith.constant 0 : i32
    return %arg0, %c0_i32 : i32, i32
  }
  func.func @transform_7(%arg0: i32) -> (i32, i32) {
    %c0_i32 = arith.constant 0 : i32
    %c0_i32_0 = arith.constant 0 : i32
    return %arg0, %c0_i32 : i32, i32
  }
}

module attributes {stable_mosaic.version = 14 : i64} {
  func.func @_final_body(%arg0: i32, %arg1: memref<400x128xf32, #tpu.memory_space<vmem>>, %arg2: memref<400x128xf32, #tpu.memory_space<vmem>>, %arg3: memref<400x128xf32, #tpu.memory_space<vmem>>, %arg4: memref<400x1xf32, #tpu.memory_space<vmem>>, %arg5: memref<1x128xf32, #tpu.memory_space<vmem>>, %arg6: memref<400x128xf32, #tpu.memory_space<vmem>>) attributes {dimension_semantics = [#tpu.dimension_semantics<arbitrary>], iteration_bounds = array<i64: 25>, scalar_prefetch = 0 : i64, scratch_operands = 0 : i64, tpu.core_type = #tpu.core_type<tc>, window_params = [{transform_indices = @transform_0, window_bounds = array<i64: 400, 128>}, {transform_indices = @transform_1, window_bounds = array<i64: 400, 128>}, {transform_indices = @transform_2, window_bounds = array<i64: 400, 128>}, {transform_indices = @transform_3, window_bounds = array<i64: 400, 1>}, {pipeline_mode = #tpu.pipeline_mode<synchronous>, transform_indices = @transform_4, window_bounds = array<i64: 1, 128>}, {transform_indices = @transform_5, window_bounds = array<i64: 400, 128>}]} {
    %get3A = arith.constant 0 : index
    %get3A_0 = arith.constant 0 : index
    %get3A_1 = vector.load %arg4[%get3A, %get3A_0] : memref<400x1xf32, #tpu.memory_space<vmem>>, vector<400x1xf32>
    %add3A = arith.constant 1.000000e+00 : f32
    %add3A_2 = vector.broadcast %add3A : f32 to vector<400x1xf32>
    %add3A_3 = arith.addf %get3A_1, %add3A_2 : vector<400x1xf32>
    %rsqrt3A = math.rsqrt %add3A_3 : vector<400x1xf32>
    %get3A_4 = arith.constant 0 : index
    %get3A_5 = arith.constant 0 : index
    %get3A_6 = vector.load %arg1[%get3A_4, %get3A_5] : memref<400x128xf32, #tpu.memory_space<vmem>>, vector<400x128xf32>
    %get3A_7 = arith.constant 0 : index
    %get3A_8 = arith.constant 0 : index
    %get3A_9 = vector.load %arg2[%get3A_7, %get3A_8] : memref<400x128xf32, #tpu.memory_space<vmem>>, vector<400x128xf32>
    %add3A_10 = arith.addf %get3A_6, %get3A_9 : vector<400x128xf32>
    %get3A_11 = arith.constant 0 : index
    %get3A_12 = arith.constant 0 : index
    %get3A_13 = vector.load %arg3[%get3A_11, %get3A_12] : memref<400x128xf32, #tpu.memory_space<vmem>>, vector<400x128xf32>
    %add3A_14 = arith.addf %add3A_10, %get3A_13 : vector<400x128xf32>
    %mul3A = vector.broadcast %rsqrt3A : vector<400x1xf32> to vector<400x128xf32>
    %mul3A_15 = arith.mulf %mul3A, %add3A_14 : vector<400x128xf32>
    %get3A_16 = arith.constant 0 : index
    %get3A_17 = arith.constant 0 : index
    %get3A_18 = vector.load %arg5[%get3A_16, %get3A_17] : memref<1x128xf32, #tpu.memory_space<vmem>>, vector<1x128xf32>
    %add3A_19 = vector.broadcast %get3A_18 : vector<1x128xf32> to vector<400x128xf32>
    %add3A_20 = arith.addf %mul3A_15, %add3A_19 : vector<400x128xf32>
    %ge3A = arith.constant 0.000000e+00 : f32
    %ge3A_21 = vector.broadcast %ge3A : f32 to vector<400x128xf32>
    %ge3A_22 = arith.cmpf oge, %add3A_20, %ge3A_21 : vector<400x128xf32>
    %mul3A_23 = arith.constant 0.00999999977 : f32
    %mul3A_24 = vector.broadcast %mul3A_23 : f32 to vector<400x128xf32>
    %mul3A_25 = arith.mulf %mul3A_24, %add3A_20 : vector<400x128xf32>
    %select_n3A = arith.select %ge3A_22, %add3A_20, %mul3A_25 : vector<400x128xi1>, vector<400x128xf32>
    %swap3A = arith.constant 0 : index
    %swap3A_26 = arith.constant 0 : index
    %swap3A_27 = vector.load %arg6[%swap3A, %swap3A_26] : memref<400x128xf32, #tpu.memory_space<vmem>>, vector<400x128xf32>
    tpu.vector_store %arg6[%swap3A, %swap3A_26], %select_n3A {strides = array<i32>} : memref<400x128xf32, #tpu.memory_space<vmem>>, vector<400x128xf32>,
    return
  }
  func.func @transform_0(%arg0: i32) -> (i32, i32) {
    %c0_i32 = arith.constant 0 : i32
    %c0_i32_0 = arith.constant 0 : i32
    return %arg0, %c0_i32 : i32, i32
  }
  func.func @transform_1(%arg0: i32) -> (i32, i32) {
    %c0_i32 = arith.constant 0 : i32
    %c0_i32_0 = arith.constant 0 : i32
    return %arg0, %c0_i32 : i32, i32
  }
  func.func @transform_2(%arg0: i32) -> (i32, i32) {
    %c0_i32 = arith.constant 0 : i32
    %c0_i32_0 = arith.constant 0 : i32
    return %arg0, %c0_i32 : i32, i32
  }
  func.func @transform_3(%arg0: i32) -> (i32, i32) {
    %c0_i32 = arith.constant 0 : i32
    %c0_i32_0 = arith.constant 0 : i32
    return %arg0, %c0_i32 : i32, i32
  }
  func.func @transform_4(%arg0: i32) -> (i32, i32) {
    %c0_i32 = arith.constant 0 : i32
    %c0_i32_0 = arith.constant 0 : i32
    %c0_i32_1 = arith.constant 0 : i32
    return %c0_i32, %c0_i32_0 : i32, i32
  }
  func.func @transform_5(%arg0: i32) -> (i32, i32) {
    %c0_i32 = arith.constant 0 : i32
    %c0_i32_0 = arith.constant 0 : i32
    return %arg0, %c0_i32 : i32, i32
  }
}

</mosaic_0001>

<sc_bundles>
// kernel: kernel.11.cloned.1.call-start
scs
__scs_entry_jumppad:
0x0: {  	(pc) =	sbr.rel $0x88, $3  }
0x1: {  	(tag) =	ssettag $0x0;
	lr =	simm.s32 $0x1  }
0x2: {  	[smem:$0x3F97] =	sst lr;
	_ =	strace $0xD0000000  }
0x3: {  	_ = 	snop  }
0x4: {  	_ = 	snop  }
0x5: {  	_ = 	snop  }
0x6: {  	_ = 	snop  }
0x7: {  	_ = 	snop  }
__scs_overlays_trampoline_lowered:
0x8: {  	[smem:$0x3FA6] =	sst s0  }
0x9: {  	[smem:$0x3FA7] =	sst s1  }
0xa: {  	[smem:$0x3FA8] =	sst s2  }
0xb: {  	[smem:$0x3FA9] =	sst s3  }
0xc: {  	[smem:$0x3FAA] =	sst s4  }
0xd: {  	[smem:$0x3FAB] =	sst s5  }
0xe: {  	[smem:$0x3FAC] =	sst s6  }
0xf: {  	[smem:$0x3FAD] =	sst s7  }
0x10: {  	[smem:$0x3FAE] =	sst s8  }
0x11: {  	[smem:$0x3FAF] =	sst s9;
	s0 =	simm.s32 @!p0 $0x0  }
0x12: {  	s1 =	sld [smem:$0x3F95];
	s0 =	simm.s32 @p0 $0x1  }
0x13: {  	[smem:$0x3FB0] =	sst s0;
	s0 =	simm.s32 @!p1 $0x0  }
0x14: {  	s2 =	sld [smem:$0x3F94];
	s0 =	simm.s32 @p1 $0x1  }
0x15: {  	[smem:$0x3FB1] =	sst s0;
	s0 =	simm.s32 @!p2 $0x0  }
0x16: {  	s3 =	sld [smem:$0x3FDB];
	s0 =	simm.s32 @p2 $0x1  }
0x17: {  	s4 =	simm.s32 $0x1BF5;
	[smem:$0x3FB3] =	sst s0  }
0x18: {  	s0 =	sld [smem:$0x3F96];
	_ =	swait.ge [sflag:s4], $0x0  }
0x19: {  	s7 =	sld [smem:$0x3F97]  }
0x1a: {  	s8 =	sadd.s32 $0xFFFFE003, lr  }
0x1b: {  	s9 =	sadd.s32 $0xFFFFFEF7, lr;
	s5 =	simm.s32 $0xFFFFFFFF;
	p2 =	slt.u32 s8, $0xFFFFF086  }
0x1c: {  	p1 =	slt.u32 s9, $0xF7A;
	s5 =	simm.s32 @!p2 $0x0  }
0x1d: {  	s5 =	simm.s32 @p1 $0x1;
	p0 =	seq.s32 s7, s2  }
0x1e: {  	s7 =	smul.u32 @!p0 $0xF7A, s2;
	p2 =	seq.s32 @!p0 s5, $0x0  }
0x1f: {  	s9 =	smul.u32 $0xF7A, s1;
	s8 =	simm.s32 @!p0 $0x1BF5;
	p2 =	por !p2, p0  }
0x20: {  	[sflag:s8] =	ssyncset.s32 @!p0 $0xFFFFF086;
	s6 =	sadd.s32 @!p0 s3, s7;
	s7 =	simm.s32 @!p0 $0x108  }
0x21: {  	s3 =	sadd.s32 s3, s9;
	s6 =	sadd.s32 @!p0 $0x88, s6;
	s7 =	simm.s32 @p2 $0x1082  }
0x22: {  	[simem:s7], [sflag:s8] =	dma.local @!p0 [hbm:s6], $0xF7A  }
0x23: {  	s9 =	sor.u32 $0xD0000000, s2;
	s6 =	simm.s32 $0x108;
	_ =	swait.ge @!p0 [sflag:s8], $0x0  }
0x24: {  	s3 =	sadd.s32 $0x88, s3;
	s6 =	simm.s32 @!p1 $0x1082;
	[sflag:s4] =	ssyncset.s32 $0xFFFFF086  }
0x25: {  	[simem:s6], [sflag:s4] =	dma.local [hbm:s3], $0xF7A  }
0x26: {  	[smem:$0x3F97] =	sst s1;
	(tag) =	ssettag s2;
	_ =	strace s9  }
0x27: {  	s1 =	sld [smem:$0x3FA7]  }
0x28: {  	s2 =	sld [smem:$0x3FA8]  }
0x29: {  	s4 =	sld [smem:$0x3FAA]  }
0x2a: {  	p0 =	seq.s32 s5, $0x0;
	s5 =	sld [smem:$0x3FAB]  }
0x2b: {  	s6 =	sld [smem:$0x3FAC]  }
0x2c: {  	s7 =	sld [smem:$0x3FAD]  }
0x2d: {  	s3 =	simm.s32 $0x108;
	s8 =	sld [smem:$0x3FAE]  }
0x2e: {  	s3 =	simm.s32 @!p0 $0x1082;
	s9 =	sld [smem:$0x3FAF]  }
0x2f: {  	lr =	sadd.s32 s0, s3;
	s0 =	sld [smem:$0x3FA6]  }
0x30: {  	s3 =	sld [smem:$0x3FA9]  }
0x31: {  	[smem:$0x3FB2] =	sst s10  }
0x32: {  	s10 =	sld [smem:$0x3FB0];
	_ =	sdelay $0x3  }
0x33: {  	p0 =	seq.s32 s10, $0x1;
	s10 =	sld [smem:$0x3FB2];
	_ =	sdelay $0x3  }
0x34: {  	[smem:$0x3FB2] =	sst s10  }
0x35: {  	s10 =	sld [smem:$0x3FB1];
	_ =	sdelay $0x3  }
0x36: {  	p1 =	seq.s32 s10, $0x1;
	s10 =	sld [smem:$0x3FB2];
	_ =	sdelay $0x3  }
0x37: {  	[smem:$0x3FB2] =	sst s10  }
0x38: {  	s10 =	sld [smem:$0x3FB3]  }
0x39: {  	_ = 	snop;
	(pc) =	sbr.ind lr, $3  }
0x3a: {  	_ = 	snop  }
0x3b: {  	_ = 	snop  }
0x3c: {  	p2 =	seq.s32 s10, $0x1;
	s10 =	sld [smem:$0x3FB2]  }
0x3d: {  	_ =	shalt  }
0x3e: {  	_ =	shalt  }
0x3f: {  	_ =	shalt  }
0x40: {  	_ =	shalt  }
0x41: {  	_ =	shalt  }
0x42: {  	_ =	shalt  }
0x43: {  	_ =	shalt  }
0x44: {  	_ =	shalt  }
0x45: {  	_ =	shalt  }
0x46: {  	_ =	shalt  }
0x47: {  	_ =	shalt  }
0x48: {  	_ =	shalt  }
0x49: {  	_ =	shalt  }
0x4a: {  	_ =	shalt  }
0x4b: {  	_ =	shalt  }
0x4c: {  	_ =	shalt  }
0x4d: {  	_ =	shalt  }
0x4e: {  	_ =	shalt  }
0x4f: {  	_ =	shalt  }
0x50: {  	_ =	shalt  }
0x51: {  	_ =	shalt  }
0x52: {  	_ =	shalt  }
0x53: {  	_ =	shalt  }
0x54: {  	_ =	shalt  }
0x55: {  	_ =	shalt  }
0x56: {  	_ =	shalt  }
0x57: {  	_ =	shalt  }
0x58: {  	_ =	shalt  }
0x59: {  	_ =	shalt  }
0x5a: {  	_ =	shalt  }
0x5b: {  	_ =	shalt  }
0x5c: {  	_ =	shalt  }
0x5d: {  	_ =	shalt  }
0x5e: {  	_ =	shalt  }
0x5f: {  	_ =	shalt  }
0x60: {  	_ =	shalt  }
0x61: {  	_ =	shalt  }
0x62: {  	_ =	shalt  }
0x63: {  	_ =	shalt  }
0x64: {  	_ =	shalt  }
0x65: {  	_ =	shalt  }
0x66: {  	_ =	shalt  }
0x67: {  	_ =	shalt  }
0x68: {  	_ =	shalt  }
0x69: {  	_ =	shalt  }
0x6a: {  	_ =	shalt  }
0x6b: {  	_ =	shalt  }
0x6c: {  	_ =	shalt  }
0x6d: {  	_ =	shalt  }
0x6e: {  	_ =	shalt  }
0x6f: {  	_ =	shalt  }
0x70: {  	_ =	shalt  }
0x71: {  	_ =	shalt  }
0x72: {  	_ =	shalt  }
0x73: {  	_ =	shalt  }
0x74: {  	_ =	shalt  }
0x75: {  	_ =	shalt  }
0x76: {  	_ =	shalt  }
0x77: {  	_ =	shalt  }
0x78: {  	_ =	shalt  }
0x79: {  	_ =	shalt  }
0x7a: {  	_ =	shalt  }
0x7b: {  	_ =	shalt  }
0x7c: {  	_ =	shalt  }
0x7d: {  	_ =	shalt  }
0x7e: {  	_ =	shalt  }
0x7f: {  	_ =	shalt  }
0x80: {  	_ =	shalt  }
0x81: {  	_ =	shalt  }
0x82: {  	_ =	shalt  }
0x83: {  	_ =	shalt  }
0x84: {  	_ =	shalt  }
0x85: {  	_ =	shalt  }
0x86: {  	_ =	shalt  }
0x87: {  	_ =	shalt  }
.Lfunc_end0:
.L_simem_size_0:
called_computation.1_lowered:
.L_overlay_start_0:
0x88: {  	s2 =	sld [smem:$0x3FD9]  }
0x89: {  	s3 =	sld [smem:$0x3FFE];
	_ =	sdelay $0x1  }
0x8a: {  	s1 =	srdreg.scid  }
0x8b: {  	s0 =	sand.u32 $0x1, s1  }
0x8c: {  	s14 =	sshll.u32 s0, $0xA;
	s2 =	sadd.s32 s3, s2  }
0x8d: {  	s2 =	sadd.s32 s2, s14  }
0x8e: {  	[smem:$0x3FBE] =	sst s2  }
0x8f: {  	_ = 	snop  }
0x90: {  	s2 =	sld [smem:$0x3FD0];
	_ =	sdelay $0x2  }
0x91: {  	s15 =	simm.s32 $0xA;
	s4 =	simm.s32 $0x10  }
0x92: {  	[smem:s4], [sflag:s15] =	dma.local [hbm:s2], $0x1  }
0x93: {  	_ =	swait.eq [sflag:s15], $0x1  }
0x94: {  	[sflag:s15] =	ssyncset.done $0x0  }
0x95: {  	[sflag:s15] =	ssyncadd.s32 $0xFFFFFFFF  }
0x96: {  	s16 =	sld [smem:$0x10];
	(tm) =	ssettm $0x1  }
0x97: {  	s17 =	sld [smem:$0x3FFB];
	_ =	sdelay $0x3  }
0x98: {  	_ =	strace s17  }
0x99: {  	s3 =	sld [smem:$0x3FFC];
	_ =	sdelay $0x3  }
0x9a: {  	_ =	strace s3  }
0x9b: {  	s3 =	sld [smem:$0x3FFD];
	_ =	sdelay $0x3  }
0x9c: {  	_ =	strace s3  }
0x9d: {  	_ =	strace $0x8FFFFFFF  }
0x9e: {  	s18 =	sld [smem:$0x3FDB];
	_ =	sdelay $0x1  }
0x9f: {  	s19 =	simm.s32 $_scs_section_size  }
0xa0: {  	s5 =	simm.s32 $_size__tile_overlayer_lowered;
	s6 =	simm.s32 $_tile_overlayer_lowered  }
0xa1: {  	s22 =	simm.s32 $0x1BFF;
	s21 =	sshll.u32 s6, $0x1;
	s3 =	sadd.s32 s19, s18  }
0xa2: {  	s7 =	simm.s32 $0x0;
	s20 =	sshll.u32 s5, $0x1;
	s5 =	sadd.s32 s21, s3  }
0xa3: {  	[timem:s7], [sflag:s22] =	dma.local [hbm:s5], s20  }
0xa4: {  	_ =	swait.ge [sflag:s22], s20  }
0xa5: {  	s4 =	ssub.s32 $0x0, s20;
	[sflag:s22] =	ssyncset.done $0x0  }
0xa6: {  	[sflag:s22] =	ssyncadd.s32 s4;
	_ =	sdelay $0x1  }
0xa7: {  	s23 =	simm.s32 $0x1B8B  }
0xa8: {  	_ =	swait.ge [sflag:s23], $0x1  }
0xa9: {  	[sflag:s23] =	ssyncset.done $0x0  }
0xaa: {  	s25 =	simm.s32 $0x1B8E;
	s24 =	sld [smem:$0x3FFE];
	[sflag:s23] =	ssyncadd.s32 $0xFFFFFFFF  }
0xab: {  	s26 =	simm.s32 $execute0_lowered;
	[smem:$0x3FD2] =	sst s25  }
0xac: {  	s5 =	sshll.u32 s26, $0x1;
	_ =	strace $0x80000049;
	[dreg:$0x1] =	wrdreg $0xFFFFFFFF  }
0xad: {  	s28 =	simm.s32 $_size_execute0_lowered;
	s3 =	sadd.s32 s3, s5;
	[dreg:$0x0] =	wrdreg $0x0  }
0xae: {  	s5 =	sshll.u32 s28, $0x1;
	[dreg:$0x2] =	wrdreg s3  }
0xaf: {  	[dreg:$0x3] =	wrdreg s5  }
0xb0: {  	[dreg:$0x4] =	wrdreg $0xC0  }
0xb1: {  	_ =	task [dreg:s7], $0x5FFFF  }
0xb2: {  	[dreg:$0x1] =	wrdreg $0xFFFFFFFF  }
0xb3: {  	[dreg:$0x0] =	wrdreg $0x60  }
0xb4: {  	[dreg:$0x2] =	wrdreg s16  }
0xb5: {  	[dreg:$0x3] =	wrdreg s24  }
0xb6: {  	[dreg:$0x4] =	wrdreg $0xC3000  }
0xb7: {  	[dreg:$0x5] =	wrdreg $0x9  }
0xb8: {  	_ =	task.clear_ibuf [dreg:s7], $0x6FFFF;
	_ =	strace $0x90000049  }
0xb9: {  	s29 =	simm.s32 $0x9;
	_ =	strace $0x8000004B  }
0xba: {  	_ =	swait.ge [sflag:s29], $0x1  }
0xbb: {  	[sflag:s29] =	ssyncadd.s32 $0xFFFFFFFF  }
0xbc: {  	_ =	strace $0x9000004B  }
0xbd: {  	_ =	sfence  }
0xbe: {  	s30 =	sld [smem:$0x0];
	_ =	sdelay $0x2  }
0xbf: {  	s31 =	sshll.u32 s1, $0xD;
	s1 =	sshrl.u32 s1, $0x2  }
0xc0: {  	s3 =	sand.u32 $0x4000, s31;
	s1 =	sadd.s32 s1, s30  }
0xc1: {  	s0 =	sor.u32 s3, s0;
	s1 =	sshll.u32 s1, $0x11  }
0xc2: {  	s0 =	sor.u32 s1, s0  }
0xc3: {  	s0 =	sadd.s32 $0x8F2B, s0  }
0xc4: {  	[sflag:s0] =	ssyncadd.remote.s32 $0x1  }
0xc5: {  	_ =	sfence.sel $0xFFFF  }
0xc6: {  	[dreg:$0x0] =	wrdreg $0xFFFFFFFF;
	(pc) =	sbr.abs _section_cstart, $3  }
0xc7: {  	[dreg:$0x1] =	wrdreg $0xFFFFFFFF  }
0xc8: {  	_ =	task.clear_ibuf [dreg:s7], $0x2FFFF;
	_ =	strace $0x9FFFFFFF  }
0xc9: {  	(tm) =	ssettm $0x7FFFFFFF  }
tec
execute0_lowered:
.L_overlay_start_1:
0x0: {  	(tag) =	ssettag $0x1  }
0x1: {  	s1 =	rddreg [dreg:$0x0]  }
0x2: {  	s12 =	rddreg [dreg:$0x1]  }
0x3: {  	s3 =	rddreg [dreg:$0x2]  }
0x4: {  	s4 =	simm.s32 $0x0;
	s2 =	stileid.u32;
	s5 =	srdreg.scid  }
0x5: {  	s14 =	simm.s32 $0x8D800;
	[smem:$0x7FF] =	sst s4;
	s30 =	smul.u32 $0x4F000, s2  }
0x6: {  	s17 =	sand.u32 $0x1, s5;
	s7 =	sshll.u32 s2, $0x4;
	s15 =	smul.u32 $0x2780, s2  }
0x7: {  	s16 =	ssub.s32 $0x9C4, s2;
	_ =	strace $0x8000004A;
	s6 =	ssub.s32 $0x2, s17  }
0x8: {  	s11 =	sadd.s32 s7, s12;
	p0 =	seq.s32 s17, $0x1;
	[dreg:$0x4] =	wrdreg s16  }
0x9: {  	s8 =	sshrl.u32 s6, $0x1;
	s5 =	sshrl.u32 s30, $0x2;
	s10 =	sadd.s32 $0x4200, s11  }
0xa: {  	s14 =	simm.s32 @!p0 $0x66000;
	s11 =	sadd.s32 $0xE000, s11;
	s5 =	sadd.s32 s5, s3  }
0xb: {  	s13 =	ssub.s32 s6, s8;
	s14 =	sadd.s32 s14, s12;
	s0 =	sadd.s32 $0x4000, s5  }
0xc: {  	s31 =	sadd.s32 $0x8000, s5;
	s8 =	sadd.s32 $0xC000, s5;
	s9 =	sadd.s32 $0x10000, s5  }
0xd: {  	s12 =	smax.u32 s13, $0x1;
	s13 =	sadd.s32 s14, s15;
	[dreg:$0x5] =	wrdreg s0  }
0xe: {  	v1 =	vimm.f32 $0.0e+00;
	v0 =	vmov s17;
	s14 =	simm.s32 $0x8300;
	s15 =	simm.s32 $0x3;
	[dreg:$0x6] =	wrdreg s31  }
.LBB2_1:
0xf: {  	s20 =	simm.s32 $0x0;
	s21 =	simm.s32 $0x200  }
.LBB2_2:
0x10: {  	p0 =	sne.s32 s21, $0xFE00;
	[tilespmem:s20+$0x8370] =	vst v1  }
0x11: {  	[tilespmem:s20+$0x8300] =	vst v1  }
0x12: {  	[tilespmem:s20+$0x8310] =	vst v1  }
.Ltmp0:
0x13: {  	[tilespmem:s20+$0x8320] =	vst v1;
	(pc) =	sbr.rel @p0 .LBB2_2-.Ltmp0, $4  }
0x14: {  	[tilespmem:s20+$0x8330] =	vst v1  }
0x15: {  	[tilespmem:s20+$0x8340] =	vst v1  }
0x16: {  	[tilespmem:s20+$0x8350] =	vst v1  }
0x17: {  	[tilespmem:s20+$0x8360] =	vst v1;
	s20 =	sshra.s32 s21, $0x2;
	s21 =	sadd.s32 $0x200, s21  }
0x18: {  	[tilespmem:s20+$0x8370] =	vst v1  }
0x19: {  	[tilespmem:s20+$0x8300] =	vst v1  }
0x1a: {  	[tilespmem:s20+$0x8310] =	vst v1  }
0x1b: {  	[tilespmem:s20+$0x8320] =	vst v1  }
0x1c: {  	[tilespmem:s20+$0x8330] =	vst v1  }
0x1d: {  	[tilespmem:s20+$0x8340] =	vst v1  }
0x1e: {  	[tilespmem:s20+$0x8350] =	vst v1  }
0x1f: {  	[tilespmem:s20+$0x8360] =	vst v1  }
0x20: {  	[spmem:s5] =	stream.linear.scatter [tilespmem:s14], [sflag:$0x3], $0x4000, $0x38;
	[tilespmem:$0x1FF00] =	vst v63  }
0x21: {  	_ =	swait.ge [sflag:s15], $0x4000  }
0x22: {  	[sflag:s15] =	ssyncset.done $0x0  }
0x23: {  	s0 =	rddreg [dreg:$0x5];
	[sflag:s15] =	ssyncadd.s32 $0xFFFFC000  }
0x24: {  	[spmem:s0] =	stream.linear.scatter [tilespmem:s14], [sflag:$0x3], $0x4000, $0x38;
	[tilespmem:$0x1FF00] =	vst v63  }
0x25: {  	_ =	swait.ge [sflag:s15], $0x4000  }
0x26: {  	[sflag:s15] =	ssyncset.done $0x0  }
0x27: {  	s28 =	rddreg [dreg:$0x6];
	[sflag:s15] =	ssyncadd.s32 $0xFFFFC000  }
0x28: {  	[spmem:s28] =	stream.linear.scatter [tilespmem:s14], [sflag:$0x3], $0x4000, $0x38;
	[tilespmem:$0x1FF00] =	vst v63  }
0x29: {  	_ =	swait.ge [sflag:s15], $0x4000  }
0x2a: {  	[sflag:s15] =	ssyncset.done $0x0  }
0x2b: {  	[sflag:s15] =	ssyncadd.s32 $0xFFFFC000  }
0x2c: {  	[spmem:s8] =	stream.linear.scatter [tilespmem:s14], [sflag:$0x3], $0x4000, $0x38;
	[tilespmem:$0x1FF00] =	vst v63  }
0x2d: {  	_ =	swait.ge [sflag:s15], $0x4000  }
0x2e: {  	[sflag:s15] =	ssyncset.done $0x0  }
0x2f: {  	[sflag:s15] =	ssyncadd.s32 $0xFFFFC000  }
0x30: {  	[spmem:s9] =	stream.linear.scatter [tilespmem:s14], [sflag:$0x3], $0x3C00, $0x38;
	[tilespmem:$0x1FF00] =	vst v63  }
0x31: {  	_ =	swait.ge [sflag:s15], $0x3C00  }
0x32: {  	[sflag:s15] =	ssyncset.done $0x0  }
0x33: {  	[sflag:s15] =	ssyncadd.s32 $0xFFFFC400  }
0x34: {  	s22 =	simm.s32 $0x0;
	[bflag:$0x0] =	sbarrier.arrive $0xFFFF  }
0x35: {  	[tilespmem:s22], [sflag:$0x3] =	stream.linear.gather [hbm4b:s10+s22], $0x80, $0x38;
	[tilespmem:$0x1FF00] =	vst v63  }
0x36: {  	_ =	swait.ge [sflag:s15], $0x80  }
0x37: {  	[sflag:s15] =	ssyncset.done $0x0  }
0x38: {  	s29 =	simm.s32 $0x200;
	[sflag:s15] =	ssyncadd.s32 $0xFFFFFF80  }
0x39: {  	[tilespmem:s29], [sflag:$0x3] =	stream.linear.gather [hbm4b:s11+s22], $0x80, $0x38;
	[tilespmem:$0x1FF00] =	vst v63  }
0x3a: {  	_ =	swait.ge [sflag:s15], $0x80  }
0x3b: {  	[sflag:s15] =	ssyncset.done $0x0  }
0x3c: {  	[sflag:s15] =	ssyncadd.s32 $0xFFFFFF80  }
0x3d: {  	v2 =	vld [tilespmem:$0x0]  }
0x3e: {  	v3 =	vld [tilespmem:$0x10]  }
0x3f: {  	v4 =	vld [tilespmem:$0x20]  }
0x40: {  	v5 =	vld [tilespmem:$0x30]  }
0x41: {  	v6 =	vld [tilespmem:$0x40]  }
0x42: {  	v7 =	vld [tilespmem:$0x50];
	v2 =	vshll.u32 v2, $0x1  }
0x43: {  	v8 =	vld [tilespmem:$0x60];
	v3 =	vshll.u32 v3, $0x1;
	v2 =	vor.u32 v0, v2  }
0x44: {  	v63 =	vld [tilespmem:$0x70];
	[tilespmem:$0x100] =	vst v2;
	v2 =	vor.u32 v0, v3;
	v3 =	vshll.u32 v4, $0x1  }
0x45: {  	[tilespmem:$0x110] =	vst v2;
	v2 =	vor.u32 v0, v3;
	v3 =	vshll.u32 v5, $0x1  }
0x46: {  	[tilespmem:$0x120] =	vst v2;
	v2 =	vor.u32 v0, v3;
	v3 =	vshll.u32 v6, $0x1  }
0x47: {  	[tilespmem:$0x130] =	vst v2;
	v2 =	vor.u32 v0, v3;
	v3 =	vshll.u32 v7, $0x1  }
0x48: {  	s23 =	sadd.s32 $0x0, s2;
	[tilespmem:$0x140] =	vst v2;
	v2 =	vor.u32 v0, v3;
	v3 =	vshll.u32 v8, $0x1  }
0x49: {  	s31 =	sadd.s32 $0x10, s23;
	[tilespmem:$0x150] =	vst v2;
	v2 =	vor.u32 v0, v3;
	v3 =	vshll.u32 v63, $0x1  }
0x4a: {  	s30 =	simm.s32 $0x80;
	s6 =	simm.s32 $0x100;
	p1 =	sgt.u32 s31, $0x9C3;
	[tilespmem:$0x160] =	vst v2;
	v2 =	vor.u32 v0, v3  }
0x4b: {  	s7 =	simm.s32 $0x300;
	s20 =	sadd.s32 @!p1 $0x0, s10;
	s24 =	simm.s32 @!p1 $0x4;
	[tilespmem:$0x170] =	vst v2  }
0x4c: {  	[tilespmem:s7], [sflag:$0x1] =	stream.indirect.gather [hbm4b:s1+s30], $0x80, s6, s30, $0xb8;
	[tilespmem:$0x1FF00] =	vst v63  }
0x4d: {  	s25 =	simm.s32 @!p1 $0x0;
	s21 =	sadd.s32 @!p1 $0x100, s20;
	s20 =	simm.s32 @!p1 $0x80  }
0x4e: {  	[tilespmem:s20], [sflag:$0x4] =	stream.linear.gather @!p1 [hbm4b:s21+s25], $0x80, $0x38;
	[tilespmem:$0x1FF00] =	vst v63  }
0x4f: {  	p0 =	por p1, p1;
	_ =	swait.ge @!p1 [sflag:s24], $0x80  }
0x50: {  	s21 =	sadd.s32 @!p1 $0x0, s11;
	[sflag:s24] =	ssyncset.done @!p0 $0x0  }
0x51: {  	s26 =	sadd.s32 @!p1 $0x100, s21;
	s21 =	simm.s32 @!p0 $0x280;
	[sflag:s24] =	ssyncadd.s32 @!p0 $0xFFFFFF80  }
0x52: {  	[tilespmem:s21], [sflag:$0x4] =	stream.linear.gather @!p0 [hbm4b:s26+s25], $0x80, $0x38;
	[tilespmem:$0x1FF00] =	vst v63  }
0x53: {  	_ =	swait.ge @!p0 [sflag:s24], $0x80  }
0x54: {  	s26 =	simm.s32 $0x200;
	s25 =	sadd.s32 $0x20, s23;
	[sflag:s24] =	ssyncset.done @!p0 $0x0  }
0x55: {  	s23 =	simm.s32 $0x0;
	[sflag:s24] =	ssyncadd.s32 @!p0 $0xFFFFFF80;
	s24 =	simm.s32 $0x0  }
.LBB2_4:
0x56: {  	v2 =	vld @!p0 [tilespmem:$0x80]  }
0x57: {  	v3 =	vld @!p0 [tilespmem:$0xC0]  }
0x58: {  	v5 =	vld @!p0 [tilespmem:$0xA0]  }
0x59: {  	v4 =	vld @!p0 [tilespmem:$0xF0]  }
0x5a: {  	v6 =	vld @!p0 [tilespmem:$0x90]  }
0x5b: {  	v7 =	vld @!p0 [tilespmem:$0xD0];
	v2 =	vshll.u32 @!p0 v2, $0x1  }
0x5c: {  	v8 =	vld @!p0 [tilespmem:$0xE0];
	v3 =	vshll.u32 @!p0 v3, $0x1;
	v2 =	vor.u32 @!p0 v0, v2  }
0x5d: {  	v5 =	vshll.u32 @!p0 v5, $0x1;
	v3 =	vor.u32 @!p0 v0, v3;
	[tilespmem:$0x180] =	vst @!p0 v2;
	v2 =	vld @!p0 [tilespmem:$0xB0]  }
0x5e: {  	v4 =	vshll.u32 @!p0 v4, $0x1;
	v5 =	vor.u32 @!p0 v0, v5;
	[tilespmem:$0x1C0] =	vst @!p0 v3  }
0x5f: {  	v3 =	vor.u32 @!p0 v0, v4;
	v4 =	vshll.u32 @!p0 v6, $0x1;
	[tilespmem:$0x1A0] =	vst @!p0 v5  }
0x60: {  	[tilespmem:$0x1F0] =	vst @!p0 v3;
	v3 =	vor.u32 @!p0 v0, v4;
	v4 =	vshll.u32 @!p0 v7, $0x1  }
0x61: {  	s22 =	sadd.s32 $0x20, s22;
	[tilespmem:$0x190] =	vst @!p0 v3;
	v3 =	vor.u32 @!p0 v0, v4;
	v4 =	vshll.u32 @!p0 v8, $0x1  }
0x62: {  	s28 =	rddreg [dreg:$0x4];
	p2 =	sgt.u32 s25, $0x9C3;
	s25 =	simm.s32 @!p0 $0x180;
	[tilespmem:$0x1D0] =	vst @!p0 v3;
	v3 =	vor.u32 @!p0 v0, v4;
	v2 =	vshll.u32 @!p0 v2, $0x1  }
0x63: {  	p4 =	sge.u32 s24, s28;
	s28 =	sadd.s32 @!p2 s23, s11;
	s29 =	sadd.s32 s22, s2;
	[tilespmem:$0x1E0] =	vst @!p0 v3;
	v2 =	vor.u32 @!p0 v0, v2  }
0x64: {  	s30 =	simm.s32 @!p4 $0x1;
	s18 =	sadd.s32 @!p2 $0x200, s28;
	s28 =	simm.s32 @!p0 $0x4300;
	[tilespmem:$0x1B0] =	vst @!p0 v2  }
0x65: {  	[tilespmem:s28], [sflag:$0x2] =	stream.indirect.gather @!p0 [hbm4b:s1+s20], $0x80, s25, s20, $0xb8;
	[tilespmem:$0x1FF00] =	vst v63  }
0x66: {  	s0 =	simm.s32 @!p4 $0x4;
	s19 =	sadd.s32 $0x10, s29;
	_ =	swait.ge @!p4 [sflag:s30], $0x4000  }
0x67: {  	s7 =	simm.s32 @!p4 $0x300;
	s25 =	sadd.s32 $0x20, s29;
	[sflag:s30] =	ssyncset.done @!p4 $0x0  }
0x68: {  	s29 =	simm.s32 @!p4 $0x80;
	[sflag:s30] =	ssyncadd.s32 @!p4 $0xFFFFC000;
	s30 =	simm.s32 @!p4 $0x200  }
0x69: {  	[spmem:s3] =	stream.indirect.scatter.add.f32 @!p4 [tilespmem:s7], [sflag:$0x4], $0x80, s30, s29, $0xb8;
	[tilespmem:$0x1FF00] =	vst v63  }
0x6a: {  	s16 =	simm.s32 @!p2 $0x4;
	_ =	swait.ge @!p4 [sflag:s0], $0x4000  }
0x6b: {  	p3 =	sgt.u32 s19, $0x9C3;
	s19 =	sadd.s32 @!p2 s23, s10;
	[sflag:s0] =	ssyncset.done @!p4 $0x0  }
0x6c: {  	s17 =	simm.s32 @!p2 $0x0;
	s19 =	sadd.s32 @!p2 $0x200, s19;
	[sflag:s0] =	ssyncadd.s32 @!p4 $0xFFFFC000  }
0x6d: {  	[tilespmem:s17], [sflag:$0x4] =	stream.linear.gather @!p2 [hbm4b:s19+s17], $0x80, $0x38;
	[tilespmem:$0x1FF00] =	vst v63  }
0x6e: {  	_ =	swait.ge @!p2 [sflag:s16], $0x80  }
0x6f: {  	[sflag:s16] =	ssyncset.done @!p2 $0x0  }
0x70: {  	s0 =	simm.s32 @!p2 $0x200;
	[sflag:s16] =	ssyncadd.s32 @!p2 $0xFFFFFF80  }
0x71: {  	[tilespmem:s0], [sflag:$0x4] =	stream.linear.gather @!p2 [hbm4b:s18+s17], $0x80, $0x38;
	[tilespmem:$0x1FF00] =	vst v63  }
0x72: {  	_ =	swait.ge @!p2 [sflag:s16], $0x80  }
0x73: {  	[sflag:s16] =	ssyncset.done @!p2 $0x0  }
0x74: {  	[sflag:s16] =	ssyncadd.s32 @!p2 $0xFFFFFF80  }
0x75: {  	v2 =	vld @!p2 [tilespmem:$0x0]  }
0x76: {  	v3 =	vld @!p2 [tilespmem:$0x10]  }
0x77: {  	v4 =	vld @!p2 [tilespmem:$0x20]  }
0x78: {  	v5 =	vld @!p2 [tilespmem:$0x40]  }
0x79: {  	v6 =	vld @!p2 [tilespmem:$0x50]  }
0x7a: {  	v7 =	vld @!p2 [tilespmem:$0x60];
	v2 =	vshll.u32 @!p2 v2, $0x1  }
0x7b: {  	v8 =	vld @!p2 [tilespmem:$0x70];
	v3 =	vshll.u32 @!p2 v3, $0x1;
	v2 =	vor.u32 @!p2 v0, v2  }
0x7c: {  	[tilespmem:$0x100] =	vst @!p2 v2;
	v2 =	vor.u32 @!p2 v0, v3;
	v3 =	vshll.u32 @!p2 v4, $0x1;
	v4 =	vld @!p2 [tilespmem:$0x30]  }
0x7d: {  	[tilespmem:$0x110] =	vst @!p2 v2;
	v2 =	vor.u32 @!p2 v0, v3;
	v3 =	vshll.u32 @!p2 v5, $0x1  }
0x7e: {  	[tilespmem:$0x120] =	vst @!p2 v2;
	v2 =	vor.u32 @!p2 v0, v3;
	v3 =	vshll.u32 @!p2 v6, $0x1  }
0x7f: {  	[tilespmem:$0x140] =	vst @!p2 v2;
	v2 =	vor.u32 @!p2 v0, v3;
	v3 =	vshll.u32 @!p2 v7, $0x1  }
0x80: {  	s31 =	smov.u32 s26;
	[tilespmem:$0x150] =	vst @!p2 v2;
	v2 =	vor.u32 @!p2 v0, v3;
	v3 =	vshll.u32 @!p2 v8, $0x1  }
0x81: {  	s6 =	sadd.s32 @!p3 s31, s11;
	v4 =	vshll.u32 @!p2 v4, $0x1;
	[tilespmem:$0x160] =	vst @!p2 v2;
	v2 =	vor.u32 @!p2 v0, v3  }
0x82: {  	s29 =	sadd.s32 @!p3 $0x100, s6;
	s6 =	simm.s32 @!p2 $0x100;
	v3 =	vor.u32 @!p2 v0, v4;
	[tilespmem:$0x170] =	vst @!p2 v2  }
0x83: {  	s7 =	simm.s32 @!p2 $0x300;
	s0 =	simm.s32 @!p2 $0x80;
	s16 =	simm.s32 @!p0 $0x2;
	[tilespmem:$0x130] =	vst @!p2 v3  }
0x84: {  	[tilespmem:s7], [sflag:$0x1] =	stream.indirect.gather @!p2 [hbm4b:s1+s0], $0x80, s6, s0, $0xb8;
	[tilespmem:$0x1FF00] =	vst v63  }
0x85: {  	_ =	swait.ge @!p0 [sflag:s16], $0x4000  }
0x86: {  	[sflag:s16] =	ssyncset.done @!p0 $0x0  }
0x87: {  	s0 =	simm.s32 @!p0 $0x3;
	[sflag:s16] =	ssyncadd.s32 @!p0 $0xFFFFC000  }
0x88: {  	[spmem:s3] =	stream.indirect.scatter.add.f32 @!p0 [tilespmem:s28], [sflag:$0x3], $0x80, s21, s20, $0xb8;
	[tilespmem:$0x1FF00] =	vst v63  }
0x89: {  	s23 =	sadd.s32 @!p3 s31, s10;
	_ =	swait.ge @!p0 [sflag:s0], $0x4000  }
0x8a: {  	s30 =	sadd.s32 @!p3 $0x100, s23;
	s6 =	simm.s32 @!p3 $0x4;
	[sflag:s0] =	ssyncset.done @!p0 $0x0  }
0x8b: {  	s7 =	simm.s32 @!p3 $0x0;
	s20 =	simm.s32 @!p3 $0x80;
	[sflag:s0] =	ssyncadd.s32 @!p0 $0xFFFFC000  }
0x8c: {  	[tilespmem:s20], [sflag:$0x4] =	stream.linear.gather @!p3 [hbm4b:s30+s7], $0x80, $0x38;
	[tilespmem:$0x1FF00] =	vst v63  }
0x8d: {  	s26 =	sadd.s32 $0x200, s26;
	p0 =	por p3, p3;
	_ =	swait.ge @!p3 [sflag:s6], $0x80  }
0x8e: {  	p1 =	sne.s32 s26, $0x9E00;
	[sflag:s6] =	ssyncset.done @!p0 $0x0  }
.Ltmp1:
0x8f: {  	s21 =	simm.s32 @!p0 $0x280;
	[sflag:s6] =	ssyncadd.s32 @!p0 $0xFFFFFF80;
	(pc) =	sbr.rel @p1 .LBB2_4-.Ltmp1, $4  }
0x90: {  	[tilespmem:s21], [sflag:$0x4] =	stream.linear.gather @!p0 [hbm4b:s29+s7], $0x80, $0x38;
	[tilespmem:$0x1FF00] =	vst v63  }
0x91: {  	_ =	swait.ge @!p0 [sflag:s6], $0x80  }
0x92: {  	[sflag:s6] =	ssyncset.done @!p0 $0x0  }
0x93: {  	s24 =	smov.u32 s22;
	s23 =	smov.u32 s31;
	[sflag:s6] =	ssyncadd.s32 @!p0 $0xFFFFFF80  }
0x94: {  	v2 =	vld @!p0 [tilespmem:$0x80]  }
0x95: {  	v3 =	vld @!p0 [tilespmem:$0xC0]  }
0x96: {  	v5 =	vld @!p0 [tilespmem:$0xA0]  }
0x97: {  	v4 =	vld @!p0 [tilespmem:$0xF0]  }
0x98: {  	v6 =	vld @!p0 [tilespmem:$0x90]  }
0x99: {  	v7 =	vld @!p0 [tilespmem:$0xD0];
	v2 =	vshll.u32 @!p0 v2, $0x1  }
0x9a: {  	v8 =	vld @!p0 [tilespmem:$0xE0];
	v3 =	vshll.u32 @!p0 v3, $0x1;
	v2 =	vor.u32 @!p0 v0, v2  }
0x9b: {  	v5 =	vshll.u32 @!p0 v5, $0x1;
	v3 =	vor.u32 @!p0 v0, v3;
	[tilespmem:$0x180] =	vst @!p0 v2;
	v2 =	vld @!p0 [tilespmem:$0xB0]  }
0x9c: {  	v4 =	vshll.u32 @!p0 v4, $0x1;
	v5 =	vor.u32 @!p0 v0, v5;
	[tilespmem:$0x1C0] =	vst @!p0 v3  }
0x9d: {  	v3 =	vor.u32 @!p0 v0, v4;
	v4 =	vshll.u32 @!p0 v6, $0x1;
	[tilespmem:$0x1A0] =	vst @!p0 v5  }
0x9e: {  	[tilespmem:$0x1F0] =	vst @!p0 v3;
	v3 =	vor.u32 @!p0 v0, v4;
	v4 =	vshll.u32 @!p0 v7, $0x1  }
0x9f: {  	[tilespmem:$0x190] =	vst @!p0 v3;
	v3 =	vor.u32 @!p0 v0, v4;
	v4 =	vshll.u32 @!p0 v8, $0x1  }
0xa0: {  	s0 =	rddreg [dreg:$0x4];
	[tilespmem:$0x1D0] =	vst @!p0 v3;
	v3 =	vor.u32 @!p0 v0, v4;
	v2 =	vshll.u32 @!p0 v2, $0x1  }
0xa1: {  	p2 =	sge.u32 s24, s0;
	[tilespmem:$0x1E0] =	vst @!p0 v3;
	v2 =	vor.u32 @!p0 v0, v2  }
0xa2: {  	s22 =	simm.s32 @!p0 $0x4300;
	s0 =	simm.s32 @!p0 $0x180;
	s6 =	simm.s32 @!p2 $0x1;
	[tilespmem:$0x1B0] =	vst @!p0 v2  }
0xa3: {  	[tilespmem:s22], [sflag:$0x2] =	stream.indirect.gather @!p0 [hbm4b:s1+s20], $0x80, s0, s20, $0xb8;
	[tilespmem:$0x1FF00] =	vst v63  }
0xa4: {  	_ =	swait.ge @!p2 [sflag:s6], $0x4000  }
0xa5: {  	s7 =	simm.s32 @!p2 $0x300;
	s16 =	simm.s32 @!p2 $0x80;
	[sflag:s6] =	ssyncset.done @!p2 $0x0  }
0xa6: {  	s0 =	simm.s32 @!p2 $0x4;
	[sflag:s6] =	ssyncadd.s32 @!p2 $0xFFFFC000;
	s6 =	simm.s32 @!p2 $0x200  }
0xa7: {  	[spmem:s3] =	stream.indirect.scatter.add.f32 @!p2 [tilespmem:s7], [sflag:$0x4], $0x80, s6, s16, $0xb8;
	[tilespmem:$0x1FF00] =	vst v63  }
0xa8: {  	p1 =	sgt.u32 s25, $0x9C3;
	_ =	swait.ge @!p2 [sflag:s0], $0x4000  }
0xa9: {  	s6 =	simm.s32 @!p1 $0x4;
	s7 =	sadd.s32 @!p1 s23, s10;
	[sflag:s0] =	ssyncset.done @!p2 $0x0  }
0xaa: {  	s16 =	simm.s32 @!p1 $0x0;
	s7 =	sadd.s32 @!p1 $0x200, s7;
	[sflag:s0] =	ssyncadd.s32 @!p2 $0xFFFFC000  }
0xab: {  	[tilespmem:s16], [sflag:$0x4] =	stream.linear.gather @!p1 [hbm4b:s7+s16], $0x80, $0x38;
	[tilespmem:$0x1FF00] =	vst v63  }
0xac: {  	_ =	swait.ge @!p1 [sflag:s6], $0x80  }
0xad: {  	s0 =	sadd.s32 @!p1 s23, s11;
	[sflag:s6] =	ssyncset.done @!p1 $0x0  }
0xae: {  	s0 =	sadd.s32 @!p1 $0x200, s0;
	s7 =	simm.s32 @!p1 $0x200;
	[sflag:s6] =	ssyncadd.s32 @!p1 $0xFFFFFF80  }
0xaf: {  	[tilespmem:s7], [sflag:$0x4] =	stream.linear.gather @!p1 [hbm4b:s0+s16], $0x80, $0x38;
	[tilespmem:$0x1FF00] =	vst v63  }
0xb0: {  	_ =	swait.ge @!p1 [sflag:s6], $0x80  }
0xb1: {  	[sflag:s6] =	ssyncset.done @!p1 $0x0  }
0xb2: {  	[sflag:s6] =	ssyncadd.s32 @!p1 $0xFFFFFF80  }
0xb3: {  	v2 =	vld @!p1 [tilespmem:$0x0]  }
0xb4: {  	v3 =	vld @!p1 [tilespmem:$0x10]  }
0xb5: {  	v4 =	vld @!p1 [tilespmem:$0x20]  }
0xb6: {  	v5 =	vld @!p1 [tilespmem:$0x40]  }
0xb7: {  	v6 =	vld @!p1 [tilespmem:$0x50]  }
0xb8: {  	v7 =	vld @!p1 [tilespmem:$0x60];
	v2 =	vshll.u32 @!p1 v2, $0x1  }
0xb9: {  	v8 =	vld @!p1 [tilespmem:$0x70];
	v3 =	vshll.u32 @!p1 v3, $0x1;
	v2 =	vor.u32 @!p1 v0, v2  }
0xba: {  	[tilespmem:$0x100] =	vst @!p1 v2;
	v2 =	vor.u32 @!p1 v0, v3;
	v3 =	vshll.u32 @!p1 v4, $0x1;
	v4 =	vld @!p1 [tilespmem:$0x30]  }
0xbb: {  	[tilespmem:$0x110] =	vst @!p1 v2;
	v2 =	vor.u32 @!p1 v0, v3;
	v3 =	vshll.u32 @!p1 v5, $0x1  }
0xbc: {  	[tilespmem:$0x120] =	vst @!p1 v2;
	v2 =	vor.u32 @!p1 v0, v3;
	v3 =	vshll.u32 @!p1 v6, $0x1  }
0xbd: {  	[tilespmem:$0x140] =	vst @!p1 v2;
	v2 =	vor.u32 @!p1 v0, v3;
	v3 =	vshll.u32 @!p1 v7, $0x1  }
0xbe: {  	[tilespmem:$0x150] =	vst @!p1 v2;
	v2 =	vor.u32 @!p1 v0, v3;
	v3 =	vshll.u32 @!p1 v8, $0x1  }
0xbf: {  	v4 =	vshll.u32 @!p1 v4, $0x1;
	[tilespmem:$0x160] =	vst @!p1 v2;
	v2 =	vor.u32 @!p1 v0, v3  }
0xc0: {  	s0 =	simm.s32 @!p1 $0x80;
	v3 =	vor.u32 @!p1 v0, v4;
	[tilespmem:$0x170] =	vst @!p1 v2  }
0xc1: {  	s7 =	simm.s32 @!p1 $0x300;
	s16 =	simm.s32 @!p0 $0x2;
	s6 =	simm.s32 @!p1 $0x100;
	[tilespmem:$0x130] =	vst @!p1 v3  }
0xc2: {  	[tilespmem:s7], [sflag:$0x1] =	stream.indirect.gather @!p1 [hbm4b:s1+s0], $0x80, s6, s0, $0xb8;
	[tilespmem:$0x1FF00] =	vst v63  }
0xc3: {  	_ =	swait.ge @!p0 [sflag:s16], $0x4000  }
0xc4: {  	[sflag:s16] =	ssyncset.done @!p0 $0x0  }
0xc5: {  	s0 =	simm.s32 @!p0 $0x3;
	[sflag:s16] =	ssyncadd.s32 @!p0 $0xFFFFC000  }
0xc6: {  	[spmem:s3] =	stream.indirect.scatter.add.f32 @!p0 [tilespmem:s22], [sflag:$0x3], $0x80, s21, s20, $0xb8;
	[tilespmem:$0x1FF00] =	vst v63  }
0xc7: {  	_ =	swait.ge @!p0 [sflag:s0], $0x4000  }
0xc8: {  	s30 =	sshll.u32 s2, $0x6;
	s4 =	sadd.s32 $0x1, s4;
	[sflag:s0] =	ssyncset.done @!p0 $0x0  }
0xc9: {  	s31 =	sshrl.u32 s5, $0x3;
	[sflag:s0] =	ssyncadd.s32 @!p0 $0xFFFFC000;
	p0 =	sne.s32 s4, s12  }
.Ltmp2:
0xca: {  	s0 =	sor.u32 $0x1C03, s30;
	[bflag:$0x0] =	sbarrier.arrive $0xFFFF;
	(pc) =	sbr.rel @p0 .LBB2_1-.Ltmp2, $4  }
0xcb: {  	[hbm:s13], [sflag:s0] =	dma.local [spmem:s31], $0x2780  }
0xcc: {  	_ =	swait.ge [sflag:s15], $0x2780  }
0xcd: {  	[sflag:s15] =	ssyncset.done $0x0  }
0xce: {  	[sflag:s15] =	ssyncadd.s32 $0xFFFFD880  }
0xcf: {  	_ =	sfence.sel $0x180000  }
0xd0: {  	[bflag:$0x0] =	sbarrier.arrive $0xFFFF  }
0xd1: {  	_ =	strace $0x9000004A  }
0xd2: {  	[bflag:$0x2] =	sbarrier.arrive $0xFFFF  }
0xd3: {  	p0 =	sne.s32 s2, $0x0;
	s0 =	rddreg [dreg:$0x3]  }
0xd4: {  	s0 =	sadd.s32 @!p0 $0x100000, s0  }
0xd5: {  	[sflag:s0] =	ssyncadd.tile.s32 @!p0 $0x1;
	_ =	shalt  }
.Lfunc_end2:
_tile_overlayer_lowered:
.L_overlay_start_2:
0xd6: {  	(tag) =	ssettag $0x2  }
0xd7: {  	s0 =	rddreg [dreg:$0x0];
	s2 =	stileid.u32  }
0xd8: {  	s1 =	rddreg [dreg:$0x1];
	p0 =	sne.s32 s2, $0x0  }
0xd9: {  	s3 =	rddreg [dreg:$0x2];
	[bflag:$0x3] =	sbarrier.arrive $0xFFFF;
	s2 =	simm.s32 @!p0 $0x1C03  }
0xda: {  	[timem:s3], [sflag:s2] =	dma.local @!p0 [hbm:s0], s1  }
0xdb: {  	s0 =	simm.s32 @!p0 $0x3  }
0xdc: {  	_ =	swait.ge @!p0 [sflag:s0], s1  }
0xdd: {  	s1 =	ssub.s32 @!p0 $0x0, s1;
	[sflag:s0] =	ssyncset.done @!p0 $0x0  }
0xde: {  	[sflag:s0] =	ssyncadd.s32 @!p0 s1  }
0xdf: {  	[bflag:$0x3] =	sbarrier.arrive $0xFFFF  }
0xe0: {  	_ =	shalt  }

// kernel: kernel.14.cloned.1.call-start
scs
__scs_entry_jumppad:
0x0: {  	(pc) =	sbr.rel $0x88, $3  }
0x1: {  	(tag) =	ssettag $0x0;
	lr =	simm.s32 $0x1  }
0x2: {  	[smem:$0x3F97] =	sst lr;
	_ =	strace $0xD0000000  }
0x3: {  	_ = 	snop  }
0x4: {  	_ = 	snop  }
0x5: {  	_ = 	snop  }
0x6: {  	_ = 	snop  }
0x7: {  	_ = 	snop  }
__scs_overlays_trampoline_lowered:
0x8: {  	[smem:$0x3FA6] =	sst s0  }
0x9: {  	[smem:$0x3FA7] =	sst s1  }
0xa: {  	[smem:$0x3FA8] =	sst s2  }
0xb: {  	[smem:$0x3FA9] =	sst s3  }
0xc: {  	[smem:$0x3FAA] =	sst s4  }
0xd: {  	[smem:$0x3FAB] =	sst s5  }
0xe: {  	[smem:$0x3FAC] =	sst s6  }
0xf: {  	[smem:$0x3FAD] =	sst s7  }
0x10: {  	[smem:$0x3FAE] =	sst s8  }
0x11: {  	[smem:$0x3FAF] =	sst s9;
	s0 =	simm.s32 @!p0 $0x0  }
0x12: {  	s1 =	sld [smem:$0x3F95];
	s0 =	simm.s32 @p0 $0x1  }
0x13: {  	[smem:$0x3FB0] =	sst s0;
	s0 =	simm.s32 @!p1 $0x0  }
0x14: {  	s2 =	sld [smem:$0x3F94];
	s0 =	simm.s32 @p1 $0x1  }
0x15: {  	[smem:$0x3FB1] =	sst s0;
	s0 =	simm.s32 @!p2 $0x0  }
0x16: {  	s3 =	sld [smem:$0x3FDB];
	s0 =	simm.s32 @p2 $0x1  }
0x17: {  	s4 =	simm.s32 $0x1BF5;
	[smem:$0x3FB3] =	sst s0  }
0x18: {  	s0 =	sld [smem:$0x3F96];
	_ =	swait.ge [sflag:s4], $0x0  }
0x19: {  	s7 =	sld [smem:$0x3F97]  }
0x1a: {  	s8 =	sadd.s32 $0xFFFFE003, lr  }
0x1b: {  	s9 =	sadd.s32 $0xFFFFFEF7, lr;
	s5 =	simm.s32 $0xFFFFFFFF;
	p2 =	slt.u32 s8, $0xFFFFF086  }
0x1c: {  	p1 =	slt.u32 s9, $0xF7A;
	s5 =	simm.s32 @!p2 $0x0  }
0x1d: {  	s5 =	simm.s32 @p1 $0x1;
	p0 =	seq.s32 s7, s2  }
0x1e: {  	s7 =	smul.u32 @!p0 $0xF7A, s2;
	p2 =	seq.s32 @!p0 s5, $0x0  }
0x1f: {  	s9 =	smul.u32 $0xF7A, s1;
	s8 =	simm.s32 @!p0 $0x1BF5;
	p2 =	por !p2, p0  }
0x20: {  	[sflag:s8] =	ssyncset.s32 @!p0 $0xFFFFF086;
	s6 =	sadd.s32 @!p0 s3, s7;
	s7 =	simm.s32 @!p0 $0x108  }
0x21: {  	s3 =	sadd.s32 s3, s9;
	s6 =	sadd.s32 @!p0 $0x88, s6;
	s7 =	simm.s32 @p2 $0x1082  }
0x22: {  	[simem:s7], [sflag:s8] =	dma.local @!p0 [hbm:s6], $0xF7A  }
0x23: {  	s9 =	sor.u32 $0xD0000000, s2;
	s6 =	simm.s32 $0x108;
	_ =	swait.ge @!p0 [sflag:s8], $0x0  }
0x24: {  	s3 =	sadd.s32 $0x88, s3;
	s6 =	simm.s32 @!p1 $0x1082;
	[sflag:s4] =	ssyncset.s32 $0xFFFFF086  }
0x25: {  	[simem:s6], [sflag:s4] =	dma.local [hbm:s3], $0xF7A  }
0x26: {  	[smem:$0x3F97] =	sst s1;
	(tag) =	ssettag s2;
	_ =	strace s9  }
0x27: {  	s1 =	sld [smem:$0x3FA7]  }
0x28: {  	s2 =	sld [smem:$0x3FA8]  }
0x29: {  	s4 =	sld [smem:$0x3FAA]  }
0x2a: {  	p0 =	seq.s32 s5, $0x0;
	s5 =	sld [smem:$0x3FAB]  }
0x2b: {  	s6 =	sld [smem:$0x3FAC]  }
0x2c: {  	s7 =	sld [smem:$0x3FAD]  }
0x2d: {  	s3 =	simm.s32 $0x108;
	s8 =	sld [smem:$0x3FAE]  }
0x2e: {  	s3 =	simm.s32 @!p0 $0x1082;
	s9 =	sld [smem:$0x3FAF]  }
0x2f: {  	lr =	sadd.s32 s0, s3;
	s0 =	sld [smem:$0x3FA6]  }
0x30: {  	s3 =	sld [smem:$0x3FA9]  }
0x31: {  	[smem:$0x3FB2] =	sst s10  }
0x32: {  	s10 =	sld [smem:$0x3FB0];
	_ =	sdelay $0x3  }
0x33: {  	p0 =	seq.s32 s10, $0x1;
	s10 =	sld [smem:$0x3FB2];
	_ =	sdelay $0x3  }
0x34: {  	[smem:$0x3FB2] =	sst s10  }
0x35: {  	s10 =	sld [smem:$0x3FB1];
	_ =	sdelay $0x3  }
0x36: {  	p1 =	seq.s32 s10, $0x1;
	s10 =	sld [smem:$0x3FB2];
	_ =	sdelay $0x3  }
0x37: {  	[smem:$0x3FB2] =	sst s10  }
0x38: {  	s10 =	sld [smem:$0x3FB3]  }
0x39: {  	_ = 	snop;
	(pc) =	sbr.ind lr, $3  }
0x3a: {  	_ = 	snop  }
0x3b: {  	_ = 	snop  }
0x3c: {  	p2 =	seq.s32 s10, $0x1;
	s10 =	sld [smem:$0x3FB2]  }
0x3d: {  	_ =	shalt  }
0x3e: {  	_ =	shalt  }
0x3f: {  	_ =	shalt  }
0x40: {  	_ =	shalt  }
0x41: {  	_ =	shalt  }
0x42: {  	_ =	shalt  }
0x43: {  	_ =	shalt  }
0x44: {  	_ =	shalt  }
0x45: {  	_ =	shalt  }
0x46: {  	_ =	shalt  }
0x47: {  	_ =	shalt  }
0x48: {  	_ =	shalt  }
0x49: {  	_ =	shalt  }
0x4a: {  	_ =	shalt  }
0x4b: {  	_ =	shalt  }
0x4c: {  	_ =	shalt  }
0x4d: {  	_ =	shalt  }
0x4e: {  	_ =	shalt  }
0x4f: {  	_ =	shalt  }
0x50: {  	_ =	shalt  }
0x51: {  	_ =	shalt  }
0x52: {  	_ =	shalt  }
0x53: {  	_ =	shalt  }
0x54: {  	_ =	shalt  }
0x55: {  	_ =	shalt  }
0x56: {  	_ =	shalt  }
0x57: {  	_ =	shalt  }
0x58: {  	_ =	shalt  }
0x59: {  	_ =	shalt  }
0x5a: {  	_ =	shalt  }
0x5b: {  	_ =	shalt  }
0x5c: {  	_ =	shalt  }
0x5d: {  	_ =	shalt  }
0x5e: {  	_ =	shalt  }
0x5f: {  	_ =	shalt  }
0x60: {  	_ =	shalt  }
0x61: {  	_ =	shalt  }
0x62: {  	_ =	shalt  }
0x63: {  	_ =	shalt  }
0x64: {  	_ =	shalt  }
0x65: {  	_ =	shalt  }
0x66: {  	_ =	shalt  }
0x67: {  	_ =	shalt  }
0x68: {  	_ =	shalt  }
0x69: {  	_ =	shalt  }
0x6a: {  	_ =	shalt  }
0x6b: {  	_ =	shalt  }
0x6c: {  	_ =	shalt  }
0x6d: {  	_ =	shalt  }
0x6e: {  	_ =	shalt  }
0x6f: {  	_ =	shalt  }
0x70: {  	_ =	shalt  }
0x71: {  	_ =	shalt  }
0x72: {  	_ =	shalt  }
0x73: {  	_ =	shalt  }
0x74: {  	_ =	shalt  }
0x75: {  	_ =	shalt  }
0x76: {  	_ =	shalt  }
0x77: {  	_ =	shalt  }
0x78: {  	_ =	shalt  }
0x79: {  	_ =	shalt  }
0x7a: {  	_ =	shalt  }
0x7b: {  	_ =	shalt  }
0x7c: {  	_ =	shalt  }
0x7d: {  	_ =	shalt  }
0x7e: {  	_ =	shalt  }
0x7f: {  	_ =	shalt  }
0x80: {  	_ =	shalt  }
0x81: {  	_ =	shalt  }
0x82: {  	_ =	shalt  }
0x83: {  	_ =	shalt  }
0x84: {  	_ =	shalt  }
0x85: {  	_ =	shalt  }
0x86: {  	_ =	shalt  }
0x87: {  	_ =	shalt  }
.Lfunc_end0:
.L_simem_size_0:
called_computation.2_lowered:
.L_overlay_start_0:
0x88: {  	s2 =	sld [smem:$0x3FD9]  }
0x89: {  	s3 =	sld [smem:$0x3FFE];
	_ =	sdelay $0x1  }
0x8a: {  	s1 =	srdreg.scid  }
0x8b: {  	s0 =	sand.u32 $0x1, s1  }
0x8c: {  	s14 =	sshll.u32 s0, $0xA;
	s2 =	sadd.s32 s3, s2  }
0x8d: {  	s2 =	sadd.s32 s2, s14  }
0x8e: {  	[smem:$0x3FBE] =	sst s2  }
0x8f: {  	_ = 	snop  }
0x90: {  	s2 =	sld [smem:$0x3FD0];
	_ =	sdelay $0x2  }
0x91: {  	s15 =	simm.s32 $0xA;
	s4 =	simm.s32 $0x10  }
0x92: {  	[smem:s4], [sflag:s15] =	dma.local [hbm:s2], $0x1  }
0x93: {  	_ =	swait.eq [sflag:s15], $0x1  }
0x94: {  	[sflag:s15] =	ssyncset.done $0x0  }
0x95: {  	[sflag:s15] =	ssyncadd.s32 $0xFFFFFFFF  }
0x96: {  	s16 =	sld [smem:$0x11];
	(tm) =	ssettm $0x1  }
0x97: {  	s17 =	sld [smem:$0x3FFB];
	_ =	sdelay $0x3  }
0x98: {  	_ =	strace s17  }
0x99: {  	s3 =	sld [smem:$0x3FFC];
	_ =	sdelay $0x3  }
0x9a: {  	_ =	strace s3  }
0x9b: {  	s3 =	sld [smem:$0x3FFD];
	_ =	sdelay $0x3  }
0x9c: {  	_ =	strace s3  }
0x9d: {  	_ =	strace $0x8FFFFFFF  }
0x9e: {  	s18 =	sld [smem:$0x3FDB];
	_ =	sdelay $0x1  }
0x9f: {  	s19 =	simm.s32 $_scs_section_size  }
0xa0: {  	s5 =	simm.s32 $_size__tile_overlayer_lowered;
	s6 =	simm.s32 $_tile_overlayer_lowered  }
0xa1: {  	s22 =	simm.s32 $0x1BFF;
	s21 =	sshll.u32 s6, $0x1;
	s3 =	sadd.s32 s19, s18  }
0xa2: {  	s7 =	simm.s32 $0x0;
	s20 =	sshll.u32 s5, $0x1;
	s5 =	sadd.s32 s21, s3  }
0xa3: {  	[timem:s7], [sflag:s22] =	dma.local [hbm:s5], s20  }
0xa4: {  	_ =	swait.ge [sflag:s22], s20  }
0xa5: {  	s4 =	ssub.s32 $0x0, s20;
	[sflag:s22] =	ssyncset.done $0x0  }
0xa6: {  	[sflag:s22] =	ssyncadd.s32 s4;
	_ =	sdelay $0x1  }
0xa7: {  	s23 =	simm.s32 $0x1B8B  }
0xa8: {  	_ =	swait.ge [sflag:s23], $0x1  }
0xa9: {  	[sflag:s23] =	ssyncset.done $0x0  }
0xaa: {  	s25 =	simm.s32 $0x1B8E;
	s24 =	sld [smem:$0x3FFE];
	[sflag:s23] =	ssyncadd.s32 $0xFFFFFFFF  }
0xab: {  	s26 =	simm.s32 $execute0_lowered;
	[smem:$0x3FD2] =	sst s25  }
0xac: {  	s5 =	sshll.u32 s26, $0x1;
	_ =	strace $0x8000004C;
	[dreg:$0x1] =	wrdreg $0xFFFFFFFF  }
0xad: {  	s28 =	simm.s32 $_size_execute0_lowered;
	s3 =	sadd.s32 s3, s5;
	[dreg:$0x0] =	wrdreg $0x0  }
0xae: {  	s5 =	sshll.u32 s28, $0x1;
	[dreg:$0x2] =	wrdreg s3  }
0xaf: {  	[dreg:$0x3] =	wrdreg s5  }
0xb0: {  	[dreg:$0x4] =	wrdreg $0xC0  }
0xb1: {  	_ =	task [dreg:s7], $0x5FFFF  }
0xb2: {  	[dreg:$0x1] =	wrdreg $0xFFFFFFFF  }
0xb3: {  	[dreg:$0x0] =	wrdreg $0x60  }
0xb4: {  	[dreg:$0x2] =	wrdreg s16  }
0xb5: {  	[dreg:$0x3] =	wrdreg s24  }
0xb6: {  	[dreg:$0x4] =	wrdreg $0xC2000  }
0xb7: {  	[dreg:$0x5] =	wrdreg $0x9  }
0xb8: {  	_ =	task.clear_ibuf [dreg:s7], $0x6FFFF;
	_ =	strace $0x9000004C  }
0xb9: {  	s29 =	simm.s32 $0x9;
	_ =	strace $0x8000004E  }
0xba: {  	_ =	swait.ge [sflag:s29], $0x1  }
0xbb: {  	[sflag:s29] =	ssyncadd.s32 $0xFFFFFFFF  }
0xbc: {  	_ =	strace $0x9000004E  }
0xbd: {  	_ =	sfence  }
0xbe: {  	s30 =	sld [smem:$0x0];
	_ =	sdelay $0x2  }
0xbf: {  	s31 =	sshll.u32 s1, $0xD;
	s1 =	sshrl.u32 s1, $0x2  }
0xc0: {  	s3 =	sand.u32 $0x4000, s31;
	s1 =	sadd.s32 s1, s30  }
0xc1: {  	s0 =	sor.u32 s3, s0;
	s1 =	sshll.u32 s1, $0x11  }
0xc2: {  	s0 =	sor.u32 s1, s0  }
0xc3: {  	s0 =	sadd.s32 $0x8F2B, s0  }
0xc4: {  	[sflag:s0] =	ssyncadd.remote.s32 $0x1  }
0xc5: {  	_ =	sfence.sel $0xFFFF  }
0xc6: {  	[dreg:$0x0] =	wrdreg $0xFFFFFFFF;
	(pc) =	sbr.abs _section_cstart, $3  }
0xc7: {  	[dreg:$0x1] =	wrdreg $0xFFFFFFFF  }
0xc8: {  	_ =	task.clear_ibuf [dreg:s7], $0x2FFFF;
	_ =	strace $0x9FFFFFFF  }
0xc9: {  	(tm) =	ssettm $0x7FFFFFFF  }
tec
execute0_lowered:
.L_overlay_start_1:
0x0: {  	(tag) =	ssettag $0x1  }
0x1: {  	s1 =	rddreg [dreg:$0x0]  }
0x2: {  	s0 =	rddreg [dreg:$0x1]  }
0x3: {  	s3 =	rddreg [dreg:$0x2];
	s4 =	simm.s32 $0x0  }
0x4: {  	s5 =	srdreg.scid;
	s2 =	stileid.u32;
	s13 =	simm.s32 $0x3F600  }
0x5: {  	s19 =	simm.s32 $0x100;
	s20 =	simm.s32 $0x80;
	s21 =	simm.s32 $0x200  }
0x6: {  	s22 =	simm.s32 $0x4;
	s23 =	simm.s32 $0x180;
	s24 =	simm.s32 $0x4200  }
0x7: {  	s25 =	simm.s32 $0x1;
	s28 =	simm.s32 $0x0;
	[smem:$0x7FF] =	sst s4  }
0x8: {  	s10 =	sand.u32 $0x1, s5;
	s26 =	smul.u32 $0x4F000, s2;
	s14 =	sadd.s32 $0x4200, s0  }
0x9: {  	s15 =	sadd.s32 $0xE000, s0;
	s16 =	sshll.u32 s2, $0x5;
	s18 =	smul.u32 $0x2780, s2  }
0xa: {  	_ =	strace $0x8000004D;
	s6 =	ssub.s32 $0x2, s10;
	s17 =	sshll.u32 s10, $0x4  }
0xb: {  	p0 =	seq.s32 s10, $0x1;
	s31 =	sadd.s32 s16, s14;
	s7 =	sshrl.u32 s6, $0x1  }
0xc: {  	s5 =	sshrl.u32 s26, $0x2;
	s11 =	sor.u32 s17, s16;
	s13 =	simm.s32 @!p0 $0x17E00  }
0xd: {  	p0 =	sgt.u32 s2, $0x1;
	s26 =	simm.s32 $0x2;
	s12 =	ssub.s32 s6, s7  }
0xe: {  	s5 =	sadd.s32 s5, s3;
	s10 =	sadd.s32 s14, s11;
	s11 =	sadd.s32 s15, s11  }
0xf: {  	s0 =	sadd.s32 s13, s0;
	s15 =	sadd.s32 s16, s15;
	s14 =	sadd.s32 s17, s31  }
0x10: {  	s16 =	sor.u32 $0x20, s2;
	s29 =	sadd.s32 $0x4000, s5;
	s30 =	sadd.s32 $0x8000, s5  }
0x11: {  	s8 =	sadd.s32 $0xC000, s5;
	s9 =	sadd.s32 $0x10000, s5;
	s12 =	smax.u32 s12, $0x1  }
0x12: {  	s13 =	sadd.s32 s0, s18;
	s15 =	sadd.s32 s17, s15;
	[dreg:$0x4] =	wrdreg s29  }
0x13: {  	v0 =	vimm.f32 $0.0e+00;
	s17 =	simm.s32 $0x8200;
	s18 =	simm.s32 $0x3;
	[dreg:$0x5] =	wrdreg s30  }
.LBB2_1:
0x14: {  	s29 =	simm.s32 $0x0;
	s30 =	simm.s32 $0x200  }
.LBB2_2:
0x15: {  	p1 =	sne.s32 s30, $0xFE00;
	[tilespmem:s29+$0x8270] =	vst v0  }
0x16: {  	[tilespmem:s29+$0x8200] =	vst v0  }
0x17: {  	[tilespmem:s29+$0x8210] =	vst v0  }
.Ltmp0:
0x18: {  	[tilespmem:s29+$0x8220] =	vst v0;
	(pc) =	sbr.rel @p1 .LBB2_2-.Ltmp0, $4  }
0x19: {  	[tilespmem:s29+$0x8230] =	vst v0  }
0x1a: {  	[tilespmem:s29+$0x8240] =	vst v0  }
0x1b: {  	[tilespmem:s29+$0x8250] =	vst v0  }
0x1c: {  	[tilespmem:s29+$0x8260] =	vst v0;
	s29 =	sshra.s32 s30, $0x2;
	s30 =	sadd.s32 $0x200, s30  }
0x1d: {  	[tilespmem:s29+$0x8270] =	vst v0  }
0x1e: {  	[tilespmem:s29+$0x8200] =	vst v0  }
0x1f: {  	[tilespmem:s29+$0x8210] =	vst v0  }
0x20: {  	[tilespmem:s29+$0x8220] =	vst v0  }
0x21: {  	[tilespmem:s29+$0x8230] =	vst v0  }
0x22: {  	[tilespmem:s29+$0x8240] =	vst v0  }
0x23: {  	[tilespmem:s29+$0x8250] =	vst v0  }
0x24: {  	[tilespmem:s29+$0x8260] =	vst v0  }
0x25: {  	[spmem:s5] =	stream.linear.scatter [tilespmem:s17], [sflag:$0x3], $0x4000, $0x38;
	[tilespmem:$0x1FE00] =	vst v63  }
0x26: {  	_ =	swait.ge [sflag:s18], $0x4000  }
0x27: {  	[sflag:s18] =	ssyncset.done $0x0  }
0x28: {  	s0 =	rddreg [dreg:$0x4];
	[sflag:s18] =	ssyncadd.s32 $0xFFFFC000  }
0x29: {  	[spmem:s0] =	stream.linear.scatter [tilespmem:s17], [sflag:$0x3], $0x4000, $0x38;
	[tilespmem:$0x1FE00] =	vst v63  }
0x2a: {  	_ =	swait.ge [sflag:s18], $0x4000  }
0x2b: {  	[sflag:s18] =	ssyncset.done $0x0  }
0x2c: {  	s7 =	rddreg [dreg:$0x5];
	[sflag:s18] =	ssyncadd.s32 $0xFFFFC000  }
0x2d: {  	[spmem:s7] =	stream.linear.scatter [tilespmem:s17], [sflag:$0x3], $0x4000, $0x38;
	[tilespmem:$0x1FE00] =	vst v63  }
0x2e: {  	_ =	swait.ge [sflag:s18], $0x4000  }
0x2f: {  	[sflag:s18] =	ssyncset.done $0x0  }
0x30: {  	[sflag:s18] =	ssyncadd.s32 $0xFFFFC000  }
0x31: {  	[spmem:s8] =	stream.linear.scatter [tilespmem:s17], [sflag:$0x3], $0x4000, $0x38;
	[tilespmem:$0x1FE00] =	vst v63  }
0x32: {  	_ =	swait.ge [sflag:s18], $0x4000  }
0x33: {  	[sflag:s18] =	ssyncset.done $0x0  }
0x34: {  	[sflag:s18] =	ssyncadd.s32 $0xFFFFC000  }
0x35: {  	[spmem:s9] =	stream.linear.scatter [tilespmem:s17], [sflag:$0x3], $0x3C00, $0x38;
	[tilespmem:$0x1FE00] =	vst v63  }
0x36: {  	_ =	swait.ge [sflag:s18], $0x3C00  }
0x37: {  	[sflag:s18] =	ssyncset.done $0x0  }
0x38: {  	[sflag:s18] =	ssyncadd.s32 $0xFFFFC400  }
0x39: {  	s2 =	simm.s32 $0x0;
	[bflag:$0x0] =	sbarrier.arrive $0xFFFF  }
0x3a: {  	[tilespmem:s2], [sflag:$0x3] =	stream.linear.gather [hbm4b:s10+s2], $0x80, $0x38;
	[tilespmem:$0x1FE00] =	vst v63  }
0x3b: {  	_ =	swait.ge [sflag:s18], $0x80  }
0x3c: {  	[sflag:s18] =	ssyncset.done $0x0  }
0x3d: {  	[sflag:s18] =	ssyncadd.s32 $0xFFFFFF80  }
0x3e: {  	[tilespmem:s19], [sflag:$0x3] =	stream.linear.gather [hbm4b:s11+s2], $0x80, $0x38;
	[tilespmem:$0x1FE00] =	vst v63  }
0x3f: {  	_ =	swait.ge [sflag:s18], $0x80  }
0x40: {  	[sflag:s18] =	ssyncset.done $0x0  }
0x41: {  	s6 =	sadd.s32 $0x0, s14;
	[sflag:s18] =	ssyncadd.s32 $0xFFFFFF80  }
0x42: {  	[tilespmem:s21], [sflag:$0x1] =	stream.indirect.gather [hbm4b:s1+s20], $0x80, s2, s20, $0xb8;
	[tilespmem:$0x1FE00] =	vst v63  }
0x43: {  	s0 =	sadd.s32 $0x200, s6  }
0x44: {  	[tilespmem:s20], [sflag:$0x4] =	stream.linear.gather [hbm4b:s0+s4], $0x80, $0x38;
	[tilespmem:$0x1FE00] =	vst v63  }
0x45: {  	_ =	swait.ge [sflag:s22], $0x80  }
0x46: {  	s7 =	sadd.s32 $0x0, s15;
	[sflag:s22] =	ssyncset.done $0x0  }
0x47: {  	s0 =	sadd.s32 $0x200, s7;
	[sflag:s22] =	ssyncadd.s32 $0xFFFFFF80  }
0x48: {  	[tilespmem:s23], [sflag:$0x4] =	stream.linear.gather [hbm4b:s0+s4], $0x80, $0x38;
	[tilespmem:$0x1FE00] =	vst v63  }
0x49: {  	_ =	swait.ge [sflag:s22], $0x80  }
0x4a: {  	[sflag:s22] =	ssyncset.done $0x0  }
0x4b: {  	[sflag:s22] =	ssyncadd.s32 $0xFFFFFF80  }
0x4c: {  	[tilespmem:s24], [sflag:$0x2] =	stream.indirect.gather [hbm4b:s1+s20], $0x80, s20, s20, $0xb8;
	[tilespmem:$0x1FE00] =	vst v63  }
0x4d: {  	_ =	swait.ge [sflag:s25], $0x4000  }
0x4e: {  	[sflag:s25] =	ssyncset.done $0x0  }
0x4f: {  	[sflag:s25] =	ssyncadd.s32 $0xFFFFC000  }
0x50: {  	[spmem:s3] =	stream.indirect.scatter.add.f32 [tilespmem:s21], [sflag:$0x4], $0x80, s19, s20, $0xb8;
	[tilespmem:$0x1FE00] =	vst v63  }
0x51: {  	p1 =	sgt.u32 s16, $0x4E1;
	_ =	swait.ge [sflag:s22], $0x4000  }
0x52: {  	s29 =	simm.s32 @!p1 $0x4;
	s0 =	sadd.s32 @!p1 $0x0, s14;
	[sflag:s22] =	ssyncset.done $0x0  }
0x53: {  	s30 =	simm.s32 @!p1 $0x0;
	s0 =	sadd.s32 @!p1 $0x400, s0;
	[sflag:s22] =	ssyncadd.s32 $0xFFFFC000  }
0x54: {  	[tilespmem:s30], [sflag:$0x4] =	stream.linear.gather @!p1 [hbm4b:s0+s30], $0x80, $0x38;
	[tilespmem:$0x1FE00] =	vst v63  }
0x55: {  	_ =	swait.ge @!p1 [sflag:s29], $0x80  }
0x56: {  	s0 =	sadd.s32 @!p1 $0x0, s15;
	[sflag:s29] =	ssyncset.done @!p1 $0x0  }
0x57: {  	s31 =	simm.s32 @!p1 $0x100;
	s0 =	sadd.s32 @!p1 $0x400, s0;
	[sflag:s29] =	ssyncadd.s32 @!p1 $0xFFFFFF80  }
0x58: {  	[tilespmem:s31], [sflag:$0x4] =	stream.linear.gather @!p1 [hbm4b:s0+s30], $0x80, $0x38;
	[tilespmem:$0x1FE00] =	vst v63  }
0x59: {  	_ =	swait.ge @!p1 [sflag:s29], $0x80  }
0x5a: {  	[sflag:s29] =	ssyncset.done @!p1 $0x0  }
0x5b: {  	s0 =	simm.s32 @!p1 $0x80;
	[sflag:s29] =	ssyncadd.s32 @!p1 $0xFFFFFF80;
	s29 =	simm.s32 @!p1 $0x200  }
0x5c: {  	[tilespmem:s29], [sflag:$0x1] =	stream.indirect.gather @!p1 [hbm4b:s1+s0], $0x80, s30, s0, $0xb8;
	[tilespmem:$0x1FE00] =	vst v63  }
0x5d: {  	_ =	swait.ge [sflag:s26], $0x4000  }
0x5e: {  	[sflag:s26] =	ssyncset.done $0x0  }
0x5f: {  	[sflag:s26] =	ssyncadd.s32 $0xFFFFC000  }
0x60: {  	[spmem:s3] =	stream.indirect.scatter.add.f32 [tilespmem:s24], [sflag:$0x3], $0x80, s23, s20, $0xb8;
	[tilespmem:$0x1FE00] =	vst v63  }
0x61: {  	s31 =	simm.s32 $0x800;
	s29 =	simm.s32 $0x400;
	_ =	swait.ge [sflag:s18], $0x4000  }
0x62: {  	s0 =	sadd.s32 $0x400, s14;
	s30 =	sadd.s32 $0x20, s16;
	[sflag:s18] =	ssyncset.done $0x0  }
.LBB2_4:
0x63: {  	s0 =	sadd.s32 $0x200, s0  }
0x64: {  	[sflag:s18] =	ssyncadd.s32 $0xFFFFC000;
	s2 =	smov.u32 s31;
	s31 =	sadd.s32 $0x400, s31  }
0x65: {  	[tilespmem:s20], [sflag:$0x4] =	stream.linear.gather [hbm4b:s0+s4], $0x80, $0x38;
	[tilespmem:$0x1FE00] =	vst v63  }
0x66: {  	p1 =	sne.s32 s31, $0x9C00;
	_ =	swait.ge [sflag:s22], $0x80  }
0x67: {  	s0 =	sadd.s32 s29, s15;
	[sflag:s22] =	ssyncset.done $0x0  }
0x68: {  	s0 =	sadd.s32 $0x200, s0;
	[sflag:s22] =	ssyncadd.s32 $0xFFFFFF80  }
0x69: {  	[tilespmem:s23], [sflag:$0x4] =	stream.linear.gather [hbm4b:s0+s4], $0x80, $0x38;
	[tilespmem:$0x1FE00] =	vst v63  }
0x6a: {  	_ =	swait.ge [sflag:s22], $0x80  }
0x6b: {  	[sflag:s22] =	ssyncset.done $0x0  }
0x6c: {  	[sflag:s22] =	ssyncadd.s32 $0xFFFFFF80  }
0x6d: {  	[tilespmem:s24], [sflag:$0x2] =	stream.indirect.gather [hbm4b:s1+s20], $0x80, s20, s20, $0xb8;
	[tilespmem:$0x1FE00] =	vst v63  }
0x6e: {  	_ =	swait.ge [sflag:s25], $0x4000  }
0x6f: {  	[sflag:s25] =	ssyncset.done $0x0  }
0x70: {  	[sflag:s25] =	ssyncadd.s32 $0xFFFFC000  }
0x71: {  	[spmem:s3] =	stream.indirect.scatter.add.f32 [tilespmem:s21], [sflag:$0x4], $0x80, s19, s20, $0xb8;
	[tilespmem:$0x1FE00] =	vst v63  }
0x72: {  	p2 =	sgt.u32 s30, $0x4E1;
	_ =	swait.ge [sflag:s22], $0x4000  }
0x73: {  	s6 =	simm.s32 @!p2 $0x4;
	s0 =	sadd.s32 @!p2 s29, s14;
	[sflag:s22] =	ssyncset.done $0x0  }
0x74: {  	s7 =	simm.s32 @!p2 $0x0;
	s0 =	sadd.s32 @!p2 $0x400, s0;
	[sflag:s22] =	ssyncadd.s32 $0xFFFFC000  }
0x75: {  	[tilespmem:s7], [sflag:$0x4] =	stream.linear.gather @!p2 [hbm4b:s0+s7], $0x80, $0x38;
	[tilespmem:$0x1FE00] =	vst v63  }
0x76: {  	s0 =	sadd.s32 @!p2 s29, s15;
	s29 =	smov.u32 s2;
	_ =	swait.ge @!p2 [sflag:s6], $0x80  }
0x77: {  	s0 =	sadd.s32 @!p2 $0x400, s0;
	[sflag:s6] =	ssyncset.done @!p2 $0x0  }
0x78: {  	s2 =	simm.s32 @!p2 $0x100;
	[sflag:s6] =	ssyncadd.s32 @!p2 $0xFFFFFF80  }
0x79: {  	[tilespmem:s2], [sflag:$0x4] =	stream.linear.gather @!p2 [hbm4b:s0+s7], $0x80, $0x38;
	[tilespmem:$0x1FE00] =	vst v63  }
0x7a: {  	_ =	swait.ge @!p2 [sflag:s6], $0x80  }
0x7b: {  	[sflag:s6] =	ssyncset.done @!p2 $0x0  }
0x7c: {  	s0 =	simm.s32 @!p2 $0x80;
	s2 =	simm.s32 @!p2 $0x200;
	[sflag:s6] =	ssyncadd.s32 @!p2 $0xFFFFFF80  }
0x7d: {  	[tilespmem:s2], [sflag:$0x1] =	stream.indirect.gather @!p2 [hbm4b:s1+s0], $0x80, s7, s0, $0xb8;
	[tilespmem:$0x1FE00] =	vst v63  }
0x7e: {  	_ =	swait.ge [sflag:s26], $0x4000  }
.Ltmp1:
0x7f: {  	[sflag:s26] =	ssyncset.done $0x0;
	(pc) =	sbr.rel @p1 .LBB2_4-.Ltmp1, $4  }
0x80: {  	[sflag:s26] =	ssyncadd.s32 $0xFFFFC000  }
0x81: {  	[spmem:s3] =	stream.indirect.scatter.add.f32 [tilespmem:s24], [sflag:$0x3], $0x80, s23, s20, $0xb8;
	[tilespmem:$0x1FE00] =	vst v63  }
0x82: {  	_ =	swait.ge [sflag:s18], $0x4000  }
0x83: {  	s30 =	sadd.s32 $0x20, s30;
	s0 =	sadd.s32 s29, s14;
	[sflag:s18] =	ssyncset.done $0x0  }
0x84: {  	s0 =	sadd.s32 $0x200, s0;
	[sflag:s18] =	ssyncadd.s32 $0xFFFFC000  }
0x85: {  	[tilespmem:s20], [sflag:$0x4] =	stream.linear.gather [hbm4b:s0+s4], $0x80, $0x38;
	[tilespmem:$0x1FE00] =	vst v63  }
0x86: {  	_ =	swait.ge [sflag:s22], $0x80  }
0x87: {  	s7 =	sadd.s32 s29, s15;
	[sflag:s22] =	ssyncset.done $0x0  }
0x88: {  	s0 =	sadd.s32 $0x200, s7;
	[sflag:s22] =	ssyncadd.s32 $0xFFFFFF80  }
0x89: {  	[tilespmem:s23], [sflag:$0x4] =	stream.linear.gather [hbm4b:s0+s4], $0x80, $0x38;
	[tilespmem:$0x1FE00] =	vst v63  }
0x8a: {  	_ =	swait.ge [sflag:s22], $0x80  }
0x8b: {  	[sflag:s22] =	ssyncset.done $0x0  }
0x8c: {  	[sflag:s22] =	ssyncadd.s32 $0xFFFFFF80  }
0x8d: {  	[tilespmem:s24], [sflag:$0x2] =	stream.indirect.gather [hbm4b:s1+s20], $0x80, s20, s20, $0xb8;
	[tilespmem:$0x1FE00] =	vst v63  }
0x8e: {  	_ =	swait.ge [sflag:s25], $0x4000  }
0x8f: {  	[sflag:s25] =	ssyncset.done $0x0  }
0x90: {  	[sflag:s25] =	ssyncadd.s32 $0xFFFFC000  }
0x91: {  	[spmem:s3] =	stream.indirect.scatter.add.f32 [tilespmem:s21], [sflag:$0x4], $0x80, s19, s20, $0xb8;
	[tilespmem:$0x1FE00] =	vst v63  }
0x92: {  	p1 =	sgt.u32 s30, $0x4E1;
	_ =	swait.ge [sflag:s22], $0x4000  }
0x93: {  	s2 =	simm.s32 @!p1 $0x4;
	s0 =	sadd.s32 @!p1 s29, s14;
	[sflag:s22] =	ssyncset.done $0x0  }
0x94: {  	s6 =	simm.s32 @!p1 $0x0;
	s0 =	sadd.s32 @!p1 $0x400, s0;
	[sflag:s22] =	ssyncadd.s32 $0xFFFFC000  }
0x95: {  	[tilespmem:s6], [sflag:$0x4] =	stream.linear.gather @!p1 [hbm4b:s0+s6], $0x80, $0x38;
	[tilespmem:$0x1FE00] =	vst v63  }
0x96: {  	_ =	swait.ge @!p1 [sflag:s2], $0x80  }
0x97: {  	s0 =	sadd.s32 @!p1 s29, s15;
	[sflag:s2] =	ssyncset.done @!p1 $0x0  }
0x98: {  	s7 =	simm.s32 @!p1 $0x100;
	s0 =	sadd.s32 @!p1 $0x400, s0;
	[sflag:s2] =	ssyncadd.s32 @!p1 $0xFFFFFF80  }
0x99: {  	[tilespmem:s7], [sflag:$0x4] =	stream.linear.gather @!p1 [hbm4b:s0+s6], $0x80, $0x38;
	[tilespmem:$0x1FE00] =	vst v63  }
0x9a: {  	_ =	swait.ge @!p1 [sflag:s2], $0x80  }
0x9b: {  	[sflag:s2] =	ssyncset.done @!p1 $0x0  }
0x9c: {  	s0 =	simm.s32 @!p1 $0x80;
	[sflag:s2] =	ssyncadd.s32 @!p1 $0xFFFFFF80;
	s2 =	simm.s32 @!p1 $0x200  }
0x9d: {  	[tilespmem:s2], [sflag:$0x1] =	stream.indirect.gather @!p1 [hbm4b:s1+s0], $0x80, s6, s0, $0xb8;
	[tilespmem:$0x1FE00] =	vst v63  }
0x9e: {  	_ =	swait.ge [sflag:s26], $0x4000  }
0x9f: {  	[sflag:s26] =	ssyncset.done $0x0  }
0xa0: {  	[sflag:s26] =	ssyncadd.s32 $0xFFFFC000  }
0xa1: {  	[spmem:s3] =	stream.indirect.scatter.add.f32 [tilespmem:s24], [sflag:$0x3], $0x80, s23, s20, $0xb8;
	[tilespmem:$0x1FE00] =	vst v63  }
0xa2: {  	_ =	swait.ge [sflag:s18], $0x4000  }
0xa3: {  	[sflag:s18] =	ssyncset.done $0x0  }
0xa4: {  	s0 =	simm.s32 @!p0 $0x1;
	[sflag:s18] =	ssyncadd.s32 $0xFFFFC000  }
0xa5: {  	_ =	swait.ge @!p0 [sflag:s0], $0x4000  }
0xa6: {  	s2 =	simm.s32 @!p0 $0x100;
	[sflag:s0] =	ssyncset.done @!p0 $0x0  }
0xa7: {  	s6 =	simm.s32 @!p0 $0x200;
	[sflag:s0] =	ssyncadd.s32 @!p0 $0xFFFFC000;
	s0 =	simm.s32 @!p0 $0x80  }
0xa8: {  	[spmem:s3] =	stream.indirect.scatter.add.f32 @!p0 [tilespmem:s6], [sflag:$0x4], $0x80, s2, s0, $0xb8;
	[tilespmem:$0x1FE00] =	vst v63  }
0xa9: {  	s0 =	simm.s32 @!p0 $0x4  }
0xaa: {  	s30 =	stileid.u32;
	_ =	swait.ge @!p0 [sflag:s0], $0x4000  }
0xab: {  	s31 =	sshrl.u32 s5, $0x3;
	s28 =	sadd.s32 $0x1, s28;
	[sflag:s0] =	ssyncset.done @!p0 $0x0  }
0xac: {  	p1 =	sne.s32 s28, s12;
	[sflag:s0] =	ssyncadd.s32 @!p0 $0xFFFFC000;
	s0 =	sshll.u32 s30, $0x6  }
.Ltmp2:
0xad: {  	[bflag:$0x0] =	sbarrier.arrive $0xFFFF;
	s0 =	sor.u32 $0x1C03, s0;
	(pc) =	sbr.rel @p1 .LBB2_1-.Ltmp2, $4  }
0xae: {  	[hbm:s13], [sflag:s0] =	dma.local [spmem:s31], $0x2780  }
0xaf: {  	_ =	swait.ge [sflag:s18], $0x2780  }
0xb0: {  	[sflag:s18] =	ssyncset.done $0x0  }
0xb1: {  	[sflag:s18] =	ssyncadd.s32 $0xFFFFD880  }
0xb2: {  	_ =	sfence.sel $0x180000  }
0xb3: {  	[bflag:$0x0] =	sbarrier.arrive $0xFFFF  }
0xb4: {  	_ =	strace $0x9000004D  }
0xb5: {  	s0 =	stileid.u32;
	[bflag:$0x2] =	sbarrier.arrive $0xFFFF  }
0xb6: {  	p0 =	sne.s32 s0, $0x0;
	s0 =	rddreg [dreg:$0x3]  }
0xb7: {  	s0 =	sadd.s32 @!p0 $0x100000, s0  }
0xb8: {  	[sflag:s0] =	ssyncadd.tile.s32 @!p0 $0x1;
	_ =	shalt  }
.Lfunc_end2:
_tile_overlayer_lowered:
.L_overlay_start_2:
0xb9: {  	(tag) =	ssettag $0x2  }
0xba: {  	s0 =	rddreg [dreg:$0x0];
	s2 =	stileid.u32  }
0xbb: {  	s1 =	rddreg [dreg:$0x1];
	p0 =	sne.s32 s2, $0x0  }
0xbc: {  	s3 =	rddreg [dreg:$0x2];
	[bflag:$0x3] =	sbarrier.arrive $0xFFFF;
	s2 =	simm.s32 @!p0 $0x1C03  }
0xbd: {  	[timem:s3], [sflag:s2] =	dma.local @!p0 [hbm:s0], s1  }
0xbe: {  	s0 =	simm.s32 @!p0 $0x3  }
0xbf: {  	_ =	swait.ge @!p0 [sflag:s0], s1  }
0xc0: {  	s1 =	ssub.s32 @!p0 $0x0, s1;
	[sflag:s0] =	ssyncset.done @!p0 $0x0  }
0xc1: {  	[sflag:s0] =	ssyncadd.s32 @!p0 s1  }
0xc2: {  	[bflag:$0x3] =	sbarrier.arrive $0xFFFF  }
0xc3: {  	_ =	shalt  }

// kernel: kernel.8.cloned.1.call-start
scs
__scs_entry_jumppad:
0x0: {  	(pc) =	sbr.rel $0x88, $3  }
0x1: {  	(tag) =	ssettag $0x0;
	lr =	simm.s32 $0x1  }
0x2: {  	[smem:$0x3F97] =	sst lr;
	_ =	strace $0xD0000000  }
0x3: {  	_ = 	snop  }
0x4: {  	_ = 	snop  }
0x5: {  	_ = 	snop  }
0x6: {  	_ = 	snop  }
0x7: {  	_ = 	snop  }
__scs_overlays_trampoline_lowered:
0x8: {  	[smem:$0x3FA6] =	sst s0  }
0x9: {  	[smem:$0x3FA7] =	sst s1  }
0xa: {  	[smem:$0x3FA8] =	sst s2  }
0xb: {  	[smem:$0x3FA9] =	sst s3  }
0xc: {  	[smem:$0x3FAA] =	sst s4  }
0xd: {  	[smem:$0x3FAB] =	sst s5  }
0xe: {  	[smem:$0x3FAC] =	sst s6  }
0xf: {  	[smem:$0x3FAD] =	sst s7  }
0x10: {  	[smem:$0x3FAE] =	sst s8  }
0x11: {  	[smem:$0x3FAF] =	sst s9;
	s0 =	simm.s32 @!p0 $0x0  }
0x12: {  	s1 =	sld [smem:$0x3F95];
	s0 =	simm.s32 @p0 $0x1  }
0x13: {  	[smem:$0x3FB0] =	sst s0;
	s0 =	simm.s32 @!p1 $0x0  }
0x14: {  	s2 =	sld [smem:$0x3F94];
	s0 =	simm.s32 @p1 $0x1  }
0x15: {  	[smem:$0x3FB1] =	sst s0;
	s0 =	simm.s32 @!p2 $0x0  }
0x16: {  	s3 =	sld [smem:$0x3FDB];
	s0 =	simm.s32 @p2 $0x1  }
0x17: {  	s4 =	simm.s32 $0x1BF5;
	[smem:$0x3FB3] =	sst s0  }
0x18: {  	s0 =	sld [smem:$0x3F96];
	_ =	swait.ge [sflag:s4], $0x0  }
0x19: {  	s7 =	sld [smem:$0x3F97]  }
0x1a: {  	s8 =	sadd.s32 $0xFFFFE003, lr  }
0x1b: {  	s9 =	sadd.s32 $0xFFFFFEF7, lr;
	s5 =	simm.s32 $0xFFFFFFFF;
	p2 =	slt.u32 s8, $0xFFFFF086  }
0x1c: {  	p1 =	slt.u32 s9, $0xF7A;
	s5 =	simm.s32 @!p2 $0x0  }
0x1d: {  	s5 =	simm.s32 @p1 $0x1;
	p0 =	seq.s32 s7, s2  }
0x1e: {  	s7 =	smul.u32 @!p0 $0xF7A, s2;
	p2 =	seq.s32 @!p0 s5, $0x0  }
0x1f: {  	s9 =	smul.u32 $0xF7A, s1;
	s8 =	simm.s32 @!p0 $0x1BF5;
	p2 =	por !p2, p0  }
0x20: {  	[sflag:s8] =	ssyncset.s32 @!p0 $0xFFFFF086;
	s6 =	sadd.s32 @!p0 s3, s7;
	s7 =	simm.s32 @!p0 $0x108  }
0x21: {  	s3 =	sadd.s32 s3, s9;
	s6 =	sadd.s32 @!p0 $0x88, s6;
	s7 =	simm.s32 @p2 $0x1082  }
0x22: {  	[simem:s7], [sflag:s8] =	dma.local @!p0 [hbm:s6], $0xF7A  }
0x23: {  	s9 =	sor.u32 $0xD0000000, s2;
	s6 =	simm.s32 $0x108;
	_ =	swait.ge @!p0 [sflag:s8], $0x0  }
0x24: {  	s3 =	sadd.s32 $0x88, s3;
	s6 =	simm.s32 @!p1 $0x1082;
	[sflag:s4] =	ssyncset.s32 $0xFFFFF086  }
0x25: {  	[simem:s6], [sflag:s4] =	dma.local [hbm:s3], $0xF7A  }
0x26: {  	[smem:$0x3F97] =	sst s1;
	(tag) =	ssettag s2;
	_ =	strace s9  }
0x27: {  	s1 =	sld [smem:$0x3FA7]  }
0x28: {  	s2 =	sld [smem:$0x3FA8]  }
0x29: {  	s4 =	sld [smem:$0x3FAA]  }
0x2a: {  	p0 =	seq.s32 s5, $0x0;
	s5 =	sld [smem:$0x3FAB]  }
0x2b: {  	s6 =	sld [smem:$0x3FAC]  }
0x2c: {  	s7 =	sld [smem:$0x3FAD]  }
0x2d: {  	s3 =	simm.s32 $0x108;
	s8 =	sld [smem:$0x3FAE]  }
0x2e: {  	s3 =	simm.s32 @!p0 $0x1082;
	s9 =	sld [smem:$0x3FAF]  }
0x2f: {  	lr =	sadd.s32 s0, s3;
	s0 =	sld [smem:$0x3FA6]  }
0x30: {  	s3 =	sld [smem:$0x3FA9]  }
0x31: {  	[smem:$0x3FB2] =	sst s10  }
0x32: {  	s10 =	sld [smem:$0x3FB0];
	_ =	sdelay $0x3  }
0x33: {  	p0 =	seq.s32 s10, $0x1;
	s10 =	sld [smem:$0x3FB2];
	_ =	sdelay $0x3  }
0x34: {  	[smem:$0x3FB2] =	sst s10  }
0x35: {  	s10 =	sld [smem:$0x3FB1];
	_ =	sdelay $0x3  }
0x36: {  	p1 =	seq.s32 s10, $0x1;
	s10 =	sld [smem:$0x3FB2];
	_ =	sdelay $0x3  }
0x37: {  	[smem:$0x3FB2] =	sst s10  }
0x38: {  	s10 =	sld [smem:$0x3FB3]  }
0x39: {  	_ = 	snop;
	(pc) =	sbr.ind lr, $3  }
0x3a: {  	_ = 	snop  }
0x3b: {  	_ = 	snop  }
0x3c: {  	p2 =	seq.s32 s10, $0x1;
	s10 =	sld [smem:$0x3FB2]  }
0x3d: {  	_ =	shalt  }
0x3e: {  	_ =	shalt  }
0x3f: {  	_ =	shalt  }
0x40: {  	_ =	shalt  }
0x41: {  	_ =	shalt  }
0x42: {  	_ =	shalt  }
0x43: {  	_ =	shalt  }
0x44: {  	_ =	shalt  }
0x45: {  	_ =	shalt  }
0x46: {  	_ =	shalt  }
0x47: {  	_ =	shalt  }
0x48: {  	_ =	shalt  }
0x49: {  	_ =	shalt  }
0x4a: {  	_ =	shalt  }
0x4b: {  	_ =	shalt  }
0x4c: {  	_ =	shalt  }
0x4d: {  	_ =	shalt  }
0x4e: {  	_ =	shalt  }
0x4f: {  	_ =	shalt  }
0x50: {  	_ =	shalt  }
0x51: {  	_ =	shalt  }
0x52: {  	_ =	shalt  }
0x53: {  	_ =	shalt  }
0x54: {  	_ =	shalt  }
0x55: {  	_ =	shalt  }
0x56: {  	_ =	shalt  }
0x57: {  	_ =	shalt  }
0x58: {  	_ =	shalt  }
0x59: {  	_ =	shalt  }
0x5a: {  	_ =	shalt  }
0x5b: {  	_ =	shalt  }
0x5c: {  	_ =	shalt  }
0x5d: {  	_ =	shalt  }
0x5e: {  	_ =	shalt  }
0x5f: {  	_ =	shalt  }
0x60: {  	_ =	shalt  }
0x61: {  	_ =	shalt  }
0x62: {  	_ =	shalt  }
0x63: {  	_ =	shalt  }
0x64: {  	_ =	shalt  }
0x65: {  	_ =	shalt  }
0x66: {  	_ =	shalt  }
0x67: {  	_ =	shalt  }
0x68: {  	_ =	shalt  }
0x69: {  	_ =	shalt  }
0x6a: {  	_ =	shalt  }
0x6b: {  	_ =	shalt  }
0x6c: {  	_ =	shalt  }
0x6d: {  	_ =	shalt  }
0x6e: {  	_ =	shalt  }
0x6f: {  	_ =	shalt  }
0x70: {  	_ =	shalt  }
0x71: {  	_ =	shalt  }
0x72: {  	_ =	shalt  }
0x73: {  	_ =	shalt  }
0x74: {  	_ =	shalt  }
0x75: {  	_ =	shalt  }
0x76: {  	_ =	shalt  }
0x77: {  	_ =	shalt  }
0x78: {  	_ =	shalt  }
0x79: {  	_ =	shalt  }
0x7a: {  	_ =	shalt  }
0x7b: {  	_ =	shalt  }
0x7c: {  	_ =	shalt  }
0x7d: {  	_ =	shalt  }
0x7e: {  	_ =	shalt  }
0x7f: {  	_ =	shalt  }
0x80: {  	_ =	shalt  }
0x81: {  	_ =	shalt  }
0x82: {  	_ =	shalt  }
0x83: {  	_ =	shalt  }
0x84: {  	_ =	shalt  }
0x85: {  	_ =	shalt  }
0x86: {  	_ =	shalt  }
0x87: {  	_ =	shalt  }
.Lfunc_end0:
.L_simem_size_0:
called_computation_lowered:
.L_overlay_start_0:
0x88: {  	s2 =	sld [smem:$0x3FD9]  }
0x89: {  	s3 =	sld [smem:$0x3FFE];
	_ =	sdelay $0x1  }
0x8a: {  	s1 =	srdreg.scid  }
0x8b: {  	s0 =	sand.u32 $0x1, s1  }
0x8c: {  	s15 =	sshll.u32 s0, $0xA;
	s2 =	sadd.s32 s3, s2  }
0x8d: {  	s2 =	sadd.s32 s2, s15  }
0x8e: {  	[smem:$0x3FBE] =	sst s2  }
0x8f: {  	_ = 	snop  }
0x90: {  	s2 =	sld [smem:$0x3FD0];
	_ =	sdelay $0x2  }
0x91: {  	s16 =	simm.s32 $0xA;
	s4 =	simm.s32 $0x10  }
0x92: {  	[smem:s4], [sflag:s16] =	dma.local [hbm:s2], $0x1  }
0x93: {  	_ =	swait.eq [sflag:s16], $0x1  }
0x94: {  	[sflag:s16] =	ssyncset.done $0x0  }
0x95: {  	s17 =	sld [smem:$0x10];
	[sflag:s16] =	ssyncadd.s32 $0xFFFFFFFF  }
0x96: {  	s18 =	sld [smem:$0x11];
	(tm) =	ssettm $0x1  }
0x97: {  	s19 =	sld [smem:$0x3FFB];
	_ =	sdelay $0x3  }
0x98: {  	_ =	strace s19  }
0x99: {  	s4 =	sld [smem:$0x3FFC];
	_ =	sdelay $0x3  }
0x9a: {  	_ =	strace s4  }
0x9b: {  	s4 =	sld [smem:$0x3FFD];
	_ =	sdelay $0x3  }
0x9c: {  	_ =	strace s4  }
0x9d: {  	_ =	strace $0x8FFFFFFF  }
0x9e: {  	s20 =	sld [smem:$0x3FDB];
	_ =	sdelay $0x1  }
0x9f: {  	s5 =	simm.s32 $_scs_section_size  }
0xa0: {  	s6 =	simm.s32 $_size__tile_overlayer_lowered;
	s7 =	simm.s32 $_tile_overlayer_lowered  }
0xa1: {  	s23 =	simm.s32 $0x1BFF;
	s22 =	sshll.u32 s7, $0x1;
	s4 =	sadd.s32 s5, s20  }
0xa2: {  	s8 =	simm.s32 $0x0;
	s21 =	sshll.u32 s6, $0x1;
	s6 =	sadd.s32 s22, s4  }
0xa3: {  	[timem:s8], [sflag:s23] =	dma.local [hbm:s6], s21  }
0xa4: {  	_ =	swait.ge [sflag:s23], s21  }
0xa5: {  	s5 =	ssub.s32 $0x0, s21;
	[sflag:s23] =	ssyncset.done $0x0  }
0xa6: {  	[sflag:s23] =	ssyncadd.s32 s5;
	_ =	sdelay $0x1  }
0xa7: {  	s24 =	simm.s32 $0x1B8B  }
0xa8: {  	_ =	swait.ge [sflag:s24], $0x1  }
0xa9: {  	[sflag:s24] =	ssyncset.done $0x0  }
0xaa: {  	s25 =	simm.s32 $0x1B8E;
	[sflag:s24] =	ssyncadd.s32 $0xFFFFFFFF  }
0xab: {  	s26 =	simm.s32 $execute0_lowered;
	[smem:$0x3FD2] =	sst s25  }
0xac: {  	s5 =	sshll.u32 s26, $0x1;
	_ =	strace $0x80000046;
	[dreg:$0x1] =	wrdreg $0xFFFFFFFF  }
0xad: {  	s28 =	simm.s32 $_size_execute0_lowered;
	s4 =	sadd.s32 s4, s5;
	[dreg:$0x0] =	wrdreg $0x0  }
0xae: {  	s5 =	sshll.u32 s28, $0x1;
	[dreg:$0x2] =	wrdreg s4  }
0xaf: {  	[dreg:$0x3] =	wrdreg s5  }
0xb0: {  	[dreg:$0x4] =	wrdreg $0xC0  }
0xb1: {  	_ =	task [dreg:s8], $0x5FFFF  }
0xb2: {  	[dreg:$0x1] =	wrdreg $0xFFFFFFFF  }
0xb3: {  	[dreg:$0x0] =	wrdreg $0x60  }
0xb4: {  	[dreg:$0x2] =	wrdreg s18  }
0xb5: {  	[dreg:$0x3] =	wrdreg s17  }
0xb6: {  	[dreg:$0x4] =	wrdreg $0x2F000  }
0xb7: {  	[dreg:$0x5] =	wrdreg $0x9  }
0xb8: {  	_ =	task.clear_ibuf [dreg:s8], $0x6FFFF;
	_ =	strace $0x90000046  }
0xb9: {  	s29 =	simm.s32 $0x9;
	_ =	strace $0x80000048  }
0xba: {  	_ =	swait.ge [sflag:s29], $0x1  }
0xbb: {  	[sflag:s29] =	ssyncadd.s32 $0xFFFFFFFF  }
0xbc: {  	_ =	strace $0x90000048  }
0xbd: {  	_ =	sfence  }
0xbe: {  	s30 =	sld [smem:$0x0];
	_ =	sdelay $0x2  }
0xbf: {  	s31 =	sshll.u32 s1, $0xD;
	s1 =	sshrl.u32 s1, $0x2  }
0xc0: {  	s3 =	sand.u32 $0x4000, s31;
	s1 =	sadd.s32 s1, s30  }
0xc1: {  	s0 =	sor.u32 s3, s0;
	s1 =	sshll.u32 s1, $0x11  }
0xc2: {  	s0 =	sor.u32 s1, s0  }
0xc3: {  	s0 =	sadd.s32 $0x8F2B, s0  }
0xc4: {  	[sflag:s0] =	ssyncadd.remote.s32 $0x1  }
0xc5: {  	_ =	sfence.sel $0xFFFF  }
0xc6: {  	[dreg:$0x0] =	wrdreg $0xFFFFFFFF;
	(pc) =	sbr.abs _section_cstart, $3  }
0xc7: {  	[dreg:$0x1] =	wrdreg $0xFFFFFFFF  }
0xc8: {  	_ =	task.clear_ibuf [dreg:s8], $0x2FFFF;
	_ =	strace $0x9FFFFFFF  }
0xc9: {  	(tm) =	ssettm $0x7FFFFFFF  }
tec
execute0_lowered:
.L_overlay_start_1:
0x0: {  	(tag) =	ssettag $0x1  }
0x1: {  	s4 =	rddreg [dreg:$0x0]  }
0x2: {  	s5 =	rddreg [dreg:$0x1];
	s0 =	srdreg.scid  }
0x3: {  	s1 =	rddreg [dreg:$0x2];
	s19 =	stileid.u32  }
0x4: {  	s2 =	simm.s32 $0x0;
	s10 =	simm.s32 $0x2800;
	s11 =	simm.s32 $0x2C00  }
0x5: {  	s12 =	simm.s32 $0x2880;
	s13 =	simm.s32 $0x2900;
	s14 =	simm.s32 $0x2980  }
0x6: {  	s15 =	simm.s32 $0x2A00;
	s16 =	simm.s32 $0x2A80;
	s17 =	simm.s32 $0x2B00  }
0x7: {  	s18 =	simm.s32 $0x2B80;
	s3 =	sand.u32 $0x1, s0;
	s0 =	rddreg [dreg:$0x3]  }
0x8: {  	s21 =	simm.s32 $0x0;
	s8 =	smul.u32 $0x9E0, s19;
	[smem:$0x7FF] =	sst s2  }
0x9: {  	p0 =	sne.s32 s19, $0x0;
	s6 =	sshll.u32 s3, $0x4;
	s3 =	ssub.s32 $0x2, s3  }
0xa: {  	_ =	strace $0x80000047;
	s20 =	sshrl.u32 @!p0 s1, $0x3;
	s7 =	sor.u32 s19, s6  }
0xb: {  	s9 =	sshrl.u32 s3, $0x1;
	s8 =	sshrl.u32 s8, $0x2;
	s5 =	sadd.s32 s5, s6  }
0xc: {  	s19 =	simm.s32 $0x1;
	s7 =	smul.u32 $0x500, s7;
	s9 =	ssub.s32 s3, s9  }
0xd: {  	s3 =	sadd.s32 s8, s1;
	s8 =	simm.s32 $0x2;
	s6 =	smax.u32 s9, $0x1  }
0xe: {  	v0 =	vimm.f32 $0.0e+00;
	v1 =	vimm.f32 $1.000000000e+00;
	s9 =	simm.s32 $0x80;
	s4 =	sadd.s32 s4, s7;
	s7 =	simm.s32 $0x2C80  }
.LBB2_1:
0xf: {  	[tilespmem:$0x2C80] =	vst v0  }
0x10: {  	[tilespmem:$0x2C90] =	vst v0  }
0x11: {  	[tilespmem:$0x2CA0] =	vst v0  }
0x12: {  	[tilespmem:$0x2CB0] =	vst v0  }
0x13: {  	[tilespmem:$0x2CC0] =	vst v0  }
0x14: {  	[tilespmem:$0x2CD0] =	vst v0  }
0x15: {  	[tilespmem:$0x2CE0] =	vst v0  }
0x16: {  	[tilespmem:$0x2CF0] =	vst v0  }
0x17: {  	[tilespmem:$0x2D00] =	vst v0  }
0x18: {  	[tilespmem:$0x2D10] =	vst v0  }
0x19: {  	[tilespmem:$0x2D20] =	vst v0  }
0x1a: {  	[tilespmem:$0x2D30] =	vst v0  }
0x1b: {  	[tilespmem:$0x2D40] =	vst v0  }
0x1c: {  	[tilespmem:$0x2D50] =	vst v0  }
0x1d: {  	[tilespmem:$0x2D60] =	vst v0  }
0x1e: {  	[tilespmem:$0x2D70] =	vst v0  }
0x1f: {  	[tilespmem:$0x2D80] =	vst v0  }
0x20: {  	[tilespmem:$0x2D90] =	vst v0  }
0x21: {  	[tilespmem:$0x2DA0] =	vst v0  }
0x22: {  	[tilespmem:$0x2DB0] =	vst v0  }
0x23: {  	[tilespmem:$0x2DC0] =	vst v0  }
0x24: {  	[tilespmem:$0x2DD0] =	vst v0  }
0x25: {  	[tilespmem:$0x2DE0] =	vst v0  }
0x26: {  	[tilespmem:$0x2DF0] =	vst v0  }
0x27: {  	[tilespmem:$0x2E00] =	vst v0  }
0x28: {  	[tilespmem:$0x2E10] =	vst v0  }
0x29: {  	[tilespmem:$0x2E20] =	vst v0  }
0x2a: {  	[tilespmem:$0x2E30] =	vst v0  }
0x2b: {  	[tilespmem:$0x2E40] =	vst v0  }
0x2c: {  	[tilespmem:$0x2E50] =	vst v0  }
0x2d: {  	[tilespmem:$0x2E60] =	vst v0  }
0x2e: {  	[tilespmem:$0x2E70] =	vst v0  }
0x2f: {  	[tilespmem:$0x2E80] =	vst v0  }
0x30: {  	[tilespmem:$0x2E90] =	vst v0  }
0x31: {  	[tilespmem:$0x2EA0] =	vst v0  }
0x32: {  	[tilespmem:$0x2EB0] =	vst v0  }
0x33: {  	[tilespmem:$0x2EC0] =	vst v0  }
0x34: {  	[tilespmem:$0x2ED0] =	vst v0  }
0x35: {  	[tilespmem:$0x2EE0] =	vst v0  }
0x36: {  	[tilespmem:$0x2EF0] =	vst v0  }
0x37: {  	[tilespmem:$0x2C00] =	vst v1  }
0x38: {  	[tilespmem:$0x2C10] =	vst v1  }
0x39: {  	[tilespmem:$0x2C20] =	vst v1  }
0x3a: {  	[tilespmem:$0x2C30] =	vst v1  }
0x3b: {  	[tilespmem:$0x2C40] =	vst v1  }
0x3c: {  	[tilespmem:$0x2C50] =	vst v1  }
0x3d: {  	[tilespmem:$0x2C60] =	vst v1  }
0x3e: {  	[tilespmem:$0x2C70] =	vst v1  }
0x3f: {  	[spmem:s3] =	stream.linear.scatter [tilespmem:s7], [sflag:$0x2], $0x278, $0x38;
	[tilespmem:$0x3178] =	vst v63  }
0x40: {  	_ =	swait.ge [sflag:s8], $0x278  }
0x41: {  	[sflag:s8] =	ssyncset.done $0x0  }
0x42: {  	[sflag:s8] =	ssyncadd.s32 $0xFFFFFD88  }
0x43: {  	[tilespmem:s2], [sflag:$0x2] =	stream.linear.gather [hbm4b:s4+s2], $0x2800, $0x38;
	[tilespmem:$0x3178] =	vst v63  }
0x44: {  	_ =	swait.ge [sflag:s8], $0x2800  }
0x45: {  	[sflag:s8] =	ssyncset.done $0x0  }
0x46: {  	[sflag:s8] =	ssyncadd.s32 $0xFFFFD800  }
0x47: {  	s22 =	simm.s32 $0x0;
	[bflag:$0x0] =	sbarrier.arrive $0xFFFF  }
.LBB2_2:
0x48: {  	s23 =	sshra.s32 s22, $0x2  }
0x49: {  	v2 =	vld [tilespmem:s23+$0x0];
	_ =	sdelay $0x4  }
0x4a: {  	[tilespmem:$0x2800] =	vst v2  }
0x4b: {  	v2 =	vld [tilespmem:s23+$0x10];
	_ =	sdelay $0x4  }
0x4c: {  	[tilespmem:$0x2810] =	vst v2  }
0x4d: {  	v2 =	vld [tilespmem:s23+$0x20];
	_ =	sdelay $0x4  }
0x4e: {  	[tilespmem:$0x2820] =	vst v2  }
0x4f: {  	v2 =	vld [tilespmem:s23+$0x30];
	_ =	sdelay $0x4  }
0x50: {  	[tilespmem:$0x2830] =	vst v2  }
0x51: {  	v2 =	vld [tilespmem:s23+$0x40];
	_ =	sdelay $0x4  }
0x52: {  	[tilespmem:$0x2840] =	vst v2  }
0x53: {  	v2 =	vld [tilespmem:s23+$0x50];
	_ =	sdelay $0x4  }
0x54: {  	[tilespmem:$0x2850] =	vst v2  }
0x55: {  	v2 =	vld [tilespmem:s23+$0x60];
	_ =	sdelay $0x4  }
0x56: {  	[tilespmem:$0x2860] =	vst v2  }
0x57: {  	v2 =	vld [tilespmem:s23+$0x70];
	_ =	sdelay $0x4  }
0x58: {  	[tilespmem:$0x2870] =	vst v2  }
0x59: {  	[spmem:s1] =	stream.indirect.scatter.add.f32 [tilespmem:s11], [sflag:$0x1], $0x1, s10, s9, $0xb8;
	[tilespmem:$0x3178] =	vst v63  }
0x5a: {  	v2 =	vld [tilespmem:s23+$0x80];
	_ =	sdelay $0x4  }
0x5b: {  	[tilespmem:$0x2880] =	vst v2  }
0x5c: {  	v2 =	vld [tilespmem:s23+$0x90];
	_ =	sdelay $0x4  }
0x5d: {  	[tilespmem:$0x2890] =	vst v2  }
0x5e: {  	v2 =	vld [tilespmem:s23+$0xA0];
	_ =	sdelay $0x4  }
0x5f: {  	[tilespmem:$0x28A0] =	vst v2  }
0x60: {  	v2 =	vld [tilespmem:s23+$0xB0];
	_ =	sdelay $0x4  }
0x61: {  	[tilespmem:$0x28B0] =	vst v2  }
0x62: {  	v2 =	vld [tilespmem:s23+$0xC0];
	_ =	sdelay $0x4  }
0x63: {  	[tilespmem:$0x28C0] =	vst v2  }
0x64: {  	v2 =	vld [tilespmem:s23+$0xD0];
	_ =	sdelay $0x4  }
0x65: {  	[tilespmem:$0x28D0] =	vst v2  }
0x66: {  	v2 =	vld [tilespmem:s23+$0xE0];
	_ =	sdelay $0x4  }
0x67: {  	[tilespmem:$0x28E0] =	vst v2  }
0x68: {  	v2 =	vld [tilespmem:s23+$0xF0];
	_ =	sdelay $0x4  }
0x69: {  	[tilespmem:$0x28F0] =	vst v2  }
0x6a: {  	[spmem:s1] =	stream.indirect.scatter.add.f32 [tilespmem:s11], [sflag:$0x1], $0x1, s12, s9, $0xb8;
	[tilespmem:$0x3178] =	vst v63  }
0x6b: {  	v2 =	vld [tilespmem:s23+$0x100];
	_ =	sdelay $0x4  }
0x6c: {  	[tilespmem:$0x2900] =	vst v2  }
0x6d: {  	v2 =	vld [tilespmem:s23+$0x110];
	_ =	sdelay $0x4  }
0x6e: {  	[tilespmem:$0x2910] =	vst v2  }
0x6f: {  	v2 =	vld [tilespmem:s23+$0x120];
	_ =	sdelay $0x4  }
0x70: {  	[tilespmem:$0x2920] =	vst v2  }
0x71: {  	v2 =	vld [tilespmem:s23+$0x130];
	_ =	sdelay $0x4  }
0x72: {  	[tilespmem:$0x2930] =	vst v2  }
0x73: {  	v2 =	vld [tilespmem:s23+$0x140];
	_ =	sdelay $0x4  }
0x74: {  	[tilespmem:$0x2940] =	vst v2  }
0x75: {  	v2 =	vld [tilespmem:s23+$0x150];
	_ =	sdelay $0x4  }
0x76: {  	[tilespmem:$0x2950] =	vst v2  }
0x77: {  	v2 =	vld [tilespmem:s23+$0x160];
	_ =	sdelay $0x4  }
0x78: {  	[tilespmem:$0x2960] =	vst v2  }
0x79: {  	v2 =	vld [tilespmem:s23+$0x170];
	_ =	sdelay $0x4  }
0x7a: {  	[tilespmem:$0x2970] =	vst v2  }
0x7b: {  	[spmem:s1] =	stream.indirect.scatter.add.f32 [tilespmem:s11], [sflag:$0x1], $0x1, s13, s9, $0xb8;
	[tilespmem:$0x3178] =	vst v63  }
0x7c: {  	v2 =	vld [tilespmem:s23+$0x180];
	_ =	sdelay $0x4  }
0x7d: {  	[tilespmem:$0x2980] =	vst v2  }
0x7e: {  	v2 =	vld [tilespmem:s23+$0x190];
	_ =	sdelay $0x4  }
0x7f: {  	[tilespmem:$0x2990] =	vst v2  }
0x80: {  	v2 =	vld [tilespmem:s23+$0x1A0];
	_ =	sdelay $0x4  }
0x81: {  	[tilespmem:$0x29A0] =	vst v2  }
0x82: {  	v2 =	vld [tilespmem:s23+$0x1B0];
	_ =	sdelay $0x4  }
0x83: {  	[tilespmem:$0x29B0] =	vst v2  }
0x84: {  	v2 =	vld [tilespmem:s23+$0x1C0];
	_ =	sdelay $0x4  }
0x85: {  	[tilespmem:$0x29C0] =	vst v2  }
0x86: {  	v2 =	vld [tilespmem:s23+$0x1D0];
	_ =	sdelay $0x4  }
0x87: {  	[tilespmem:$0x29D0] =	vst v2  }
0x88: {  	v2 =	vld [tilespmem:s23+$0x1E0];
	_ =	sdelay $0x4  }
0x89: {  	[tilespmem:$0x29E0] =	vst v2  }
0x8a: {  	v2 =	vld [tilespmem:s23+$0x1F0];
	_ =	sdelay $0x4  }
0x8b: {  	[tilespmem:$0x29F0] =	vst v2  }
0x8c: {  	[spmem:s1] =	stream.indirect.scatter.add.f32 [tilespmem:s11], [sflag:$0x1], $0x1, s14, s9, $0xb8;
	[tilespmem:$0x3178] =	vst v63  }
0x8d: {  	v2 =	vld [tilespmem:s23+$0x200];
	_ =	sdelay $0x4  }
0x8e: {  	[tilespmem:$0x2A00] =	vst v2  }
0x8f: {  	v2 =	vld [tilespmem:s23+$0x210];
	_ =	sdelay $0x4  }
0x90: {  	[tilespmem:$0x2A10] =	vst v2  }
0x91: {  	v2 =	vld [tilespmem:s23+$0x220];
	_ =	sdelay $0x4  }
0x92: {  	[tilespmem:$0x2A20] =	vst v2  }
0x93: {  	v2 =	vld [tilespmem:s23+$0x230];
	_ =	sdelay $0x4  }
0x94: {  	[tilespmem:$0x2A30] =	vst v2  }
0x95: {  	v2 =	vld [tilespmem:s23+$0x240];
	_ =	sdelay $0x4  }
0x96: {  	[tilespmem:$0x2A40] =	vst v2  }
0x97: {  	v2 =	vld [tilespmem:s23+$0x250];
	_ =	sdelay $0x4  }
0x98: {  	[tilespmem:$0x2A50] =	vst v2  }
0x99: {  	v2 =	vld [tilespmem:s23+$0x260];
	_ =	sdelay $0x4  }
0x9a: {  	[tilespmem:$0x2A60] =	vst v2  }
0x9b: {  	v2 =	vld [tilespmem:s23+$0x270];
	_ =	sdelay $0x4  }
0x9c: {  	[tilespmem:$0x2A70] =	vst v2  }
0x9d: {  	[spmem:s1] =	stream.indirect.scatter.add.f32 [tilespmem:s11], [sflag:$0x1], $0x1, s15, s9, $0xb8;
	[tilespmem:$0x3178] =	vst v63  }
0x9e: {  	v2 =	vld [tilespmem:s23+$0x280];
	_ =	sdelay $0x4  }
0x9f: {  	[tilespmem:$0x2A80] =	vst v2  }
0xa0: {  	v2 =	vld [tilespmem:s23+$0x290];
	_ =	sdelay $0x4  }
0xa1: {  	[tilespmem:$0x2A90] =	vst v2  }
0xa2: {  	v2 =	vld [tilespmem:s23+$0x2A0];
	_ =	sdelay $0x4  }
0xa3: {  	[tilespmem:$0x2AA0] =	vst v2  }
0xa4: {  	v2 =	vld [tilespmem:s23+$0x2B0];
	_ =	sdelay $0x4  }
0xa5: {  	[tilespmem:$0x2AB0] =	vst v2  }
0xa6: {  	v2 =	vld [tilespmem:s23+$0x2C0];
	_ =	sdelay $0x4  }
0xa7: {  	[tilespmem:$0x2AC0] =	vst v2  }
0xa8: {  	v2 =	vld [tilespmem:s23+$0x2D0];
	_ =	sdelay $0x4  }
0xa9: {  	[tilespmem:$0x2AD0] =	vst v2  }
0xaa: {  	v2 =	vld [tilespmem:s23+$0x2E0];
	_ =	sdelay $0x4  }
0xab: {  	[tilespmem:$0x2AE0] =	vst v2  }
0xac: {  	v2 =	vld [tilespmem:s23+$0x2F0];
	_ =	sdelay $0x4  }
0xad: {  	[tilespmem:$0x2AF0] =	vst v2  }
0xae: {  	[spmem:s1] =	stream.indirect.scatter.add.f32 [tilespmem:s11], [sflag:$0x1], $0x1, s16, s9, $0xb8;
	[tilespmem:$0x3178] =	vst v63  }
0xaf: {  	v2 =	vld [tilespmem:s23+$0x300];
	_ =	sdelay $0x4  }
0xb0: {  	[tilespmem:$0x2B00] =	vst v2  }
0xb1: {  	v2 =	vld [tilespmem:s23+$0x310];
	_ =	sdelay $0x4  }
0xb2: {  	[tilespmem:$0x2B10] =	vst v2  }
0xb3: {  	v2 =	vld [tilespmem:s23+$0x320];
	_ =	sdelay $0x4  }
0xb4: {  	[tilespmem:$0x2B20] =	vst v2  }
0xb5: {  	v2 =	vld [tilespmem:s23+$0x330];
	_ =	sdelay $0x4  }
0xb6: {  	[tilespmem:$0x2B30] =	vst v2  }
0xb7: {  	v2 =	vld [tilespmem:s23+$0x340];
	_ =	sdelay $0x4  }
0xb8: {  	[tilespmem:$0x2B40] =	vst v2  }
0xb9: {  	v2 =	vld [tilespmem:s23+$0x350];
	_ =	sdelay $0x4  }
0xba: {  	[tilespmem:$0x2B50] =	vst v2  }
0xbb: {  	v2 =	vld [tilespmem:s23+$0x360];
	_ =	sdelay $0x4  }
0xbc: {  	[tilespmem:$0x2B60] =	vst v2  }
0xbd: {  	v2 =	vld [tilespmem:s23+$0x370];
	_ =	sdelay $0x4  }
0xbe: {  	[tilespmem:$0x2B70] =	vst v2  }
0xbf: {  	[spmem:s1] =	stream.indirect.scatter.add.f32 [tilespmem:s11], [sflag:$0x1], $0x1, s17, s9, $0xb8;
	[tilespmem:$0x3178] =	vst v63  }
0xc0: {  	v2 =	vld [tilespmem:s23+$0x380];
	_ =	sdelay $0x4  }
0xc1: {  	[tilespmem:$0x2B80] =	vst v2  }
0xc2: {  	v2 =	vld [tilespmem:s23+$0x390];
	_ =	sdelay $0x4  }
0xc3: {  	[tilespmem:$0x2B90] =	vst v2  }
0xc4: {  	v2 =	vld [tilespmem:s23+$0x3A0];
	_ =	sdelay $0x4  }
0xc5: {  	[tilespmem:$0x2BA0] =	vst v2  }
0xc6: {  	v2 =	vld [tilespmem:s23+$0x3B0];
	_ =	sdelay $0x4  }
0xc7: {  	[tilespmem:$0x2BB0] =	vst v2  }
0xc8: {  	v2 =	vld [tilespmem:s23+$0x3C0];
	_ =	sdelay $0x4  }
0xc9: {  	[tilespmem:$0x2BC0] =	vst v2  }
0xca: {  	v2 =	vld [tilespmem:s23+$0x3D0];
	_ =	sdelay $0x4  }
0xcb: {  	[tilespmem:$0x2BD0] =	vst v2  }
0xcc: {  	v2 =	vld [tilespmem:s23+$0x3E0];
	_ =	sdelay $0x4  }
0xcd: {  	[tilespmem:$0x2BE0] =	vst v2  }
0xce: {  	v2 =	vld [tilespmem:s23+$0x3F0];
	_ =	sdelay $0x4  }
0xcf: {  	[tilespmem:$0x2BF0] =	vst v2  }
0xd0: {  	[spmem:s1] =	stream.indirect.scatter.add.f32 [tilespmem:s11], [sflag:$0x1], $0x1, s18, s9, $0xb8;
	[tilespmem:$0x3178] =	vst v63  }
0xd1: {  	_ =	swait.ge [sflag:s19], $0x80  }
0xd2: {  	[sflag:s19] =	ssyncset.done $0x0  }
0xd3: {  	[sflag:s19] =	ssyncadd.s32 $0xFFFFFF80  }
0xd4: {  	_ =	swait.ge [sflag:s19], $0x80  }
0xd5: {  	[sflag:s19] =	ssyncset.done $0x0  }
0xd6: {  	[sflag:s19] =	ssyncadd.s32 $0xFFFFFF80  }
0xd7: {  	_ =	swait.ge [sflag:s19], $0x80  }
0xd8: {  	[sflag:s19] =	ssyncset.done $0x0  }
0xd9: {  	[sflag:s19] =	ssyncadd.s32 $0xFFFFFF80  }
0xda: {  	_ =	swait.ge [sflag:s19], $0x80  }
0xdb: {  	[sflag:s19] =	ssyncset.done $0x0  }
0xdc: {  	[sflag:s19] =	ssyncadd.s32 $0xFFFFFF80  }
0xdd: {  	_ =	swait.ge [sflag:s19], $0x80  }
0xde: {  	[sflag:s19] =	ssyncset.done $0x0  }
0xdf: {  	[sflag:s19] =	ssyncadd.s32 $0xFFFFFF80  }
0xe0: {  	_ =	swait.ge [sflag:s19], $0x80  }
0xe1: {  	[sflag:s19] =	ssyncset.done $0x0  }
0xe2: {  	[sflag:s19] =	ssyncadd.s32 $0xFFFFFF80  }
0xe3: {  	p1 =	sne.s32 s22, $0x9000;
	_ =	swait.ge [sflag:s19], $0x80  }
.Ltmp0:
0xe4: {  	[sflag:s19] =	ssyncset.done $0x0;
	(pc) =	sbr.rel @p1 .LBB2_2-.Ltmp0, $4  }
0xe5: {  	[sflag:s19] =	ssyncadd.s32 $0xFFFFFF80  }
0xe6: {  	_ =	swait.ge [sflag:s19], $0x80  }
0xe7: {  	[sflag:s19] =	ssyncset.done $0x0  }
0xe8: {  	s22 =	sadd.s32 $0x1000, s22;
	[sflag:s19] =	ssyncadd.s32 $0xFFFFFF80  }
0xe9: {  	[bflag:$0x0] =	sbarrier.arrive $0xFFFF;
	s22 =	simm.s32 @!p0 $0x1;
	s23 =	simm.s32 @!p0 $0x20  }
0xea: {  	s24 =	simm.s32 @!p0 $0x10;
	s25 =	simm.s32 @!p0 $0x1C02;
	s21 =	sadd.s32 $0x1, s21  }
0xeb: {  	[hbm:s5@s23], [sflag:s25] =	dma.strided @!p0 [spmem:s20@s24], $0x4F0, s22, $0x10   }
0xec: {  	p1 =	sne.s32 s21, s6  }
.Ltmp1:
0xed: {  	_ = 	snop;
	(pc) =	sbr.rel @p1 .LBB2_1-.Ltmp1, $4  }
0xee: {  	s22 =	simm.s32 @!p0 $0x2  }
0xef: {  	_ =	swait.ge @!p0 [sflag:s22], $0x4F0  }
0xf0: {  	[sflag:s22] =	ssyncset.done @!p0 $0x0  }
0xf1: {  	[sflag:s22] =	ssyncadd.s32 @!p0 $0xFFFFFB10  }
0xf2: {  	_ =	sfence.sel $0x180000  }
0xf3: {  	[bflag:$0x0] =	sbarrier.arrive $0xFFFF  }
0xf4: {  	_ =	strace $0x90000047  }
0xf5: {  	s0 =	sadd.s32 @!p0 $0x100000, s0;
	[bflag:$0x2] =	sbarrier.arrive $0xFFFF  }
0xf6: {  	[sflag:s0] =	ssyncadd.tile.s32 @!p0 $0x1;
	_ =	shalt  }
.Lfunc_end2:
_tile_overlayer_lowered:
.L_overlay_start_2:
0xf7: {  	(tag) =	ssettag $0x2  }
0xf8: {  	s0 =	rddreg [dreg:$0x0];
	s2 =	stileid.u32  }
0xf9: {  	s1 =	rddreg [dreg:$0x1];
	p0 =	sne.s32 s2, $0x0  }
0xfa: {  	s3 =	rddreg [dreg:$0x2];
	[bflag:$0x3] =	sbarrier.arrive $0xFFFF;
	s2 =	simm.s32 @!p0 $0x1C02  }
0xfb: {  	[timem:s3], [sflag:s2] =	dma.local @!p0 [hbm:s0], s1  }
0xfc: {  	s0 =	simm.s32 @!p0 $0x2  }
0xfd: {  	_ =	swait.ge @!p0 [sflag:s0], s1  }
0xfe: {  	s1 =	ssub.s32 @!p0 $0x0, s1;
	[sflag:s0] =	ssyncset.done @!p0 $0x0  }
0xff: {  	[sflag:s0] =	ssyncadd.s32 @!p0 s1  }
0x100: {  	[bflag:$0x3] =	sbarrier.arrive $0xFFFF  }
0x101: {  	_ =	shalt  }

</sc_bundles>
